<compile_context>
chip_gen: v7x
topology: tpu7x:2x2x1
jax: 0.10.2.dev20260603
libtpu: 0.0.44.dev20260713+nightly
codegen_flags: <defaults>
</compile_context>

<pallas_src>
import functools

import jax
import jax.numpy as jnp
from jax import lax
from jax.experimental import pallas as pl
from jax.experimental.pallas import tpu as pltpu
from jax.experimental.pallas import tpu_sc as plsc

N = 10000
E = 320000
D = 128
H1 = 16

NC = 2
NS = 16
NW = NC * NS
W = 128
NROW = E // W
NWIN = NROW // NW
XTRA = NROW - NWIN * NW
K = 6
GB = NWIN // K
R8 = N // 8
CH = 624
CHL = N - (NS - 1) * CH


def _proj1_body(x_ref, w_ref, y1_ref, z1_ref):
    yz = lax.dot_general(x_ref[...], w_ref[...], (((1,), (1,)), ((), ())),
                         preferred_element_type=jnp.float32)
    y1_ref[...] = yz[:, :H1]
    z1_ref[...] = yz[:, H1:]


def _proj1(x, Wcat):
    return pl.pallas_call(
        _proj1_body,
        out_shape=[jax.ShapeDtypeStruct((N, H1), jnp.float32),
                   jax.ShapeDtypeStruct((N, H1), jnp.float32)],
    )(x, Wcat)


def _sc_pass1_body(y1_hbm, src2_hbm, dst2_hbm, z2d_hbm, z1d_hbm,
                   agg_out, deg_out,
                   sidx, didx, rbuf, ones_v, table_sh, accum_sh, deg_sh,
                   sem_i, sem_g, sem_o, sem_s):
    c = lax.axis_index("c")
    s = lax.axis_index("s")
    wid = c * NS + s

    xrow = jnp.where(wid < XTRA, NWIN * NW + wid, 0)
    di1 = pltpu.async_copy(src2_hbm.at[pl.ds(wid * NWIN, NWIN)],
                           sidx.at[pl.ds(0, NWIN)], sem_i)
    di2 = pltpu.async_copy(dst2_hbm.at[pl.ds(wid * NWIN, NWIN)],
                           didx.at[pl.ds(0, NWIN)], sem_i)
    di3 = pltpu.async_copy(src2_hbm.at[pl.ds(xrow, 1)],
                           sidx.at[pl.ds(NWIN, 1)], sem_i)
    di4 = pltpu.async_copy(dst2_hbm.at[pl.ds(xrow, 1)],
                           didx.at[pl.ds(NWIN, 1)], sem_i)

    r0 = s * CH

    @pl.when(s < NS - 1)
    def _():
        pltpu.sync_copy(y1_hbm.at[pl.ds(r0, CH)], table_sh.at[pl.ds(r0, CH)])
        pltpu.sync_copy(z2d_hbm.at[pl.ds(r0, CH)], accum_sh.at[pl.ds(r0, CH)])
        pltpu.sync_copy(z1d_hbm.at[pl.ds(r0, CH)], deg_sh.at[pl.ds(r0, CH)])

    @pl.when(s == NS - 1)
    def _():
        pltpu.sync_copy(y1_hbm.at[pl.ds(r0, CHL)], table_sh.at[pl.ds(r0, CHL)])
        pltpu.sync_copy(z2d_hbm.at[pl.ds(r0, CHL)],
                        accum_sh.at[pl.ds(r0, CHL)])
        pltpu.sync_copy(z1d_hbm.at[pl.ds(r0, CHL)],
                        deg_sh.at[pl.ds(r0, CHL)])

    for i in range(W // 16):
        ones_v[pl.ds(i * 16, 16)] = jnp.ones((16,), jnp.float32)

    di1.wait()
    di2.wait()
    di3.wait()
    di4.wait()
    plsc.subcore_barrier()

    def batch(g, carry):
        base = g * K
        gds = [pltpu.async_copy(table_sh.at[sidx.at[base + i]], rbuf.at[i],
                                sem_g)
               for i in range(K)]
        ods = [pltpu.async_copy(ones_v, deg_sh.at[didx.at[base + i]], sem_o,
                                add=True)
               for i in range(K)]
        sds = []
        for i in range(K):
            gds[i].wait()
            sds.append(pltpu.async_copy(rbuf.at[i],
                                        accum_sh.at[didx.at[base + i]],
                                        sem_s, add=True))
        for d in ods:
            d.wait()
        for d in sds:
            d.wait()
        return carry

    lax.fori_loop(0, GB, batch, 0)

    @pl.when(wid < XTRA)
    def _():
        gd = pltpu.async_copy(table_sh.at[sidx.at[NWIN]], rbuf.at[0], sem_g)
        od = pltpu.async_copy(ones_v, deg_sh.at[didx.at[NWIN]], sem_o,
                              add=True)
        gd.wait()
        sd = pltpu.async_copy(rbuf.at[0], accum_sh.at[didx.at[NWIN]], sem_s,
                              add=True)
        od.wait()
        sd.wait()

    plsc.subcore_barrier()

    @pl.when(s < NS - 1)
    def _():
        pltpu.sync_copy(accum_sh.at[pl.ds(r0, CH)],
                        agg_out.at[c, pl.ds(r0, CH)])
        pltpu.sync_copy(deg_sh.at[pl.ds(r0, CH)],
                        deg_out.at[c, pl.ds(r0, CH)])

    @pl.when(s == NS - 1)
    def _():
        pltpu.sync_copy(accum_sh.at[pl.ds(r0, CHL)],
                        agg_out.at[c, pl.ds(r0, CHL)])
        pltpu.sync_copy(deg_sh.at[pl.ds(r0, CHL)],
                        deg_out.at[c, pl.ds(r0, CHL)])


def _sc_pass1(y1, src2, dst2, z2d, z1d):
    mesh = plsc.VectorSubcoreMesh(core_axis_name="c", subcore_axis_name="s")
    return pl.kernel(
        _sc_pass1_body,
        out_type=[jax.ShapeDtypeStruct((NC, N, H1), jnp.float32),
                  jax.ShapeDtypeStruct((NC, N), jnp.float32)],
        mesh=mesh,
        compiler_params=pltpu.CompilerParams(use_tc_tiling_on_sc=False),
        scratch_types=[
            pltpu.VMEM((NWIN + 1, W), jnp.int32),
            pltpu.VMEM((NWIN + 1, W), jnp.int32),
            pltpu.VMEM((K, W, H1), jnp.float32),
            pltpu.VMEM((W,), jnp.float32),
            pltpu.VMEM_SHARED((N, H1), jnp.float32),
            pltpu.VMEM_SHARED((N, H1), jnp.float32),
            pltpu.VMEM_SHARED((N,), jnp.float32),
            pltpu.SemaphoreType.DMA,
            pltpu.SemaphoreType.DMA,
            pltpu.SemaphoreType.DMA,
            pltpu.SemaphoreType.DMA,
        ],
    )(y1, src2, dst2, z2d, z1d)


def _mid_body(aggp_ref, degp_ref, z1_ref, bl1_ref, exp_ref, bwl2_ref,
              bwr2_ref, bl2_ref, y2_ref, z2_ref, inv_ref):
    deg = degp_ref[0] + degp_ref[1]
    inv = 1.0 / jnp.maximum(deg, 1.0)
    invw = lax.dot_general(inv, exp_ref[...], (((1,), (0,)), ((), ())),
                           preferred_element_type=jnp.float32)
    agg = aggp_ref[0] + aggp_ref[1]
    h = jnp.maximum(agg * invw + bl1_ref[...] + z1_ref[...], 0.0)
    y2_ref[...] = lax.dot_general(h, bwl2_ref[...], (((1,), (0,)), ((), ())),
                                  preferred_element_type=jnp.float32)
    z2_ref[...] = lax.dot_general(h, bwr2_ref[...], (((1,), (0,)), ((), ())),
                                  preferred_element_type=jnp.float32) + bl2_ref[0]
    inv_ref[...] = inv


def _mid(aggp, degp, z1, bl1t, expm, Bwl2, Bwr2, bl2):
    return pl.pallas_call(
        _mid_body,
        out_shape=[jax.ShapeDtypeStruct((R8, 8), jnp.float32),
                   jax.ShapeDtypeStruct((R8, 8), jnp.float32),
                   jax.ShapeDtypeStruct((R8, 8), jnp.float32)],
    )(aggp, degp, z1, bl1t, expm, Bwl2, Bwr2, bl2)


def _sc_pass2_body(y2_hbm, src2_hbm, dst2_hbm, z1d_hbm,
                   agg_out,
                   sidx, didx, vbuf, table_sh, accum_sh,
                   sem_i, sem_g, sem_s):
    c = lax.axis_index("c")
    s = lax.axis_index("s")
    wid = c * NS + s

    xrow = jnp.where(wid < XTRA, NWIN * NW + wid, 0)
    di1 = pltpu.async_copy(src2_hbm.at[pl.ds(wid * NWIN, NWIN)],
                           sidx.at[pl.ds(0, NWIN)], sem_i)
    di2 = pltpu.async_copy(dst2_hbm.at[pl.ds(wid * NWIN, NWIN)],
                           didx.at[pl.ds(0, NWIN)], sem_i)
    di3 = pltpu.async_copy(src2_hbm.at[pl.ds(xrow, 1)],
                           sidx.at[pl.ds(NWIN, 1)], sem_i)
    di4 = pltpu.async_copy(dst2_hbm.at[pl.ds(xrow, 1)],
                           didx.at[pl.ds(NWIN, 1)], sem_i)

    r0 = s * CH

    @pl.when(s < NS - 1)
    def _():
        pltpu.sync_copy(y2_hbm.at[pl.ds(r0, CH)], table_sh.at[pl.ds(r0, CH)])
        pltpu.sync_copy(z1d_hbm.at[pl.ds(r0, CH)], accum_sh.at[pl.ds(r0, CH)])

    @pl.when(s == NS - 1)
    def _():
        pltpu.sync_copy(y2_hbm.at[pl.ds(r0, CHL)], table_sh.at[pl.ds(r0, CHL)])
        pltpu.sync_copy(z1d_hbm.at[pl.ds(r0, CHL)],
                        accum_sh.at[pl.ds(r0, CHL)])

    di1.wait()
    di2.wait()
    di3.wait()
    di4.wait()
    plsc.subcore_barrier()

    def batch(g, carry):
        base = g * K
        gds = [pltpu.async_copy(table_sh.at[sidx.at[base + i]], vbuf.at[i],
                                sem_g)
               for i in range(K)]
        sds = []
        for i in range(K):
            gds[i].wait()
            sds.append(pltpu.async_copy(vbuf.at[i],
                                        accum_sh.at[didx.at[base + i]],
                                        sem_s, add=True))
        for d in sds:
            d.wait()
        return carry

    lax.fori_loop(0, GB, batch, 0)

    @pl.when(wid < XTRA)
    def _():
        gd = pltpu.async_copy(table_sh.at[sidx.at[NWIN]], vbuf.at[0], sem_g)
        gd.wait()
        sd = pltpu.async_copy(vbuf.at[0], accum_sh.at[didx.at[NWIN]], sem_s,
                              add=True)
        sd.wait()

    plsc.subcore_barrier()

    @pl.when(s < NS - 1)
    def _():
        pltpu.sync_copy(accum_sh.at[pl.ds(r0, CH)],
                        agg_out.at[c, pl.ds(r0, CH)])

    @pl.when(s == NS - 1)
    def _():
        pltpu.sync_copy(accum_sh.at[pl.ds(r0, CHL)],
                        agg_out.at[c, pl.ds(r0, CHL)])


def _sc_pass2(y2, src2, dst2, z1d):
    mesh = plsc.VectorSubcoreMesh(core_axis_name="c", subcore_axis_name="s")
    return pl.kernel(
        _sc_pass2_body,
        out_type=jax.ShapeDtypeStruct((NC, N), jnp.float32),
        mesh=mesh,
        compiler_params=pltpu.CompilerParams(use_tc_tiling_on_sc=False),
        scratch_types=[
            pltpu.VMEM((NWIN + 1, W), jnp.int32),
            pltpu.VMEM((NWIN + 1, W), jnp.int32),
            pltpu.VMEM((K, W), jnp.float32),
            pltpu.VMEM_SHARED((N,), jnp.float32),
            pltpu.VMEM_SHARED((N,), jnp.float32),
            pltpu.SemaphoreType.DMA,
            pltpu.SemaphoreType.DMA,
            pltpu.SemaphoreType.DMA,
        ],
    )(y2, src2, dst2, z1d)


def _final_body(agg2p_ref, inv_ref, z2_ref, o_ref):
    o_ref[...] = (agg2p_ref[0] + agg2p_ref[1]) * inv_ref[...] + z2_ref[...]


def _final(agg2p, inv, z2):
    return pl.pallas_call(
        _final_body,
        out_shape=jax.ShapeDtypeStruct((R8, 8), jnp.float32),
    )(agg2p, inv, z2)


def kernel(x, edge_index, Wl1, bl1, Wr1, Wl2, bl2, Wr2):
    src2 = edge_index[0].reshape(NROW, W)
    dst2 = edge_index[1].reshape(NROW, W)
    z2d = jnp.zeros((N, H1), jnp.float32)
    z1d = jnp.zeros((N,), jnp.float32)
    Wcat = jnp.concatenate([Wl1, Wr1], axis=0)

    lanes = jnp.arange(W, dtype=jnp.int32)
    blk = lanes[:, None] // H1 == jnp.arange(8, dtype=jnp.int32)[None, :]
    expm = blk.astype(jnp.float32).T
    Bwl2 = jnp.where(blk, jnp.tile(Wl2[0], 8)[:, None], 0.0)
    Bwr2 = jnp.where(blk, jnp.tile(Wr2[0], 8)[:, None], 0.0)
    bl1t = jnp.tile(bl1, 8)

    y1, z1 = _proj1(x, Wcat)
    aggp, degp = _sc_pass1(y1, src2, dst2, z2d, z1d)
    y2, z2, inv = _mid(aggp.reshape(NC, R8, D), degp.reshape(NC, R8, 8),
                       z1.reshape(R8, D), bl1t, expm, Bwl2, Bwr2, bl2)
    agg2p = _sc_pass2(y2.reshape(N), src2, dst2, z1d)
    out = _final(agg2p.reshape(NC, R8, 8), inv, z2)
    return out.reshape(N, 1)

# --- scband reference (transcript-rebuilt; emitter-appended) ---
"""Pipeline reference for scband-graph-sage-37426345017677 (READ-ONLY COPY).

The authoritative reference and input builder live on the scoring server;
editing this copy changes nothing except your own understanding.
"""

import jax, jax.numpy as jnp
import numpy as np

N_NODES = 10000
N_EDGES = 320000
D_IN = 16 * 8  # 128
H1 = 16
H2 = 1


def setup_inputs(seed: int = 0) -> dict:
    key = jax.random.key(seed)
    ks = jax.random.split(key, 8)
    x = jax.random.normal(ks[0], (N_NODES, D_IN), dtype=jnp.float32)
    edge_index = jax.random.randint(ks[1], (2, N_EDGES), 0, N_NODES, dtype=jnp.int32)
    s1 = 1.0 / np.sqrt(D_IN)
    Wl1 = jax.random.uniform(ks[2], (H1, D_IN), minval=-s1, maxval=s1, dtype=jnp.float32)
    bl1 = jax.random.uniform(ks[3], (H1,), minval=-s1, maxval=s1, dtype=jnp.float32)
    Wr1 = jax.random.uniform(ks[4], (H1, D_IN), minval=-s1, maxval=s1, dtype=jnp.float32)
    s2 = 1.0 / np.sqrt(H1)
    Wl2 = jax.random.uniform(ks[5], (H2, H1), minval=-s2, maxval=s2, dtype=jnp.float32)
    bl2 = jax.random.uniform(ks[6], (H2,), minval=-s2, maxval=s2, dtype=jnp.float32)
    Wr2 = jax.random.uniform(ks[7], (H2, H1), minval=-s2, maxval=s2, dtype=jnp.float32)
    return {"x": x, "edge_index": edge_index, "Wl1": Wl1, "bl1": bl1, "Wr1": Wr1,
            "Wl2": Wl2, "bl2": bl2, "Wr2": Wr2}


def _sage_conv(x, edge_index, Wl, bl, Wr):
    # PyG SAGEConv (aggr='mean', root_weight=True):
    #   out_i = Wl @ mean_{j in N(i)} x_j + bl + Wr @ x_i
    src = edge_index[0]
    dst = edge_index[1]
    msg = jnp.take(x, src, axis=0)                                  # gather (SparseCore)
    agg = jax.ops.segment_sum(msg, dst, num_segments=N_NODES)       # scatter-add
    deg = jax.ops.segment_sum(jnp.ones((msg.shape[0],), dtype=x.dtype), dst,
                              num_segments=N_NODES)
    mean = agg / jnp.clip(deg, 1.0, None)[:, None]
    return mean @ Wl.T + bl + x @ Wr.T


def reference(x, edge_index, Wl1, bl1, Wr1, Wl2, bl2, Wr2):
    h = _sage_conv(x, edge_index, Wl1, bl1, Wr1)
    h = jax.nn.relu(h)
    # F.dropout(training=self.training) is identity in eval mode
    out = _sage_conv(h, edge_index, Wl2, bl2, Wr2)
    return out

if __name__ == "__main__":
    import jax
    _d = setup_inputs()
    print(jax.jit(kernel)(*tuple(_d.values())))

</pallas_src>

<mosaic_0001>
#map = affine_map<(d0, d1) -> (0, 0)>
#map1 = affine_map<(d0, d1) -> (0)>
#map2 = affine_map<(d0, d1) -> (0, 0, 0)>
module attributes {stable_mosaic.version = 14 : i64} {
  func.func @_sc_pass1_body(%arg0: i32, %arg1: i32, %arg2: memref<10000x16xf32, #tpu.memory_space<hbm>>, %arg3: memref<2500x128xi32, #tpu.memory_space<hbm>>, %arg4: memref<2500x128xi32, #tpu.memory_space<hbm>>, %arg5: memref<10000x16xf32, #tpu.memory_space<hbm>>, %arg6: memref<10000xf32, #tpu.memory_space<hbm>>, %arg7: memref<2x10000x16xf32, #tpu.memory_space<hbm>>, %arg8: memref<2x10000xf32, #tpu.memory_space<hbm>>, %arg9: memref<79x128xi32, #tpu.memory_space<vmem>>, %arg10: memref<79x128xi32, #tpu.memory_space<vmem>>, %arg11: memref<6x128x16xf32, #tpu.memory_space<vmem>>, %arg12: memref<128xf32, #tpu.memory_space<vmem>>, %arg13: memref<10000x16xf32, #tpu.memory_space<vmem_shared>>, %arg14: memref<10000x16xf32, #tpu.memory_space<vmem_shared>>, %arg15: memref<10000xf32, #tpu.memory_space<vmem_shared>>, %arg16: memref<!tpu.dma_semaphore, #tpu.memory_space<semaphore_mem>>, %arg17: memref<!tpu.dma_semaphore, #tpu.memory_space<semaphore_mem>>, %arg18: memref<!tpu.dma_semaphore, #tpu.memory_space<semaphore_mem>>, %arg19: memref<!tpu.dma_semaphore, #tpu.memory_space<semaphore_mem>>) attributes {dimension_semantics = [#tpu.dimension_semantics<core_parallel>, #tpu.dimension_semantics<subcore_parallel>], iteration_bounds = array<i64: 2, 16>, scalar_prefetch = 0 : i64, scratch_operands = 11 : i64, tpu.core_type = #tpu.core_type<sc_vector_subcore>, window_params = [{transform_indices = #map}, {transform_indices = #map}, {transform_indices = #map}, {transform_indices = #map}, {transform_indices = #map1}, {transform_indices = #map2}, {transform_indices = #map}]} {
    %mul3A = arith.constant 16 : i32
    %mul3A_0 = arith.muli %arg0, %mul3A : i32
    %add3A = arith.addi %mul3A_0, %arg1 : i32
    %lt3A = arith.constant 4 : i32
    %lt3A_1 = arith.cmpi slt, %add3A, %lt3A : i32
    %add3A_2 = arith.constant 2496 : i32
    %add3A_3 = arith.addi %add3A_2, %add3A : i32
    %jit3A = arith.constant 0 : i32
    %select_n3A = arith.select %lt3A_1, %add3A_3, %jit3A : i32
    %mul3A_4 = arith.constant 78 : i32
    %mul3A_5 = arith.muli %add3A, %mul3A_4 : i32
    %dma_start3A = arith.constant 0 : i32
    %dma_start3A_6 = arith.constant 0 : i32
    %dma_start3A_7 = tpu.memref_slice %arg9[%dma_start3A, %dma_start3A_6] : memref<79x128xi32, #tpu.memory_space<vmem>> -> memref<78x128xi32, #tpu.memory_space<vmem>>
    %dma_start3A_8 = arith.constant 0 : i32
    %dma_start3A_9 = tpu.memref_slice %arg3[%mul3A_5, %dma_start3A_8] : memref<2500x128xi32, #tpu.memory_space<hbm>> -> memref<78x128xi32, #tpu.memory_space<hbm>>
    %dma_start3A_10 = arith.constant 0 : i32
    %dma_start3A_11 = arith.constant 0 : i32
    %dma_start3A_12 = tpu.memref_slice %arg9[%dma_start3A_10, %dma_start3A_11] : memref<79x128xi32, #tpu.memory_space<vmem>> -> memref<78x128xi32, #tpu.memory_space<vmem>>
    %dma_start3A_13 = arith.constant 0 : i32
    %dma_start3A_14 = tpu.memref_slice %arg3[%mul3A_5, %dma_start3A_13] : memref<2500x128xi32, #tpu.memory_space<hbm>> -> memref<78x128xi32, #tpu.memory_space<hbm>>
    tpu.enqueue_dma source(%dma_start3A_14 : memref<78x128xi32, #tpu.memory_space<hbm>>) target(%dma_start3A_12 : memref<78x128xi32, #tpu.memory_space<vmem>>) target_semaphore(%arg16 : memref<!tpu.dma_semaphore, #tpu.memory_space<semaphore_mem>>)
    %mul3A_15 = arith.constant 78 : i32
    %mul3A_16 = arith.muli %add3A, %mul3A_15 : i32
    %dma_start3A_17 = arith.constant 0 : i32
    %dma_start3A_18 = arith.constant 0 : i32
    %dma_start3A_19 = tpu.memref_slice %arg10[%dma_start3A_17, %dma_start3A_18] : memref<79x128xi32, #tpu.memory_space<vmem>> -> memref<78x128xi32, #tpu.memory_space<vmem>>
    %dma_start3A_20 = arith.constant 0 : i32
    %dma_start3A_21 = tpu.memref_slice %arg4[%mul3A_16, %dma_start3A_20] : memref<2500x128xi32, #tpu.memory_space<hbm>> -> memref<78x128xi32, #tpu.memory_space<hbm>>
    %dma_start3A_22 = arith.constant 0 : i32
    %dma_start3A_23 = arith.constant 0 : i32
    %dma_start3A_24 = tpu.memref_slice %arg10[%dma_start3A_22, %dma_start3A_23] : memref<79x128xi32, #tpu.memory_space<vmem>> -> memref<78x128xi32, #tpu.memory_space<vmem>>
    %dma_start3A_25 = arith.constant 0 : i32
    %dma_start3A_26 = tpu.memref_slice %arg4[%mul3A_16, %dma_start3A_25] : memref<2500x128xi32, #tpu.memory_space<hbm>> -> memref<78x128xi32, #tpu.memory_space<hbm>>
    tpu.enqueue_dma source(%dma_start3A_26 : memref<78x128xi32, #tpu.memory_space<hbm>>) target(%dma_start3A_24 : memref<78x128xi32, #tpu.memory_space<vmem>>) target_semaphore(%arg16 : memref<!tpu.dma_semaphore, #tpu.memory_space<semaphore_mem>>)
    %dma_start3A_27 = arith.constant 78 : i32
    %dma_start3A_28 = arith.constant 0 : i32
    %dma_start3A_29 = tpu.memref_slice %arg9[%dma_start3A_27, %dma_start3A_28] : memref<79x128xi32, #tpu.memory_space<vmem>> -> memref<1x128xi32, #tpu.memory_space<vmem>>
    %dma_start3A_30 = arith.constant 0 : i32
    %dma_start3A_31 = tpu.memref_slice %arg3[%select_n3A, %dma_start3A_30] : memref<2500x128xi32, #tpu.memory_space<hbm>> -> memref<1x128xi32, #tpu.memory_space<hbm>>
    %dma_start3A_32 = arith.constant 78 : i32
    %dma_start3A_33 = arith.constant 0 : i32
    %dma_start3A_34 = tpu.memref_slice %arg9[%dma_start3A_32, %dma_start3A_33] : memref<79x128xi32, #tpu.memory_space<vmem>> -> memref<1x128xi32, #tpu.memory_space<vmem>>
    %dma_start3A_35 = arith.constant 0 : i32
    %dma_start3A_36 = tpu.memref_slice %arg3[%select_n3A, %dma_start3A_35] : memref<2500x128xi32, #tpu.memory_space<hbm>> -> memref<1x128xi32, #tpu.memory_space<hbm>>
    tpu.enqueue_dma source(%dma_start3A_36 : memref<1x128xi32, #tpu.memory_space<hbm>>) target(%dma_start3A_34 : memref<1x128xi32, #tpu.memory_space<vmem>>) target_semaphore(%arg16 : memref<!tpu.dma_semaphore, #tpu.memory_space<semaphore_mem>>)
    %dma_start3A_37 = arith.constant 78 : i32
    %dma_start3A_38 = arith.constant 0 : i32
    %dma_start3A_39 = tpu.memref_slice %arg10[%dma_start3A_37, %dma_start3A_38] : memref<79x128xi32, #tpu.memory_space<vmem>> -> memref<1x128xi32, #tpu.memory_space<vmem>>
    %dma_start3A_40 = arith.constant 0 : i32
    %dma_start3A_41 = tpu.memref_slice %arg4[%select_n3A, %dma_start3A_40] : memref<2500x128xi32, #tpu.memory_space<hbm>> -> memref<1x128xi32, #tpu.memory_space<hbm>>
    %dma_start3A_42 = arith.constant 78 : i32
    %dma_start3A_43 = arith.constant 0 : i32
    %dma_start3A_44 = tpu.memref_slice %arg10[%dma_start3A_42, %dma_start3A_43] : memref<79x128xi32, #tpu.memory_space<vmem>> -> memref<1x128xi32, #tpu.memory_space<vmem>>
    %dma_start3A_45 = arith.constant 0 : i32
    %dma_start3A_46 = tpu.memref_slice %arg4[%select_n3A, %dma_start3A_45] : memref<2500x128xi32, #tpu.memory_space<hbm>> -> memref<1x128xi32, #tpu.memory_space<hbm>>
    tpu.enqueue_dma source(%dma_start3A_46 : memref<1x128xi32, #tpu.memory_space<hbm>>) target(%dma_start3A_44 : memref<1x128xi32, #tpu.memory_space<vmem>>) target_semaphore(%arg16 : memref<!tpu.dma_semaphore, #tpu.memory_space<semaphore_mem>>)
    %mul3A_47 = arith.constant 624 : i32
    %mul3A_48 = arith.muli %arg1, %mul3A_47 : i32
    %lt3A_49 = arith.constant 15 : i32
    %lt3A_50 = arith.cmpi slt, %arg1, %lt3A_49 : i32
    %convert_element_type3A = arith.extui %lt3A_50 : i1 to i32
    %cond3A = arith.constant 0 : i32
    %cond3A_51 = arith.cmpi ne, %convert_element_type3A, %cond3A : i32
    scf.if %cond3A_51 {
      "tpu.region"() ({
        %run_scoped3A = tpu.sem_alloc : memref<!tpu.dma_semaphore, #tpu.memory_space<semaphore_mem>>
        %dma_start3A_162 = arith.constant 0 : i32
        %dma_start3A_163 = tpu.memref_slice %arg13[%mul3A_48, %dma_start3A_162] : memref<10000x16xf32, #tpu.memory_space<vmem_shared>> -> memref<624x16xf32, #tpu.memory_space<vmem_shared>>
        %dma_start3A_164 = arith.constant 0 : i32
        %dma_start3A_165 = tpu.memref_slice %arg2[%mul3A_48, %dma_start3A_164] : memref<10000x16xf32, #tpu.memory_space<hbm>> -> memref<624x16xf32, #tpu.memory_space<hbm>>
        tpu.enqueue_dma source(%dma_start3A_165 : memref<624x16xf32, #tpu.memory_space<hbm>>) target(%dma_start3A_163 : memref<624x16xf32, #tpu.memory_space<vmem_shared>>) target_semaphore(%run_scoped3A : memref<!tpu.dma_semaphore, #tpu.memory_space<semaphore_mem>>)
        %dma_wait3A_166 = arith.constant 0 : i32
        %dma_wait3A_167 = tpu.memref_slice %arg13[%mul3A_48, %dma_wait3A_166] : memref<10000x16xf32, #tpu.memory_space<vmem_shared>> -> memref<624x16xf32, #tpu.memory_space<vmem_shared>>
        %dma_wait3A_168 = arith.constant 0 : i32
        %dma_wait3A_169 = tpu.memref_slice %arg2[%mul3A_48, %dma_wait3A_168] : memref<10000x16xf32, #tpu.memory_space<hbm>> -> memref<624x16xf32, #tpu.memory_space<hbm>>
        tpu.wait_dma2 semaphore(%run_scoped3A : memref<!tpu.dma_semaphore, #tpu.memory_space<semaphore_mem>>) src(%dma_wait3A_169 : memref<624x16xf32, #tpu.memory_space<hbm>>) dst(%dma_wait3A_167 : memref<624x16xf32, #tpu.memory_space<vmem_shared>>)
        tpu.yield
      }) : () -> ()
      "tpu.region"() ({
        %run_scoped3A = tpu.sem_alloc : memref<!tpu.dma_semaphore, #tpu.memory_space<semaphore_mem>>
        %dma_start3A_162 = arith.constant 0 : i32
        %dma_start3A_163 = tpu.memref_slice %arg14[%mul3A_48, %dma_start3A_162] : memref<10000x16xf32, #tpu.memory_space<vmem_shared>> -> memref<624x16xf32, #tpu.memory_space<vmem_shared>>
        %dma_start3A_164 = arith.constant 0 : i32
        %dma_start3A_165 = tpu.memref_slice %arg5[%mul3A_48, %dma_start3A_164] : memref<10000x16xf32, #tpu.memory_space<hbm>> -> memref<624x16xf32, #tpu.memory_space<hbm>>
        tpu.enqueue_dma source(%dma_start3A_165 : memref<624x16xf32, #tpu.memory_space<hbm>>) target(%dma_start3A_163 : memref<624x16xf32, #tpu.memory_space<vmem_shared>>) target_semaphore(%run_scoped3A : memref<!tpu.dma_semaphore, #tpu.memory_space<semaphore_mem>>)
        %dma_wait3A_166 = arith.constant 0 : i32
        %dma_wait3A_167 = tpu.memref_slice %arg14[%mul3A_48, %dma_wait3A_166] : memref<10000x16xf32, #tpu.memory_space<vmem_shared>> -> memref<624x16xf32, #tpu.memory_space<vmem_shared>>
        %dma_wait3A_168 = arith.constant 0 : i32
        %dma_wait3A_169 = tpu.memref_slice %arg5[%mul3A_48, %dma_wait3A_168] : memref<10000x16xf32, #tpu.memory_space<hbm>> -> memref<624x16xf32, #tpu.memory_space<hbm>>
        tpu.wait_dma2 semaphore(%run_scoped3A : memref<!tpu.dma_semaphore, #tpu.memory_space<semaphore_mem>>) src(%dma_wait3A_169 : memref<624x16xf32, #tpu.memory_space<hbm>>) dst(%dma_wait3A_167 : memref<624x16xf32, #tpu.memory_space<vmem_shared>>)
        tpu.yield
      }) : () -> ()
      "tpu.region"() ({
        %run_scoped3A = tpu.sem_alloc : memref<!tpu.dma_semaphore, #tpu.memory_space<semaphore_mem>>
        %dma_start3A_162 = tpu.memref_slice %arg15[%mul3A_48] : memref<10000xf32, #tpu.memory_space<vmem_shared>> -> memref<624xf32, #tpu.memory_space<vmem_shared>>
        %dma_start3A_163 = tpu.memref_slice %arg6[%mul3A_48] : memref<10000xf32, #tpu.memory_space<hbm>> -> memref<624xf32, #tpu.memory_space<hbm>>
        tpu.enqueue_dma source(%dma_start3A_163 : memref<624xf32, #tpu.memory_space<hbm>>) target(%dma_start3A_162 : memref<624xf32, #tpu.memory_space<vmem_shared>>) target_semaphore(%run_scoped3A : memref<!tpu.dma_semaphore, #tpu.memory_space<semaphore_mem>>)
        %dma_wait3A_164 = tpu.memref_slice %arg15[%mul3A_48] : memref<10000xf32, #tpu.memory_space<vmem_shared>> -> memref<624xf32, #tpu.memory_space<vmem_shared>>
        %dma_wait3A_165 = tpu.memref_slice %arg6[%mul3A_48] : memref<10000xf32, #tpu.memory_space<hbm>> -> memref<624xf32, #tpu.memory_space<hbm>>
        tpu.wait_dma2 semaphore(%run_scoped3A : memref<!tpu.dma_semaphore, #tpu.memory_space<semaphore_mem>>) src(%dma_wait3A_165 : memref<624xf32, #tpu.memory_space<hbm>>) dst(%dma_wait3A_164 : memref<624xf32, #tpu.memory_space<vmem_shared>>)
        tpu.yield
      }) : () -> ()
    } else {
    }
    %eq3A = arith.constant 15 : i32
    %eq3A_52 = arith.cmpi eq, %arg1, %eq3A : i32
    %convert_element_type3A_53 = arith.extui %eq3A_52 : i1 to i32
    %cond3A_54 = arith.constant 0 : i32
    %cond3A_55 = arith.cmpi ne, %convert_element_type3A_53, %cond3A_54 : i32
    scf.if %cond3A_55 {
      "tpu.region"() ({
        %run_scoped3A = tpu.sem_alloc : memref<!tpu.dma_semaphore, #tpu.memory_space<semaphore_mem>>
        %dma_start3A_162 = arith.constant 0 : i32
        %dma_start3A_163 = tpu.memref_slice %arg13[%mul3A_48, %dma_start3A_162] : memref<10000x16xf32, #tpu.memory_space<vmem_shared>> -> memref<640x16xf32, #tpu.memory_space<vmem_shared>>
        %dma_start3A_164 = arith.constant 0 : i32
        %dma_start3A_165 = tpu.memref_slice %arg2[%mul3A_48, %dma_start3A_164] : memref<10000x16xf32, #tpu.memory_space<hbm>> -> memref<640x16xf32, #tpu.memory_space<hbm>>
        tpu.enqueue_dma source(%dma_start3A_165 : memref<640x16xf32, #tpu.memory_space<hbm>>) target(%dma_start3A_163 : memref<640x16xf32, #tpu.memory_space<vmem_shared>>) target_semaphore(%run_scoped3A : memref<!tpu.dma_semaphore, #tpu.memory_space<semaphore_mem>>)
        %dma_wait3A_166 = arith.constant 0 : i32
        %dma_wait3A_167 = tpu.memref_slice %arg13[%mul3A_48, %dma_wait3A_166] : memref<10000x16xf32, #tpu.memory_space<vmem_shared>> -> memref<640x16xf32, #tpu.memory_space<vmem_shared>>
        %dma_wait3A_168 = arith.constant 0 : i32
        %dma_wait3A_169 = tpu.memref_slice %arg2[%mul3A_48, %dma_wait3A_168] : memref<10000x16xf32, #tpu.memory_space<hbm>> -> memref<640x16xf32, #tpu.memory_space<hbm>>
        tpu.wait_dma2 semaphore(%run_scoped3A : memref<!tpu.dma_semaphore, #tpu.memory_space<semaphore_mem>>) src(%dma_wait3A_169 : memref<640x16xf32, #tpu.memory_space<hbm>>) dst(%dma_wait3A_167 : memref<640x16xf32, #tpu.memory_space<vmem_shared>>)
        tpu.yield
      }) : () -> ()
      "tpu.region"() ({
        %run_scoped3A = tpu.sem_alloc : memref<!tpu.dma_semaphore, #tpu.memory_space<semaphore_mem>>
        %dma_start3A_162 = arith.constant 0 : i32
        %dma_start3A_163 = tpu.memref_slice %arg14[%mul3A_48, %dma_start3A_162] : memref<10000x16xf32, #tpu.memory_space<vmem_shared>> -> memref<640x16xf32, #tpu.memory_space<vmem_shared>>
        %dma_start3A_164 = arith.constant 0 : i32
        %dma_start3A_165 = tpu.memref_slice %arg5[%mul3A_48, %dma_start3A_164] : memref<10000x16xf32, #tpu.memory_space<hbm>> -> memref<640x16xf32, #tpu.memory_space<hbm>>
        tpu.enqueue_dma source(%dma_start3A_165 : memref<640x16xf32, #tpu.memory_space<hbm>>) target(%dma_start3A_163 : memref<640x16xf32, #tpu.memory_space<vmem_shared>>) target_semaphore(%run_scoped3A : memref<!tpu.dma_semaphore, #tpu.memory_space<semaphore_mem>>)
        %dma_wait3A_166 = arith.constant 0 : i32
        %dma_wait3A_167 = tpu.memref_slice %arg14[%mul3A_48, %dma_wait3A_166] : memref<10000x16xf32, #tpu.memory_space<vmem_shared>> -> memref<640x16xf32, #tpu.memory_space<vmem_shared>>
        %dma_wait3A_168 = arith.constant 0 : i32
        %dma_wait3A_169 = tpu.memref_slice %arg5[%mul3A_48, %dma_wait3A_168] : memref<10000x16xf32, #tpu.memory_space<hbm>> -> memref<640x16xf32, #tpu.memory_space<hbm>>
        tpu.wait_dma2 semaphore(%run_scoped3A : memref<!tpu.dma_semaphore, #tpu.memory_space<semaphore_mem>>) src(%dma_wait3A_169 : memref<640x16xf32, #tpu.memory_space<hbm>>) dst(%dma_wait3A_167 : memref<640x16xf32, #tpu.memory_space<vmem_shared>>)
        tpu.yield
      }) : () -> ()
      "tpu.region"() ({
        %run_scoped3A = tpu.sem_alloc : memref<!tpu.dma_semaphore, #tpu.memory_space<semaphore_mem>>
        %dma_start3A_162 = tpu.memref_slice %arg15[%mul3A_48] : memref<10000xf32, #tpu.memory_space<vmem_shared>> -> memref<640xf32, #tpu.memory_space<vmem_shared>>
        %dma_start3A_163 = tpu.memref_slice %arg6[%mul3A_48] : memref<10000xf32, #tpu.memory_space<hbm>> -> memref<640xf32, #tpu.memory_space<hbm>>
        tpu.enqueue_dma source(%dma_start3A_163 : memref<640xf32, #tpu.memory_space<hbm>>) target(%dma_start3A_162 : memref<640xf32, #tpu.memory_space<vmem_shared>>) target_semaphore(%run_scoped3A : memref<!tpu.dma_semaphore, #tpu.memory_space<semaphore_mem>>)
        %dma_wait3A_164 = tpu.memref_slice %arg15[%mul3A_48] : memref<10000xf32, #tpu.memory_space<vmem_shared>> -> memref<640xf32, #tpu.memory_space<vmem_shared>>
        %dma_wait3A_165 = tpu.memref_slice %arg6[%mul3A_48] : memref<10000xf32, #tpu.memory_space<hbm>> -> memref<640xf32, #tpu.memory_space<hbm>>
        tpu.wait_dma2 semaphore(%run_scoped3A : memref<!tpu.dma_semaphore, #tpu.memory_space<semaphore_mem>>) src(%dma_wait3A_165 : memref<640xf32, #tpu.memory_space<hbm>>) dst(%dma_wait3A_164 : memref<640xf32, #tpu.memory_space<vmem_shared>>)
        tpu.yield
      }) : () -> ()
    } else {
    }
    %broadcast_in_dim3A = arith.constant 1.000000e+00 : f32
    %broadcast_in_dim3A_56 = vector.broadcast %broadcast_in_dim3A : f32 to vector<16xf32>
    %swap3A = arith.constant 0 : index
    %swap3A_57 = tpu.vector_load %arg12[%swap3A] {strides = array<i32>} : memref<128xf32, #tpu.memory_space<vmem>>, vector<16xf32>,
    %swap3A_58 = vector.shape_cast %swap3A_57 : vector<16xf32> to vector<16xf32>
    %swap3A_59 = vector.shape_cast %broadcast_in_dim3A_56 : vector<16xf32> to vector<16xf32>
    tpu.vector_store %arg12[%swap3A], %swap3A_59 {strides = array<i32>} : memref<128xf32, #tpu.memory_space<vmem>>, vector<16xf32>,
    %broadcast_in_dim3A_60 = arith.constant 1.000000e+00 : f32
    %broadcast_in_dim3A_61 = vector.broadcast %broadcast_in_dim3A_60 : f32 to vector<16xf32>
    %swap3A_62 = arith.constant 16 : index
    %swap3A_63 = tpu.vector_load %arg12[%swap3A_62] {strides = array<i32>} : memref<128xf32, #tpu.memory_space<vmem>>, vector<16xf32>,
    %swap3A_64 = vector.shape_cast %swap3A_63 : vector<16xf32> to vector<16xf32>
    %swap3A_65 = vector.shape_cast %broadcast_in_dim3A_61 : vector<16xf32> to vector<16xf32>
    tpu.vector_store %arg12[%swap3A_62], %swap3A_65 {strides = array<i32>} : memref<128xf32, #tpu.memory_space<vmem>>, vector<16xf32>,
    %broadcast_in_dim3A_66 = arith.constant 1.000000e+00 : f32
    %broadcast_in_dim3A_67 = vector.broadcast %broadcast_in_dim3A_66 : f32 to vector<16xf32>
    %swap3A_68 = arith.constant 32 : index
    %swap3A_69 = tpu.vector_load %arg12[%swap3A_68] {strides = array<i32>} : memref<128xf32, #tpu.memory_space<vmem>>, vector<16xf32>,
    %swap3A_70 = vector.shape_cast %swap3A_69 : vector<16xf32> to vector<16xf32>
    %swap3A_71 = vector.shape_cast %broadcast_in_dim3A_67 : vector<16xf32> to vector<16xf32>
    tpu.vector_store %arg12[%swap3A_68], %swap3A_71 {strides = array<i32>} : memref<128xf32, #tpu.memory_space<vmem>>, vector<16xf32>,
    %broadcast_in_dim3A_72 = arith.constant 1.000000e+00 : f32
    %broadcast_in_dim3A_73 = vector.broadcast %broadcast_in_dim3A_72 : f32 to vector<16xf32>
    %swap3A_74 = arith.constant 48 : index
    %swap3A_75 = tpu.vector_load %arg12[%swap3A_74] {strides = array<i32>} : memref<128xf32, #tpu.memory_space<vmem>>, vector<16xf32>,
    %swap3A_76 = vector.shape_cast %swap3A_75 : vector<16xf32> to vector<16xf32>
    %swap3A_77 = vector.shape_cast %broadcast_in_dim3A_73 : vector<16xf32> to vector<16xf32>
    tpu.vector_store %arg12[%swap3A_74], %swap3A_77 {strides = array<i32>} : memref<128xf32, #tpu.memory_space<vmem>>, vector<16xf32>,
    %broadcast_in_dim3A_78 = arith.constant 1.000000e+00 : f32
    %broadcast_in_dim3A_79 = vector.broadcast %broadcast_in_dim3A_78 : f32 to vector<16xf32>
    %swap3A_80 = arith.constant 64 : index
    %swap3A_81 = tpu.vector_load %arg12[%swap3A_80] {strides = array<i32>} : memref<128xf32, #tpu.memory_space<vmem>>, vector<16xf32>,
    %swap3A_82 = vector.shape_cast %swap3A_81 : vector<16xf32> to vector<16xf32>
    %swap3A_83 = vector.shape_cast %broadcast_in_dim3A_79 : vector<16xf32> to vector<16xf32>
    tpu.vector_store %arg12[%swap3A_80], %swap3A_83 {strides = array<i32>} : memref<128xf32, #tpu.memory_space<vmem>>, vector<16xf32>,
    %broadcast_in_dim3A_84 = arith.constant 1.000000e+00 : f32
    %broadcast_in_dim3A_85 = vector.broadcast %broadcast_in_dim3A_84 : f32 to vector<16xf32>
    %swap3A_86 = arith.constant 80 : index
    %swap3A_87 = tpu.vector_load %arg12[%swap3A_86] {strides = array<i32>} : memref<128xf32, #tpu.memory_space<vmem>>, vector<16xf32>,
    %swap3A_88 = vector.shape_cast %swap3A_87 : vector<16xf32> to vector<16xf32>
    %swap3A_89 = vector.shape_cast %broadcast_in_dim3A_85 : vector<16xf32> to vector<16xf32>
    tpu.vector_store %arg12[%swap3A_86], %swap3A_89 {strides = array<i32>} : memref<128xf32, #tpu.memory_space<vmem>>, vector<16xf32>,
    %broadcast_in_dim3A_90 = arith.constant 1.000000e+00 : f32
    %broadcast_in_dim3A_91 = vector.broadcast %broadcast_in_dim3A_90 : f32 to vector<16xf32>
    %swap3A_92 = arith.constant 96 : index
    %swap3A_93 = tpu.vector_load %arg12[%swap3A_92] {strides = array<i32>} : memref<128xf32, #tpu.memory_space<vmem>>, vector<16xf32>,
    %swap3A_94 = vector.shape_cast %swap3A_93 : vector<16xf32> to vector<16xf32>
    %swap3A_95 = vector.shape_cast %broadcast_in_dim3A_91 : vector<16xf32> to vector<16xf32>
    tpu.vector_store %arg12[%swap3A_92], %swap3A_95 {strides = array<i32>} : memref<128xf32, #tpu.memory_space<vmem>>, vector<16xf32>,
    %broadcast_in_dim3A_96 = arith.constant 1.000000e+00 : f32
    %broadcast_in_dim3A_97 = vector.broadcast %broadcast_in_dim3A_96 : f32 to vector<16xf32>
    %swap3A_98 = arith.constant 112 : index
    %swap3A_99 = tpu.vector_load %arg12[%swap3A_98] {strides = array<i32>} : memref<128xf32, #tpu.memory_space<vmem>>, vector<16xf32>,
    %swap3A_100 = vector.shape_cast %swap3A_99 : vector<16xf32> to vector<16xf32>
    %swap3A_101 = vector.shape_cast %broadcast_in_dim3A_97 : vector<16xf32> to vector<16xf32>
    tpu.vector_store %arg12[%swap3A_98], %swap3A_101 {strides = array<i32>} : memref<128xf32, #tpu.memory_space<vmem>>, vector<16xf32>,
    %dma_wait3A = arith.constant 0 : i32
    %dma_wait3A_102 = arith.constant 0 : i32
    %dma_wait3A_103 = tpu.memref_slice %arg9[%dma_wait3A, %dma_wait3A_102] : memref<79x128xi32, #tpu.memory_space<vmem>> -> memref<78x128xi32, #tpu.memory_space<vmem>>
    %dma_wait3A_104 = arith.constant 0 : i32
    %dma_wait3A_105 = tpu.memref_slice %arg3[%mul3A_5, %dma_wait3A_104] : memref<2500x128xi32, #tpu.memory_space<hbm>> -> memref<78x128xi32, #tpu.memory_space<hbm>>
    %dma_wait3A_106 = arith.constant 0 : i32
    %dma_wait3A_107 = arith.constant 0 : i32
    %dma_wait3A_108 = tpu.memref_slice %arg9[%dma_wait3A_106, %dma_wait3A_107] : memref<79x128xi32, #tpu.memory_space<vmem>> -> memref<78x128xi32, #tpu.memory_space<vmem>>
    %dma_wait3A_109 = arith.constant 0 : i32
    %dma_wait3A_110 = tpu.memref_slice %arg3[%mul3A_5, %dma_wait3A_109] : memref<2500x128xi32, #tpu.memory_space<hbm>> -> memref<78x128xi32, #tpu.memory_space<hbm>>
    tpu.wait_dma2 semaphore(%arg16 : memref<!tpu.dma_semaphore, #tpu.memory_space<semaphore_mem>>) src(%dma_wait3A_110 : memref<78x128xi32, #tpu.memory_space<hbm>>) dst(%dma_wait3A_108 : memref<78x128xi32, #tpu.memory_space<vmem>>)
    %dma_wait3A_111 = arith.constant 0 : i32
    %dma_wait3A_112 = arith.constant 0 : i32
    %dma_wait3A_113 = tpu.memref_slice %arg10[%dma_wait3A_111, %dma_wait3A_112] : memref<79x128xi32, #tpu.memory_space<vmem>> -> memref<78x128xi32, #tpu.memory_space<vmem>>
    %dma_wait3A_114 = arith.constant 0 : i32
    %dma_wait3A_115 = tpu.memref_slice %arg4[%mul3A_16, %dma_wait3A_114] : memref<2500x128xi32, #tpu.memory_space<hbm>> -> memref<78x128xi32, #tpu.memory_space<hbm>>
    %dma_wait3A_116 = arith.constant 0 : i32
    %dma_wait3A_117 = arith.constant 0 : i32
    %dma_wait3A_118 = tpu.memref_slice %arg10[%dma_wait3A_116, %dma_wait3A_117] : memref<79x128xi32, #tpu.memory_space<vmem>> -> memref<78x128xi32, #tpu.memory_space<vmem>>
    %dma_wait3A_119 = arith.constant 0 : i32
    %dma_wait3A_120 = tpu.memref_slice %arg4[%mul3A_16, %dma_wait3A_119] : memref<2500x128xi32, #tpu.memory_space<hbm>> -> memref<78x128xi32, #tpu.memory_space<hbm>>
    tpu.wait_dma2 semaphore(%arg16 : memref<!tpu.dma_semaphore, #tpu.memory_space<semaphore_mem>>) src(%dma_wait3A_120 : memref<78x128xi32, #tpu.memory_space<hbm>>) dst(%dma_wait3A_118 : memref<78x128xi32, #tpu.memory_space<vmem>>)
    %dma_wait3A_121 = arith.constant 78 : i32
    %dma_wait3A_122 = arith.constant 0 : i32
    %dma_wait3A_123 = tpu.memref_slice %arg9[%dma_wait3A_121, %dma_wait3A_122] : memref<79x128xi32, #tpu.memory_space<vmem>> -> memref<1x128xi32, #tpu.memory_space<vmem>>
    %dma_wait3A_124 = arith.constant 0 : i32
    %dma_wait3A_125 = tpu.memref_slice %arg3[%select_n3A, %dma_wait3A_124] : memref<2500x128xi32, #tpu.memory_space<hbm>> -> memref<1x128xi32, #tpu.memory_space<hbm>>
    %dma_wait3A_126 = arith.constant 78 : i32
    %dma_wait3A_127 = arith.constant 0 : i32
    %dma_wait3A_128 = tpu.memref_slice %arg9[%dma_wait3A_126, %dma_wait3A_127] : memref<79x128xi32, #tpu.memory_space<vmem>> -> memref<1x128xi32, #tpu.memory_space<vmem>>
    %dma_wait3A_129 = arith.constant 0 : i32
    %dma_wait3A_130 = tpu.memref_slice %arg3[%select_n3A, %dma_wait3A_129] : memref<2500x128xi32, #tpu.memory_space<hbm>> -> memref<1x128xi32, #tpu.memory_space<hbm>>
    tpu.wait_dma2 semaphore(%arg16 : memref<!tpu.dma_semaphore, #tpu.memory_space<semaphore_mem>>) src(%dma_wait3A_130 : memref<1x128xi32, #tpu.memory_space<hbm>>) dst(%dma_wait3A_128 : memref<1x128xi32, #tpu.memory_space<vmem>>)
    %dma_wait3A_131 = arith.constant 78 : i32
    %dma_wait3A_132 = arith.constant 0 : i32
    %dma_wait3A_133 = tpu.memref_slice %arg10[%dma_wait3A_131, %dma_wait3A_132] : memref<79x128xi32, #tpu.memory_space<vmem>> -> memref<1x128xi32, #tpu.memory_space<vmem>>
    %dma_wait3A_134 = arith.constant 0 : i32
    %dma_wait3A_135 = tpu.memref_slice %arg4[%select_n3A, %dma_wait3A_134] : memref<2500x128xi32, #tpu.memory_space<hbm>> -> memref<1x128xi32, #tpu.memory_space<hbm>>
    %dma_wait3A_136 = arith.constant 78 : i32
    %dma_wait3A_137 = arith.constant 0 : i32
    %dma_wait3A_138 = tpu.memref_slice %arg10[%dma_wait3A_136, %dma_wait3A_137] : memref<79x128xi32, #tpu.memory_space<vmem>> -> memref<1x128xi32, #tpu.memory_space<vmem>>
    %dma_wait3A_139 = arith.constant 0 : i32
    %dma_wait3A_140 = tpu.memref_slice %arg4[%select_n3A, %dma_wait3A_139] : memref<2500x128xi32, #tpu.memory_space<hbm>> -> memref<1x128xi32, #tpu.memory_space<hbm>>
    tpu.wait_dma2 semaphore(%arg16 : memref<!tpu.dma_semaphore, #tpu.memory_space<semaphore_mem>>) src(%dma_wait3A_140 : memref<1x128xi32, #tpu.memory_space<hbm>>) dst(%dma_wait3A_138 : memref<1x128xi32, #tpu.memory_space<vmem>>)
    %barrier3A = arith.constant 0 : index
    tpu.barrier barrier_id(%barrier3A)
    %scan3A = arith.constant 0 : i32
    %scan3A_141 = arith.constant 0 : i32
    %scan3A_142 = arith.constant 13 : i32
    %scan3A_143 = arith.addi %scan3A_141, %scan3A_142 : i32
    %scan3A_144 = arith.constant 1 : i32
    scf.for %scan3A_162 = %scan3A_141 to %scan3A_143 step %scan3A_144  : i32 {
      %mul3A_163 = arith.constant 6 : i32
      %mul3A_164 = arith.muli %scan3A_162, %mul3A_163 : i32
      %add3A_165 = arith.constant 0 : i32
      %add3A_166 = arith.addi %mul3A_164, %add3A_165 : i32
      %dma_start3A_167 = arith.constant 0 : i32
      %dma_start3A_168 = arith.constant 0 : i32
      %dma_start3A_169 = arith.constant 0 : i32
      %dma_start3A_170 = tpu.memref_slice %arg11[%dma_start3A_167, %dma_start3A_168, %dma_start3A_169] : memref<6x128x16xf32, #tpu.memory_space<vmem>> -> memref<1x128x16xf32, #tpu.memory_space<vmem>>
      %dma_start3A_171 = tpu.memref_squeeze %dma_start3A_170 : memref<1x128x16xf32, #tpu.memory_space<vmem>> -> memref<128x16xf32, #tpu.memory_space<vmem>>
      %dma_start3A_172 = arith.constant 0 : i32
      %dma_start3A_173 = tpu.memref_slice %arg9[%add3A_166, %dma_start3A_172] : memref<79x128xi32, #tpu.memory_space<vmem>> -> memref<1x128xi32, #tpu.memory_space<vmem>>
      %dma_start3A_174 = tpu.memref_squeeze %dma_start3A_173 : memref<1x128xi32, #tpu.memory_space<vmem>> -> memref<128xi32, #tpu.memory_space<vmem>>
      %dma_start3A_175 = arith.constant 0 : i32
      %dma_start3A_176 = arith.constant 0 : i32
      %dma_start3A_177 = tpu.memref_slice %arg13[%dma_start3A_175, %dma_start3A_176] : memref<10000x16xf32, #tpu.memory_space<vmem_shared>> -> memref<10000x16xf32, #tpu.memory_space<vmem_shared>>
      tpu.enqueue_indirect_dma source(%dma_start3A_177 : memref<10000x16xf32, #tpu.memory_space<vmem_shared>>) target(%dma_start3A_171 : memref<128x16xf32, #tpu.memory_space<vmem>>) offsets(%dma_start3A_174 : memref<128xi32, #tpu.memory_space<vmem>>) semaphore(%arg17 : memref<!tpu.dma_semaphore, #tpu.memory_space<semaphore_mem>>)
      %add3A_178 = arith.constant 1 : i32
      %add3A_179 = arith.addi %mul3A_164, %add3A_178 : i32
      %dma_start3A_180 = arith.constant 1 : i32
      %dma_start3A_181 = arith.constant 0 : i32
      %dma_start3A_182 = arith.constant 0 : i32
      %dma_start3A_183 = tpu.memref_slice %arg11[%dma_start3A_180, %dma_start3A_181, %dma_start3A_182] : memref<6x128x16xf32, #tpu.memory_space<vmem>> -> memref<1x128x16xf32, #tpu.memory_space<vmem>>
      %dma_start3A_184 = tpu.memref_squeeze %dma_start3A_183 : memref<1x128x16xf32, #tpu.memory_space<vmem>> -> memref<128x16xf32, #tpu.memory_space<vmem>>
      %dma_start3A_185 = arith.constant 0 : i32
      %dma_start3A_186 = tpu.memref_slice %arg9[%add3A_179, %dma_start3A_185] : memref<79x128xi32, #tpu.memory_space<vmem>> -> memref<1x128xi32, #tpu.memory_space<vmem>>
      %dma_start3A_187 = tpu.memref_squeeze %dma_start3A_186 : memref<1x128xi32, #tpu.memory_space<vmem>> -> memref<128xi32, #tpu.memory_space<vmem>>
      %dma_start3A_188 = arith.constant 0 : i32
      %dma_start3A_189 = arith.constant 0 : i32
      %dma_start3A_190 = tpu.memref_slice %arg13[%dma_start3A_188, %dma_start3A_189] : memref<10000x16xf32, #tpu.memory_space<vmem_shared>> -> memref<10000x16xf32, #tpu.memory_space<vmem_shared>>
      tpu.enqueue_indirect_dma source(%dma_start3A_190 : memref<10000x16xf32, #tpu.memory_space<vmem_shared>>) target(%dma_start3A_184 : memref<128x16xf32, #tpu.memory_space<vmem>>) offsets(%dma_start3A_187 : memref<128xi32, #tpu.memory_space<vmem>>) semaphore(%arg17 : memref<!tpu.dma_semaphore, #tpu.memory_space<semaphore_mem>>)
      %add3A_191 = arith.constant 2 : i32
      %add3A_192 = arith.addi %mul3A_164, %add3A_191 : i32
      %dma_start3A_193 = arith.constant 2 : i32
      %dma_start3A_194 = arith.constant 0 : i32
      %dma_start3A_195 = arith.constant 0 : i32
      %dma_start3A_196 = tpu.memref_slice %arg11[%dma_start3A_193, %dma_start3A_194, %dma_start3A_195] : memref<6x128x16xf32, #tpu.memory_space<vmem>> -> memref<1x128x16xf32, #tpu.memory_space<vmem>>
      %dma_start3A_197 = tpu.memref_squeeze %dma_start3A_196 : memref<1x128x16xf32, #tpu.memory_space<vmem>> -> memref<128x16xf32, #tpu.memory_space<vmem>>
      %dma_start3A_198 = arith.constant 0 : i32
      %dma_start3A_199 = tpu.memref_slice %arg9[%add3A_192, %dma_start3A_198] : memref<79x128xi32, #tpu.memory_space<vmem>> -> memref<1x128xi32, #tpu.memory_space<vmem>>
      %dma_start3A_200 = tpu.memref_squeeze %dma_start3A_199 : memref<1x128xi32, #tpu.memory_space<vmem>> -> memref<128xi32, #tpu.memory_space<vmem>>
      %dma_start3A_201 = arith.constant 0 : i32
      %dma_start3A_202 = arith.constant 0 : i32
      %dma_start3A_203 = tpu.memref_slice %arg13[%dma_start3A_201, %dma_start3A_202] : memref<10000x16xf32, #tpu.memory_space<vmem_shared>> -> memref<10000x16xf32, #tpu.memory_space<vmem_shared>>
      tpu.enqueue_indirect_dma source(%dma_start3A_203 : memref<10000x16xf32, #tpu.memory_space<vmem_shared>>) target(%dma_start3A_197 : memref<128x16xf32, #tpu.memory_space<vmem>>) offsets(%dma_start3A_200 : memref<128xi32, #tpu.memory_space<vmem>>) semaphore(%arg17 : memref<!tpu.dma_semaphore, #tpu.memory_space<semaphore_mem>>)
      %add3A_204 = arith.constant 3 : i32
      %add3A_205 = arith.addi %mul3A_164, %add3A_204 : i32
      %dma_start3A_206 = arith.constant 3 : i32
      %dma_start3A_207 = arith.constant 0 : i32
      %dma_start3A_208 = arith.constant 0 : i32
      %dma_start3A_209 = tpu.memref_slice %arg11[%dma_start3A_206, %dma_start3A_207, %dma_start3A_208] : memref<6x128x16xf32, #tpu.memory_space<vmem>> -> memref<1x128x16xf32, #tpu.memory_space<vmem>>
      %dma_start3A_210 = tpu.memref_squeeze %dma_start3A_209 : memref<1x128x16xf32, #tpu.memory_space<vmem>> -> memref<128x16xf32, #tpu.memory_space<vmem>>
      %dma_start3A_211 = arith.constant 0 : i32
      %dma_start3A_212 = tpu.memref_slice %arg9[%add3A_205, %dma_start3A_211] : memref<79x128xi32, #tpu.memory_space<vmem>> -> memref<1x128xi32, #tpu.memory_space<vmem>>
      %dma_start3A_213 = tpu.memref_squeeze %dma_start3A_212 : memref<1x128xi32, #tpu.memory_space<vmem>> -> memref<128xi32, #tpu.memory_space<vmem>>
      %dma_start3A_214 = arith.constant 0 : i32
      %dma_start3A_215 = arith.constant 0 : i32
      %dma_start3A_216 = tpu.memref_slice %arg13[%dma_start3A_214, %dma_start3A_215] : memref<10000x16xf32, #tpu.memory_space<vmem_shared>> -> memref<10000x16xf32, #tpu.memory_space<vmem_shared>>
      tpu.enqueue_indirect_dma source(%dma_start3A_216 : memref<10000x16xf32, #tpu.memory_space<vmem_shared>>) target(%dma_start3A_210 : memref<128x16xf32, #tpu.memory_space<vmem>>) offsets(%dma_start3A_213 : memref<128xi32, #tpu.memory_space<vmem>>) semaphore(%arg17 : memref<!tpu.dma_semaphore, #tpu.memory_space<semaphore_mem>>)
      %add3A_217 = arith.constant 4 : i32
      %add3A_218 = arith.addi %mul3A_164, %add3A_217 : i32
      %dma_start3A_219 = arith.constant 4 : i32
      %dma_start3A_220 = arith.constant 0 : i32
      %dma_start3A_221 = arith.constant 0 : i32
      %dma_start3A_222 = tpu.memref_slice %arg11[%dma_start3A_219, %dma_start3A_220, %dma_start3A_221] : memref<6x128x16xf32, #tpu.memory_space<vmem>> -> memref<1x128x16xf32, #tpu.memory_space<vmem>>
      %dma_start3A_223 = tpu.memref_squeeze %dma_start3A_222 : memref<1x128x16xf32, #tpu.memory_space<vmem>> -> memref<128x16xf32, #tpu.memory_space<vmem>>
      %dma_start3A_224 = arith.constant 0 : i32
      %dma_start3A_225 = tpu.memref_slice %arg9[%add3A_218, %dma_start3A_224] : memref<79x128xi32, #tpu.memory_space<vmem>> -> memref<1x128xi32, #tpu.memory_space<vmem>>
      %dma_start3A_226 = tpu.memref_squeeze %dma_start3A_225 : memref<1x128xi32, #tpu.memory_space<vmem>> -> memref<128xi32, #tpu.memory_space<vmem>>
      %dma_start3A_227 = arith.constant 0 : i32
      %dma_start3A_228 = arith.constant 0 : i32
      %dma_start3A_229 = tpu.memref_slice %arg13[%dma_start3A_227, %dma_start3A_228] : memref<10000x16xf32, #tpu.memory_space<vmem_shared>> -> memref<10000x16xf32, #tpu.memory_space<vmem_shared>>
      tpu.enqueue_indirect_dma source(%dma_start3A_229 : memref<10000x16xf32, #tpu.memory_space<vmem_shared>>) target(%dma_start3A_223 : memref<128x16xf32, #tpu.memory_space<vmem>>) offsets(%dma_start3A_226 : memref<128xi32, #tpu.memory_space<vmem>>) semaphore(%arg17 : memref<!tpu.dma_semaphore, #tpu.memory_space<semaphore_mem>>)
      %add3A_230 = arith.constant 5 : i32
      %add3A_231 = arith.addi %mul3A_164, %add3A_230 : i32
      %dma_start3A_232 = arith.constant 5 : i32
      %dma_start3A_233 = arith.constant 0 : i32
      %dma_start3A_234 = arith.constant 0 : i32
      %dma_start3A_235 = tpu.memref_slice %arg11[%dma_start3A_232, %dma_start3A_233, %dma_start3A_234] : memref<6x128x16xf32, #tpu.memory_space<vmem>> -> memref<1x128x16xf32, #tpu.memory_space<vmem>>
      %dma_start3A_236 = tpu.memref_squeeze %dma_start3A_235 : memref<1x128x16xf32, #tpu.memory_space<vmem>> -> memref<128x16xf32, #tpu.memory_space<vmem>>
      %dma_start3A_237 = arith.constant 0 : i32
      %dma_start3A_238 = tpu.memref_slice %arg9[%add3A_231, %dma_start3A_237] : memref<79x128xi32, #tpu.memory_space<vmem>> -> memref<1x128xi32, #tpu.memory_space<vmem>>
      %dma_start3A_239 = tpu.memref_squeeze %dma_start3A_238 : memref<1x128xi32, #tpu.memory_space<vmem>> -> memref<128xi32, #tpu.memory_space<vmem>>
      %dma_start3A_240 = arith.constant 0 : i32
      %dma_start3A_241 = arith.constant 0 : i32
      %dma_start3A_242 = tpu.memref_slice %arg13[%dma_start3A_240, %dma_start3A_241] : memref<10000x16xf32, #tpu.memory_space<vmem_shared>> -> memref<10000x16xf32, #tpu.memory_space<vmem_shared>>
      tpu.enqueue_indirect_dma source(%dma_start3A_242 : memref<10000x16xf32, #tpu.memory_space<vmem_shared>>) target(%dma_start3A_236 : memref<128x16xf32, #tpu.memory_space<vmem>>) offsets(%dma_start3A_239 : memref<128xi32, #tpu.memory_space<vmem>>) semaphore(%arg17 : memref<!tpu.dma_semaphore, #tpu.memory_space<semaphore_mem>>)
      %add3A_243 = arith.constant 0 : i32
      %add3A_244 = arith.addi %mul3A_164, %add3A_243 : i32
      %dma_start3A_245 = arith.constant 0 : i32
      %dma_start3A_246 = tpu.memref_slice %arg10[%add3A_244, %dma_start3A_245] : memref<79x128xi32, #tpu.memory_space<vmem>> -> memref<1x128xi32, #tpu.memory_space<vmem>>
      %dma_start3A_247 = tpu.memref_squeeze %dma_start3A_246 : memref<1x128xi32, #tpu.memory_space<vmem>> -> memref<128xi32, #tpu.memory_space<vmem>>
      %dma_start3A_248 = arith.constant 0 : i32
      %dma_start3A_249 = tpu.memref_slice %arg15[%dma_start3A_248] : memref<10000xf32, #tpu.memory_space<vmem_shared>> -> memref<10000xf32, #tpu.memory_space<vmem_shared>>
      tpu.enqueue_indirect_dma source(%arg12 : memref<128xf32, #tpu.memory_space<vmem>>) target(%dma_start3A_249 : memref<10000xf32, #tpu.memory_space<vmem_shared>>) offsets(%dma_start3A_247 : memref<128xi32, #tpu.memory_space<vmem>>) semaphore(%arg18 : memref<!tpu.dma_semaphore, #tpu.memory_space<semaphore_mem>>) {add = true}
      %add3A_250 = arith.constant 1 : i32
      %add3A_251 = arith.addi %mul3A_164, %add3A_250 : i32
      %dma_start3A_252 = arith.constant 0 : i32
      %dma_start3A_253 = tpu.memref_slice %arg10[%add3A_251, %dma_start3A_252] : memref<79x128xi32, #tpu.memory_space<vmem>> -> memref<1x128xi32, #tpu.memory_space<vmem>>
      %dma_start3A_254 = tpu.memref_squeeze %dma_start3A_253 : memref<1x128xi32, #tpu.memory_space<vmem>> -> memref<128xi32, #tpu.memory_space<vmem>>
      %dma_start3A_255 = arith.constant 0 : i32
      %dma_start3A_256 = tpu.memref_slice %arg15[%dma_start3A_255] : memref<10000xf32, #tpu.memory_space<vmem_shared>> -> memref<10000xf32, #tpu.memory_space<vmem_shared>>
      tpu.enqueue_indirect_dma source(%arg12 : memref<128xf32, #tpu.memory_space<vmem>>) target(%dma_start3A_256 : memref<10000xf32, #tpu.memory_space<vmem_shared>>) offsets(%dma_start3A_254 : memref<128xi32, #tpu.memory_space<vmem>>) semaphore(%arg18 : memref<!tpu.dma_semaphore, #tpu.memory_space<semaphore_mem>>) {add = true}
      %add3A_257 = arith.constant 2 : i32
      %add3A_258 = arith.addi %mul3A_164, %add3A_257 : i32
      %dma_start3A_259 = arith.constant 0 : i32
      %dma_start3A_260 = tpu.memref_slice %arg10[%add3A_258, %dma_start3A_259] : memref<79x128xi32, #tpu.memory_space<vmem>> -> memref<1x128xi32, #tpu.memory_space<vmem>>
      %dma_start3A_261 = tpu.memref_squeeze %dma_start3A_260 : memref<1x128xi32, #tpu.memory_space<vmem>> -> memref<128xi32, #tpu.memory_space<vmem>>
      %dma_start3A_262 = arith.constant 0 : i32
      %dma_start3A_263 = tpu.memref_slice %arg15[%dma_start3A_262] : memref<10000xf32, #tpu.memory_space<vmem_shared>> -> memref<10000xf32, #tpu.memory_space<vmem_shared>>
      tpu.enqueue_indirect_dma source(%arg12 : memref<128xf32, #tpu.memory_space<vmem>>) target(%dma_start3A_263 : memref<10000xf32, #tpu.memory_space<vmem_shared>>) offsets(%dma_start3A_261 : memref<128xi32, #tpu.memory_space<vmem>>) semaphore(%arg18 : memref<!tpu.dma_semaphore, #tpu.memory_space<semaphore_mem>>) {add = true}
      %add3A_264 = arith.constant 3 : i32
      %add3A_265 = arith.addi %mul3A_164, %add3A_264 : i32
      %dma_start3A_266 = arith.constant 0 : i32
      %dma_start3A_267 = tpu.memref_slice %arg10[%add3A_265, %dma_start3A_266] : memref<79x128xi32, #tpu.memory_space<vmem>> -> memref<1x128xi32, #tpu.memory_space<vmem>>
      %dma_start3A_268 = tpu.memref_squeeze %dma_start3A_267 : memref<1x128xi32, #tpu.memory_space<vmem>> -> memref<128xi32, #tpu.memory_space<vmem>>
      %dma_start3A_269 = arith.constant 0 : i32
      %dma_start3A_270 = tpu.memref_slice %arg15[%dma_start3A_269] : memref<10000xf32, #tpu.memory_space<vmem_shared>> -> memref<10000xf32, #tpu.memory_space<vmem_shared>>
      tpu.enqueue_indirect_dma source(%arg12 : memref<128xf32, #tpu.memory_space<vmem>>) target(%dma_start3A_270 : memref<10000xf32, #tpu.memory_space<vmem_shared>>) offsets(%dma_start3A_268 : memref<128xi32, #tpu.memory_space<vmem>>) semaphore(%arg18 : memref<!tpu.dma_semaphore, #tpu.memory_space<semaphore_mem>>) {add = true}
      %add3A_271 = arith.constant 4 : i32
      %add3A_272 = arith.addi %mul3A_164, %add3A_271 : i32
      %dma_start3A_273 = arith.constant 0 : i32
      %dma_start3A_274 = tpu.memref_slice %arg10[%add3A_272, %dma_start3A_273] : memref<79x128xi32, #tpu.memory_space<vmem>> -> memref<1x128xi32, #tpu.memory_space<vmem>>
      %dma_start3A_275 = tpu.memref_squeeze %dma_start3A_274 : memref<1x128xi32, #tpu.memory_space<vmem>> -> memref<128xi32, #tpu.memory_space<vmem>>
      %dma_start3A_276 = arith.constant 0 : i32
      %dma_start3A_277 = tpu.memref_slice %arg15[%dma_start3A_276] : memref<10000xf32, #tpu.memory_space<vmem_shared>> -> memref<10000xf32, #tpu.memory_space<vmem_shared>>
      tpu.enqueue_indirect_dma source(%arg12 : memref<128xf32, #tpu.memory_space<vmem>>) target(%dma_start3A_277 : memref<10000xf32, #tpu.memory_space<vmem_shared>>) offsets(%dma_start3A_275 : memref<128xi32, #tpu.memory_space<vmem>>) semaphore(%arg18 : memref<!tpu.dma_semaphore, #tpu.memory_space<semaphore_mem>>) {add = true}
      %add3A_278 = arith.constant 5 : i32
      %add3A_279 = arith.addi %mul3A_164, %add3A_278 : i32
      %dma_start3A_280 = arith.constant 0 : i32
      %dma_start3A_281 = tpu.memref_slice %arg10[%add3A_279, %dma_start3A_280] : memref<79x128xi32, #tpu.memory_space<vmem>> -> memref<1x128xi32, #tpu.memory_space<vmem>>
      %dma_start3A_282 = tpu.memref_squeeze %dma_start3A_281 : memref<1x128xi32, #tpu.memory_space<vmem>> -> memref<128xi32, #tpu.memory_space<vmem>>
      %dma_start3A_283 = arith.constant 0 : i32
      %dma_start3A_284 = tpu.memref_slice %arg15[%dma_start3A_283] : memref<10000xf32, #tpu.memory_space<vmem_shared>> -> memref<10000xf32, #tpu.memory_space<vmem_shared>>
      tpu.enqueue_indirect_dma source(%arg12 : memref<128xf32, #tpu.memory_space<vmem>>) target(%dma_start3A_284 : memref<10000xf32, #tpu.memory_space<vmem_shared>>) offsets(%dma_start3A_282 : memref<128xi32, #tpu.memory_space<vmem>>) semaphore(%arg18 : memref<!tpu.dma_semaphore, #tpu.memory_space<semaphore_mem>>) {add = true}
      %dma_wait3A_285 = arith.constant 0 : i32
      %dma_wait3A_286 = arith.constant 0 : i32
      %dma_wait3A_287 = arith.constant 0 : i32
      %dma_wait3A_288 = tpu.memref_slice %arg11[%dma_wait3A_285, %dma_wait3A_286, %dma_wait3A_287] : memref<6x128x16xf32, #tpu.memory_space<vmem>> -> memref<1x128x16xf32, #tpu.memory_space<vmem>>
      %dma_wait3A_289 = tpu.memref_squeeze %dma_wait3A_288 : memref<1x128x16xf32, #tpu.memory_space<vmem>> -> memref<128x16xf32, #tpu.memory_space<vmem>>
      %dma_wait3A_290 = arith.constant 0 : i32
      %dma_wait3A_291 = tpu.memref_slice %arg9[%add3A_166, %dma_wait3A_290] : memref<79x128xi32, #tpu.memory_space<vmem>> -> memref<1x128xi32, #tpu.memory_space<vmem>>
      %dma_wait3A_292 = tpu.memref_squeeze %dma_wait3A_291 : memref<1x128xi32, #tpu.memory_space<vmem>> -> memref<128xi32, #tpu.memory_space<vmem>>
      %dma_wait3A_293 = arith.constant 0 : i32
      %dma_wait3A_294 = arith.constant 0 : i32
      %dma_wait3A_295 = tpu.memref_slice %arg13[%dma_wait3A_293, %dma_wait3A_294] : memref<10000x16xf32, #tpu.memory_space<vmem_shared>> -> memref<10000x16xf32, #tpu.memory_space<vmem_shared>>
      tpu.wait_indirect_dma semaphore(%arg17 : memref<!tpu.dma_semaphore, #tpu.memory_space<semaphore_mem>>) src(%dma_wait3A_295 : memref<10000x16xf32, #tpu.memory_space<vmem_shared>>) dst(%dma_wait3A_289 : memref<128x16xf32, #tpu.memory_space<vmem>>)
      %add3A_296 = arith.constant 0 : i32
      %add3A_297 = arith.addi %mul3A_164, %add3A_296 : i32
      %dma_start3A_298 = arith.constant 0 : i32
      %dma_start3A_299 = arith.constant 0 : i32
      %dma_start3A_300 = arith.constant 0 : i32
      %dma_start3A_301 = tpu.memref_slice %arg11[%dma_start3A_298, %dma_start3A_299, %dma_start3A_300] : memref<6x128x16xf32, #tpu.memory_space<vmem>> -> memref<1x128x16xf32, #tpu.memory_space<vmem>>
      %dma_start3A_302 = tpu.memref_squeeze %dma_start3A_301 : memref<1x128x16xf32, #tpu.memory_space<vmem>> -> memref<128x16xf32, #tpu.memory_space<vmem>>
      %dma_start3A_303 = arith.constant 0 : i32
      %dma_start3A_304 = tpu.memref_slice %arg10[%add3A_297, %dma_start3A_303] : memref<79x128xi32, #tpu.memory_space<vmem>> -> memref<1x128xi32, #tpu.memory_space<vmem>>
      %dma_start3A_305 = tpu.memref_squeeze %dma_start3A_304 : memref<1x128xi32, #tpu.memory_space<vmem>> -> memref<128xi32, #tpu.memory_space<vmem>>
      %dma_start3A_306 = arith.constant 0 : i32
      %dma_start3A_307 = arith.constant 0 : i32
      %dma_start3A_308 = tpu.memref_slice %arg14[%dma_start3A_306, %dma_start3A_307] : memref<10000x16xf32, #tpu.memory_space<vmem_shared>> -> memref<10000x16xf32, #tpu.memory_space<vmem_shared>>
      tpu.enqueue_indirect_dma source(%dma_start3A_302 : memref<128x16xf32, #tpu.memory_space<vmem>>) target(%dma_start3A_308 : memref<10000x16xf32, #tpu.memory_space<vmem_shared>>) offsets(%dma_start3A_305 : memref<128xi32, #tpu.memory_space<vmem>>) semaphore(%arg19 : memref<!tpu.dma_semaphore, #tpu.memory_space<semaphore_mem>>) {add = true}
      %dma_wait3A_309 = arith.constant 1 : i32
      %dma_wait3A_310 = arith.constant 0 : i32
      %dma_wait3A_311 = arith.constant 0 : i32
      %dma_wait3A_312 = tpu.memref_slice %arg11[%dma_wait3A_309, %dma_wait3A_310, %dma_wait3A_311] : memref<6x128x16xf32, #tpu.memory_space<vmem>> -> memref<1x128x16xf32, #tpu.memory_space<vmem>>
      %dma_wait3A_313 = tpu.memref_squeeze %dma_wait3A_312 : memref<1x128x16xf32, #tpu.memory_space<vmem>> -> memref<128x16xf32, #tpu.memory_space<vmem>>
      %dma_wait3A_314 = arith.constant 0 : i32
      %dma_wait3A_315 = tpu.memref_slice %arg9[%add3A_179, %dma_wait3A_314] : memref<79x128xi32, #tpu.memory_space<vmem>> -> memref<1x128xi32, #tpu.memory_space<vmem>>
      %dma_wait3A_316 = tpu.memref_squeeze %dma_wait3A_315 : memref<1x128xi32, #tpu.memory_space<vmem>> -> memref<128xi32, #tpu.memory_space<vmem>>
      %dma_wait3A_317 = arith.constant 0 : i32
      %dma_wait3A_318 = arith.constant 0 : i32
      %dma_wait3A_319 = tpu.memref_slice %arg13[%dma_wait3A_317, %dma_wait3A_318] : memref<10000x16xf32, #tpu.memory_space<vmem_shared>> -> memref<10000x16xf32, #tpu.memory_space<vmem_shared>>
      tpu.wait_indirect_dma semaphore(%arg17 : memref<!tpu.dma_semaphore, #tpu.memory_space<semaphore_mem>>) src(%dma_wait3A_319 : memref<10000x16xf32, #tpu.memory_space<vmem_shared>>) dst(%dma_wait3A_313 : memref<128x16xf32, #tpu.memory_space<vmem>>)
      %add3A_320 = arith.constant 1 : i32
      %add3A_321 = arith.addi %mul3A_164, %add3A_320 : i32
      %dma_start3A_322 = arith.constant 1 : i32
      %dma_start3A_323 = arith.constant 0 : i32
      %dma_start3A_324 = arith.constant 0 : i32
      %dma_start3A_325 = tpu.memref_slice %arg11[%dma_start3A_322, %dma_start3A_323, %dma_start3A_324] : memref<6x128x16xf32, #tpu.memory_space<vmem>> -> memref<1x128x16xf32, #tpu.memory_space<vmem>>
      %dma_start3A_326 = tpu.memref_squeeze %dma_start3A_325 : memref<1x128x16xf32, #tpu.memory_space<vmem>> -> memref<128x16xf32, #tpu.memory_space<vmem>>
      %dma_start3A_327 = arith.constant 0 : i32
      %dma_start3A_328 = tpu.memref_slice %arg10[%add3A_321, %dma_start3A_327] : memref<79x128xi32, #tpu.memory_space<vmem>> -> memref<1x128xi32, #tpu.memory_space<vmem>>
      %dma_start3A_329 = tpu.memref_squeeze %dma_start3A_328 : memref<1x128xi32, #tpu.memory_space<vmem>> -> memref<128xi32, #tpu.memory_space<vmem>>
      %dma_start3A_330 = arith.constant 0 : i32
      %dma_start3A_331 = arith.constant 0 : i32
      %dma_start3A_332 = tpu.memref_slice %arg14[%dma_start3A_330, %dma_start3A_331] : memref<10000x16xf32, #tpu.memory_space<vmem_shared>> -> memref<10000x16xf32, #tpu.memory_space<vmem_shared>>
      tpu.enqueue_indirect_dma source(%dma_start3A_326 : memref<128x16xf32, #tpu.memory_space<vmem>>) target(%dma_start3A_332 : memref<10000x16xf32, #tpu.memory_space<vmem_shared>>) offsets(%dma_start3A_329 : memref<128xi32, #tpu.memory_space<vmem>>) semaphore(%arg19 : memref<!tpu.dma_semaphore, #tpu.memory_space<semaphore_mem>>) {add = true}
      %dma_wait3A_333 = arith.constant 2 : i32
      %dma_wait3A_334 = arith.constant 0 : i32
      %dma_wait3A_335 = arith.constant 0 : i32
      %dma_wait3A_336 = tpu.memref_slice %arg11[%dma_wait3A_333, %dma_wait3A_334, %dma_wait3A_335] : memref<6x128x16xf32, #tpu.memory_space<vmem>> -> memref<1x128x16xf32, #tpu.memory_space<vmem>>
      %dma_wait3A_337 = tpu.memref_squeeze %dma_wait3A_336 : memref<1x128x16xf32, #tpu.memory_space<vmem>> -> memref<128x16xf32, #tpu.memory_space<vmem>>
      %dma_wait3A_338 = arith.constant 0 : i32
      %dma_wait3A_339 = tpu.memref_slice %arg9[%add3A_192, %dma_wait3A_338] : memref<79x128xi32, #tpu.memory_space<vmem>> -> memref<1x128xi32, #tpu.memory_space<vmem>>
      %dma_wait3A_340 = tpu.memref_squeeze %dma_wait3A_339 : memref<1x128xi32, #tpu.memory_space<vmem>> -> memref<128xi32, #tpu.memory_space<vmem>>
      %dma_wait3A_341 = arith.constant 0 : i32
      %dma_wait3A_342 = arith.constant 0 : i32
      %dma_wait3A_343 = tpu.memref_slice %arg13[%dma_wait3A_341, %dma_wait3A_342] : memref<10000x16xf32, #tpu.memory_space<vmem_shared>> -> memref<10000x16xf32, #tpu.memory_space<vmem_shared>>
      tpu.wait_indirect_dma semaphore(%arg17 : memref<!tpu.dma_semaphore, #tpu.memory_space<semaphore_mem>>) src(%dma_wait3A_343 : memref<10000x16xf32, #tpu.memory_space<vmem_shared>>) dst(%dma_wait3A_337 : memref<128x16xf32, #tpu.memory_space<vmem>>)
      %add3A_344 = arith.constant 2 : i32
      %add3A_345 = arith.addi %mul3A_164, %add3A_344 : i32
      %dma_start3A_346 = arith.constant 2 : i32
      %dma_start3A_347 = arith.constant 0 : i32
      %dma_start3A_348 = arith.constant 0 : i32
      %dma_start3A_349 = tpu.memref_slice %arg11[%dma_start3A_346, %dma_start3A_347, %dma_start3A_348] : memref<6x128x16xf32, #tpu.memory_space<vmem>> -> memref<1x128x16xf32, #tpu.memory_space<vmem>>
      %dma_start3A_350 = tpu.memref_squeeze %dma_start3A_349 : memref<1x128x16xf32, #tpu.memory_space<vmem>> -> memref<128x16xf32, #tpu.memory_space<vmem>>
      %dma_start3A_351 = arith.constant 0 : i32
      %dma_start3A_352 = tpu.memref_slice %arg10[%add3A_345, %dma_start3A_351] : memref<79x128xi32, #tpu.memory_space<vmem>> -> memref<1x128xi32, #tpu.memory_space<vmem>>
      %dma_start3A_353 = tpu.memref_squeeze %dma_start3A_352 : memref<1x128xi32, #tpu.memory_space<vmem>> -> memref<128xi32, #tpu.memory_space<vmem>>
      %dma_start3A_354 = arith.constant 0 : i32
      %dma_start3A_355 = arith.constant 0 : i32
      %dma_start3A_356 = tpu.memref_slice %arg14[%dma_start3A_354, %dma_start3A_355] : memref<10000x16xf32, #tpu.memory_space<vmem_shared>> -> memref<10000x16xf32, #tpu.memory_space<vmem_shared>>
      tpu.enqueue_indirect_dma source(%dma_start3A_350 : memref<128x16xf32, #tpu.memory_space<vmem>>) target(%dma_start3A_356 : memref<10000x16xf32, #tpu.memory_space<vmem_shared>>) offsets(%dma_start3A_353 : memref<128xi32, #tpu.memory_space<vmem>>) semaphore(%arg19 : memref<!tpu.dma_semaphore, #tpu.memory_space<semaphore_mem>>) {add = true}
      %dma_wait3A_357 = arith.constant 3 : i32
      %dma_wait3A_358 = arith.constant 0 : i32
      %dma_wait3A_359 = arith.constant 0 : i32
      %dma_wait3A_360 = tpu.memref_slice %arg11[%dma_wait3A_357, %dma_wait3A_358, %dma_wait3A_359] : memref<6x128x16xf32, #tpu.memory_space<vmem>> -> memref<1x128x16xf32, #tpu.memory_space<vmem>>
      %dma_wait3A_361 = tpu.memref_squeeze %dma_wait3A_360 : memref<1x128x16xf32, #tpu.memory_space<vmem>> -> memref<128x16xf32, #tpu.memory_space<vmem>>
      %dma_wait3A_362 = arith.constant 0 : i32
      %dma_wait3A_363 = tpu.memref_slice %arg9[%add3A_205, %dma_wait3A_362] : memref<79x128xi32, #tpu.memory_space<vmem>> -> memref<1x128xi32, #tpu.memory_space<vmem>>
      %dma_wait3A_364 = tpu.memref_squeeze %dma_wait3A_363 : memref<1x128xi32, #tpu.memory_space<vmem>> -> memref<128xi32, #tpu.memory_space<vmem>>
      %dma_wait3A_365 = arith.constant 0 : i32
      %dma_wait3A_366 = arith.constant 0 : i32
      %dma_wait3A_367 = tpu.memref_slice %arg13[%dma_wait3A_365, %dma_wait3A_366] : memref<10000x16xf32, #tpu.memory_space<vmem_shared>> -> memref<10000x16xf32, #tpu.memory_space<vmem_shared>>
      tpu.wait_indirect_dma semaphore(%arg17 : memref<!tpu.dma_semaphore, #tpu.memory_space<semaphore_mem>>) src(%dma_wait3A_367 : memref<10000x16xf32, #tpu.memory_space<vmem_shared>>) dst(%dma_wait3A_361 : memref<128x16xf32, #tpu.memory_space<vmem>>)
      %add3A_368 = arith.constant 3 : i32
      %add3A_369 = arith.addi %mul3A_164, %add3A_368 : i32
      %dma_start3A_370 = arith.constant 3 : i32
      %dma_start3A_371 = arith.constant 0 : i32
      %dma_start3A_372 = arith.constant 0 : i32
      %dma_start3A_373 = tpu.memref_slice %arg11[%dma_start3A_370, %dma_start3A_371, %dma_start3A_372] : memref<6x128x16xf32, #tpu.memory_space<vmem>> -> memref<1x128x16xf32, #tpu.memory_space<vmem>>
      %dma_start3A_374 = tpu.memref_squeeze %dma_start3A_373 : memref<1x128x16xf32, #tpu.memory_space<vmem>> -> memref<128x16xf32, #tpu.memory_space<vmem>>
      %dma_start3A_375 = arith.constant 0 : i32
      %dma_start3A_376 = tpu.memref_slice %arg10[%add3A_369, %dma_start3A_375] : memref<79x128xi32, #tpu.memory_space<vmem>> -> memref<1x128xi32, #tpu.memory_space<vmem>>
      %dma_start3A_377 = tpu.memref_squeeze %dma_start3A_376 : memref<1x128xi32, #tpu.memory_space<vmem>> -> memref<128xi32, #tpu.memory_space<vmem>>
      %dma_start3A_378 = arith.constant 0 : i32
      %dma_start3A_379 = arith.constant 0 : i32
      %dma_start3A_380 = tpu.memref_slice %arg14[%dma_start3A_378, %dma_start3A_379] : memref<10000x16xf32, #tpu.memory_space<vmem_shared>> -> memref<10000x16xf32, #tpu.memory_space<vmem_shared>>
      tpu.enqueue_indirect_dma source(%dma_start3A_374 : memref<128x16xf32, #tpu.memory_space<vmem>>) target(%dma_start3A_380 : memref<10000x16xf32, #tpu.memory_space<vmem_shared>>) offsets(%dma_start3A_377 : memref<128xi32, #tpu.memory_space<vmem>>) semaphore(%arg19 : memref<!tpu.dma_semaphore, #tpu.memory_space<semaphore_mem>>) {add = true}
      %dma_wait3A_381 = arith.constant 4 : i32
      %dma_wait3A_382 = arith.constant 0 : i32
      %dma_wait3A_383 = arith.constant 0 : i32
      %dma_wait3A_384 = tpu.memref_slice %arg11[%dma_wait3A_381, %dma_wait3A_382, %dma_wait3A_383] : memref<6x128x16xf32, #tpu.memory_space<vmem>> -> memref<1x128x16xf32, #tpu.memory_space<vmem>>
      %dma_wait3A_385 = tpu.memref_squeeze %dma_wait3A_384 : memref<1x128x16xf32, #tpu.memory_space<vmem>> -> memref<128x16xf32, #tpu.memory_space<vmem>>
      %dma_wait3A_386 = arith.constant 0 : i32
      %dma_wait3A_387 = tpu.memref_slice %arg9[%add3A_218, %dma_wait3A_386] : memref<79x128xi32, #tpu.memory_space<vmem>> -> memref<1x128xi32, #tpu.memory_space<vmem>>
      %dma_wait3A_388 = tpu.memref_squeeze %dma_wait3A_387 : memref<1x128xi32, #tpu.memory_space<vmem>> -> memref<128xi32, #tpu.memory_space<vmem>>
      %dma_wait3A_389 = arith.constant 0 : i32
      %dma_wait3A_390 = arith.constant 0 : i32
      %dma_wait3A_391 = tpu.memref_slice %arg13[%dma_wait3A_389, %dma_wait3A_390] : memref<10000x16xf32, #tpu.memory_space<vmem_shared>> -> memref<10000x16xf32, #tpu.memory_space<vmem_shared>>
      tpu.wait_indirect_dma semaphore(%arg17 : memref<!tpu.dma_semaphore, #tpu.memory_space<semaphore_mem>>) src(%dma_wait3A_391 : memref<10000x16xf32, #tpu.memory_space<vmem_shared>>) dst(%dma_wait3A_385 : memref<128x16xf32, #tpu.memory_space<vmem>>)
      %add3A_392 = arith.constant 4 : i32
      %add3A_393 = arith.addi %mul3A_164, %add3A_392 : i32
      %dma_start3A_394 = arith.constant 4 : i32
      %dma_start3A_395 = arith.constant 0 : i32
      %dma_start3A_396 = arith.constant 0 : i32
      %dma_start3A_397 = tpu.memref_slice %arg11[%dma_start3A_394, %dma_start3A_395, %dma_start3A_396] : memref<6x128x16xf32, #tpu.memory_space<vmem>> -> memref<1x128x16xf32, #tpu.memory_space<vmem>>
      %dma_start3A_398 = tpu.memref_squeeze %dma_start3A_397 : memref<1x128x16xf32, #tpu.memory_space<vmem>> -> memref<128x16xf32, #tpu.memory_space<vmem>>
      %dma_start3A_399 = arith.constant 0 : i32
      %dma_start3A_400 = tpu.memref_slice %arg10[%add3A_393, %dma_start3A_399] : memref<79x128xi32, #tpu.memory_space<vmem>> -> memref<1x128xi32, #tpu.memory_space<vmem>>
      %dma_start3A_401 = tpu.memref_squeeze %dma_start3A_400 : memref<1x128xi32, #tpu.memory_space<vmem>> -> memref<128xi32, #tpu.memory_space<vmem>>
      %dma_start3A_402 = arith.constant 0 : i32
      %dma_start3A_403 = arith.constant 0 : i32
      %dma_start3A_404 = tpu.memref_slice %arg14[%dma_start3A_402, %dma_start3A_403] : memref<10000x16xf32, #tpu.memory_space<vmem_shared>> -> memref<10000x16xf32, #tpu.memory_space<vmem_shared>>
      tpu.enqueue_indirect_dma source(%dma_start3A_398 : memref<128x16xf32, #tpu.memory_space<vmem>>) target(%dma_start3A_404 : memref<10000x16xf32, #tpu.memory_space<vmem_shared>>) offsets(%dma_start3A_401 : memref<128xi32, #tpu.memory_space<vmem>>) semaphore(%arg19 : memref<!tpu.dma_semaphore, #tpu.memory_space<semaphore_mem>>) {add = true}
      %dma_wait3A_405 = arith.constant 5 : i32
      %dma_wait3A_406 = arith.constant 0 : i32
      %dma_wait3A_407 = arith.constant 0 : i32
      %dma_wait3A_408 = tpu.memref_slice %arg11[%dma_wait3A_405, %dma_wait3A_406, %dma_wait3A_407] : memref<6x128x16xf32, #tpu.memory_space<vmem>> -> memref<1x128x16xf32, #tpu.memory_space<vmem>>
      %dma_wait3A_409 = tpu.memref_squeeze %dma_wait3A_408 : memref<1x128x16xf32, #tpu.memory_space<vmem>> -> memref<128x16xf32, #tpu.memory_space<vmem>>
      %dma_wait3A_410 = arith.constant 0 : i32
      %dma_wait3A_411 = tpu.memref_slice %arg9[%add3A_231, %dma_wait3A_410] : memref<79x128xi32, #tpu.memory_space<vmem>> -> memref<1x128xi32, #tpu.memory_space<vmem>>
      %dma_wait3A_412 = tpu.memref_squeeze %dma_wait3A_411 : memref<1x128xi32, #tpu.memory_space<vmem>> -> memref<128xi32, #tpu.memory_space<vmem>>
      %dma_wait3A_413 = arith.constant 0 : i32
      %dma_wait3A_414 = arith.constant 0 : i32
      %dma_wait3A_415 = tpu.memref_slice %arg13[%dma_wait3A_413, %dma_wait3A_414] : memref<10000x16xf32, #tpu.memory_space<vmem_shared>> -> memref<10000x16xf32, #tpu.memory_space<vmem_shared>>
      tpu.wait_indirect_dma semaphore(%arg17 : memref<!tpu.dma_semaphore, #tpu.memory_space<semaphore_mem>>) src(%dma_wait3A_415 : memref<10000x16xf32, #tpu.memory_space<vmem_shared>>) dst(%dma_wait3A_409 : memref<128x16xf32, #tpu.memory_space<vmem>>)
      %add3A_416 = arith.constant 5 : i32
      %add3A_417 = arith.addi %mul3A_164, %add3A_416 : i32
      %dma_start3A_418 = arith.constant 5 : i32
      %dma_start3A_419 = arith.constant 0 : i32
      %dma_start3A_420 = arith.constant 0 : i32
      %dma_start3A_421 = tpu.memref_slice %arg11[%dma_start3A_418, %dma_start3A_419, %dma_start3A_420] : memref<6x128x16xf32, #tpu.memory_space<vmem>> -> memref<1x128x16xf32, #tpu.memory_space<vmem>>
      %dma_start3A_422 = tpu.memref_squeeze %dma_start3A_421 : memref<1x128x16xf32, #tpu.memory_space<vmem>> -> memref<128x16xf32, #tpu.memory_space<vmem>>
      %dma_start3A_423 = arith.constant 0 : i32
      %dma_start3A_424 = tpu.memref_slice %arg10[%add3A_417, %dma_start3A_423] : memref<79x128xi32, #tpu.memory_space<vmem>> -> memref<1x128xi32, #tpu.memory_space<vmem>>
      %dma_start3A_425 = tpu.memref_squeeze %dma_start3A_424 : memref<1x128xi32, #tpu.memory_space<vmem>> -> memref<128xi32, #tpu.memory_space<vmem>>
      %dma_start3A_426 = arith.constant 0 : i32
      %dma_start3A_427 = arith.constant 0 : i32
      %dma_start3A_428 = tpu.memref_slice %arg14[%dma_start3A_426, %dma_start3A_427] : memref<10000x16xf32, #tpu.memory_space<vmem_shared>> -> memref<10000x16xf32, #tpu.memory_space<vmem_shared>>
      tpu.enqueue_indirect_dma source(%dma_start3A_422 : memref<128x16xf32, #tpu.memory_space<vmem>>) target(%dma_start3A_428 : memref<10000x16xf32, #tpu.memory_space<vmem_shared>>) offsets(%dma_start3A_425 : memref<128xi32, #tpu.memory_space<vmem>>) semaphore(%arg19 : memref<!tpu.dma_semaphore, #tpu.memory_space<semaphore_mem>>) {add = true}
      %dma_wait3A_429 = arith.constant 0 : i32
      %dma_wait3A_430 = tpu.memref_slice %arg10[%add3A_244, %dma_wait3A_429] : memref<79x128xi32, #tpu.memory_space<vmem>> -> memref<1x128xi32, #tpu.memory_space<vmem>>
      %dma_wait3A_431 = tpu.memref_squeeze %dma_wait3A_430 : memref<1x128xi32, #tpu.memory_space<vmem>> -> memref<128xi32, #tpu.memory_space<vmem>>
      %dma_wait3A_432 = arith.constant 0 : i32
      %dma_wait3A_433 = tpu.memref_slice %arg15[%dma_wait3A_432] : memref<10000xf32, #tpu.memory_space<vmem_shared>> -> memref<10000xf32, #tpu.memory_space<vmem_shared>>
      tpu.wait_indirect_dma semaphore(%arg18 : memref<!tpu.dma_semaphore, #tpu.memory_space<semaphore_mem>>) src(%arg12 : memref<128xf32, #tpu.memory_space<vmem>>) dst(%dma_wait3A_433 : memref<10000xf32, #tpu.memory_space<vmem_shared>>)
      %dma_wait3A_434 = arith.constant 0 : i32
      %dma_wait3A_435 = tpu.memref_slice %arg10[%add3A_251, %dma_wait3A_434] : memref<79x128xi32, #tpu.memory_space<vmem>> -> memref<1x128xi32, #tpu.memory_space<vmem>>
      %dma_wait3A_436 = tpu.memref_squeeze %dma_wait3A_435 : memref<1x128xi32, #tpu.memory_space<vmem>> -> memref<128xi32, #tpu.memory_space<vmem>>
      %dma_wait3A_437 = arith.constant 0 : i32
      %dma_wait3A_438 = tpu.memref_slice %arg15[%dma_wait3A_437] : memref<10000xf32, #tpu.memory_space<vmem_shared>> -> memref<10000xf32, #tpu.memory_space<vmem_shared>>
      tpu.wait_indirect_dma semaphore(%arg18 : memref<!tpu.dma_semaphore, #tpu.memory_space<semaphore_mem>>) src(%arg12 : memref<128xf32, #tpu.memory_space<vmem>>) dst(%dma_wait3A_438 : memref<10000xf32, #tpu.memory_space<vmem_shared>>)
      %dma_wait3A_439 = arith.constant 0 : i32
      %dma_wait3A_440 = tpu.memref_slice %arg10[%add3A_258, %dma_wait3A_439] : memref<79x128xi32, #tpu.memory_space<vmem>> -> memref<1x128xi32, #tpu.memory_space<vmem>>
      %dma_wait3A_441 = tpu.memref_squeeze %dma_wait3A_440 : memref<1x128xi32, #tpu.memory_space<vmem>> -> memref<128xi32, #tpu.memory_space<vmem>>
      %dma_wait3A_442 = arith.constant 0 : i32
      %dma_wait3A_443 = tpu.memref_slice %arg15[%dma_wait3A_442] : memref<10000xf32, #tpu.memory_space<vmem_shared>> -> memref<10000xf32, #tpu.memory_space<vmem_shared>>
      tpu.wait_indirect_dma semaphore(%arg18 : memref<!tpu.dma_semaphore, #tpu.memory_space<semaphore_mem>>) src(%arg12 : memref<128xf32, #tpu.memory_space<vmem>>) dst(%dma_wait3A_443 : memref<10000xf32, #tpu.memory_space<vmem_shared>>)
      %dma_wait3A_444 = arith.constant 0 : i32
      %dma_wait3A_445 = tpu.memref_slice %arg10[%add3A_265, %dma_wait3A_444] : memref<79x128xi32, #tpu.memory_space<vmem>> -> memref<1x128xi32, #tpu.memory_space<vmem>>
      %dma_wait3A_446 = tpu.memref_squeeze %dma_wait3A_445 : memref<1x128xi32, #tpu.memory_space<vmem>> -> memref<128xi32, #tpu.memory_space<vmem>>
      %dma_wait3A_447 = arith.constant 0 : i32
      %dma_wait3A_448 = tpu.memref_slice %arg15[%dma_wait3A_447] : memref<10000xf32, #tpu.memory_space<vmem_shared>> -> memref<10000xf32, #tpu.memory_space<vmem_shared>>
      tpu.wait_indirect_dma semaphore(%arg18 : memref<!tpu.dma_semaphore, #tpu.memory_space<semaphore_mem>>) src(%arg12 : memref<128xf32, #tpu.memory_space<vmem>>) dst(%dma_wait3A_448 : memref<10000xf32, #tpu.memory_space<vmem_shared>>)
      %dma_wait3A_449 = arith.constant 0 : i32
      %dma_wait3A_450 = tpu.memref_slice %arg10[%add3A_272, %dma_wait3A_449] : memref<79x128xi32, #tpu.memory_space<vmem>> -> memref<1x128xi32, #tpu.memory_space<vmem>>
      %dma_wait3A_451 = tpu.memref_squeeze %dma_wait3A_450 : memref<1x128xi32, #tpu.memory_space<vmem>> -> memref<128xi32, #tpu.memory_space<vmem>>
      %dma_wait3A_452 = arith.constant 0 : i32
      %dma_wait3A_453 = tpu.memref_slice %arg15[%dma_wait3A_452] : memref<10000xf32, #tpu.memory_space<vmem_shared>> -> memref<10000xf32, #tpu.memory_space<vmem_shared>>
      tpu.wait_indirect_dma semaphore(%arg18 : memref<!tpu.dma_semaphore, #tpu.memory_space<semaphore_mem>>) src(%arg12 : memref<128xf32, #tpu.memory_space<vmem>>) dst(%dma_wait3A_453 : memref<10000xf32, #tpu.memory_space<vmem_shared>>)
      %dma_wait3A_454 = arith.constant 0 : i32
      %dma_wait3A_455 = tpu.memref_slice %arg10[%add3A_279, %dma_wait3A_454] : memref<79x128xi32, #tpu.memory_space<vmem>> -> memref<1x128xi32, #tpu.memory_space<vmem>>
      %dma_wait3A_456 = tpu.memref_squeeze %dma_wait3A_455 : memref<1x128xi32, #tpu.memory_space<vmem>> -> memref<128xi32, #tpu.memory_space<vmem>>
      %dma_wait3A_457 = arith.constant 0 : i32
      %dma_wait3A_458 = tpu.memref_slice %arg15[%dma_wait3A_457] : memref<10000xf32, #tpu.memory_space<vmem_shared>> -> memref<10000xf32, #tpu.memory_space<vmem_shared>>
      tpu.wait_indirect_dma semaphore(%arg18 : memref<!tpu.dma_semaphore, #tpu.memory_space<semaphore_mem>>) src(%arg12 : memref<128xf32, #tpu.memory_space<vmem>>) dst(%dma_wait3A_458 : memref<10000xf32, #tpu.memory_space<vmem_shared>>)
      %dma_wait3A_459 = arith.constant 0 : i32
      %dma_wait3A_460 = arith.constant 0 : i32
      %dma_wait3A_461 = arith.constant 0 : i32
      %dma_wait3A_462 = tpu.memref_slice %arg11[%dma_wait3A_459, %dma_wait3A_460, %dma_wait3A_461] : memref<6x128x16xf32, #tpu.memory_space<vmem>> -> memref<1x128x16xf32, #tpu.memory_space<vmem>>
      %dma_wait3A_463 = tpu.memref_squeeze %dma_wait3A_462 : memref<1x128x16xf32, #tpu.memory_space<vmem>> -> memref<128x16xf32, #tpu.memory_space<vmem>>
      %dma_wait3A_464 = arith.constant 0 : i32
      %dma_wait3A_465 = tpu.memref_slice %arg10[%add3A_297, %dma_wait3A_464] : memref<79x128xi32, #tpu.memory_space<vmem>> -> memref<1x128xi32, #tpu.memory_space<vmem>>
      %dma_wait3A_466 = tpu.memref_squeeze %dma_wait3A_465 : memref<1x128xi32, #tpu.memory_space<vmem>> -> memref<128xi32, #tpu.memory_space<vmem>>
      %dma_wait3A_467 = arith.constant 0 : i32
      %dma_wait3A_468 = arith.constant 0 : i32
      %dma_wait3A_469 = tpu.memref_slice %arg14[%dma_wait3A_467, %dma_wait3A_468] : memref<10000x16xf32, #tpu.memory_space<vmem_shared>> -> memref<10000x16xf32, #tpu.memory_space<vmem_shared>>
      tpu.wait_indirect_dma semaphore(%arg19 : memref<!tpu.dma_semaphore, #tpu.memory_space<semaphore_mem>>) src(%dma_wait3A_463 : memref<128x16xf32, #tpu.memory_space<vmem>>) dst(%dma_wait3A_469 : memref<10000x16xf32, #tpu.memory_space<vmem_shared>>)
      %dma_wait3A_470 = arith.constant 1 : i32
      %dma_wait3A_471 = arith.constant 0 : i32
      %dma_wait3A_472 = arith.constant 0 : i32
      %dma_wait3A_473 = tpu.memref_slice %arg11[%dma_wait3A_470, %dma_wait3A_471, %dma_wait3A_472] : memref<6x128x16xf32, #tpu.memory_space<vmem>> -> memref<1x128x16xf32, #tpu.memory_space<vmem>>
      %dma_wait3A_474 = tpu.memref_squeeze %dma_wait3A_473 : memref<1x128x16xf32, #tpu.memory_space<vmem>> -> memref<128x16xf32, #tpu.memory_space<vmem>>
      %dma_wait3A_475 = arith.constant 0 : i32
      %dma_wait3A_476 = tpu.memref_slice %arg10[%add3A_321, %dma_wait3A_475] : memref<79x128xi32, #tpu.memory_space<vmem>> -> memref<1x128xi32, #tpu.memory_space<vmem>>
      %dma_wait3A_477 = tpu.memref_squeeze %dma_wait3A_476 : memref<1x128xi32, #tpu.memory_space<vmem>> -> memref<128xi32, #tpu.memory_space<vmem>>
      %dma_wait3A_478 = arith.constant 0 : i32
      %dma_wait3A_479 = arith.constant 0 : i32
      %dma_wait3A_480 = tpu.memref_slice %arg14[%dma_wait3A_478, %dma_wait3A_479] : memref<10000x16xf32, #tpu.memory_space<vmem_shared>> -> memref<10000x16xf32, #tpu.memory_space<vmem_shared>>
      tpu.wait_indirect_dma semaphore(%arg19 : memref<!tpu.dma_semaphore, #tpu.memory_space<semaphore_mem>>) src(%dma_wait3A_474 : memref<128x16xf32, #tpu.memory_space<vmem>>) dst(%dma_wait3A_480 : memref<10000x16xf32, #tpu.memory_space<vmem_shared>>)
      %dma_wait3A_481 = arith.constant 2 : i32
      %dma_wait3A_482 = arith.constant 0 : i32
      %dma_wait3A_483 = arith.constant 0 : i32
      %dma_wait3A_484 = tpu.memref_slice %arg11[%dma_wait3A_481, %dma_wait3A_482, %dma_wait3A_483] : memref<6x128x16xf32, #tpu.memory_space<vmem>> -> memref<1x128x16xf32, #tpu.memory_space<vmem>>
      %dma_wait3A_485 = tpu.memref_squeeze %dma_wait3A_484 : memref<1x128x16xf32, #tpu.memory_space<vmem>> -> memref<128x16xf32, #tpu.memory_space<vmem>>
      %dma_wait3A_486 = arith.constant 0 : i32
      %dma_wait3A_487 = tpu.memref_slice %arg10[%add3A_345, %dma_wait3A_486] : memref<79x128xi32, #tpu.memory_space<vmem>> -> memref<1x128xi32, #tpu.memory_space<vmem>>
      %dma_wait3A_488 = tpu.memref_squeeze %dma_wait3A_487 : memref<1x128xi32, #tpu.memory_space<vmem>> -> memref<128xi32, #tpu.memory_space<vmem>>
      %dma_wait3A_489 = arith.constant 0 : i32
      %dma_wait3A_490 = arith.constant 0 : i32
      %dma_wait3A_491 = tpu.memref_slice %arg14[%dma_wait3A_489, %dma_wait3A_490] : memref<10000x16xf32, #tpu.memory_space<vmem_shared>> -> memref<10000x16xf32, #tpu.memory_space<vmem_shared>>
      tpu.wait_indirect_dma semaphore(%arg19 : memref<!tpu.dma_semaphore, #tpu.memory_space<semaphore_mem>>) src(%dma_wait3A_485 : memref<128x16xf32, #tpu.memory_space<vmem>>) dst(%dma_wait3A_491 : memref<10000x16xf32, #tpu.memory_space<vmem_shared>>)
      %dma_wait3A_492 = arith.constant 3 : i32
      %dma_wait3A_493 = arith.constant 0 : i32
      %dma_wait3A_494 = arith.constant 0 : i32
      %dma_wait3A_495 = tpu.memref_slice %arg11[%dma_wait3A_492, %dma_wait3A_493, %dma_wait3A_494] : memref<6x128x16xf32, #tpu.memory_space<vmem>> -> memref<1x128x16xf32, #tpu.memory_space<vmem>>
      %dma_wait3A_496 = tpu.memref_squeeze %dma_wait3A_495 : memref<1x128x16xf32, #tpu.memory_space<vmem>> -> memref<128x16xf32, #tpu.memory_space<vmem>>
      %dma_wait3A_497 = arith.constant 0 : i32
      %dma_wait3A_498 = tpu.memref_slice %arg10[%add3A_369, %dma_wait3A_497] : memref<79x128xi32, #tpu.memory_space<vmem>> -> memref<1x128xi32, #tpu.memory_space<vmem>>
      %dma_wait3A_499 = tpu.memref_squeeze %dma_wait3A_498 : memref<1x128xi32, #tpu.memory_space<vmem>> -> memref<128xi32, #tpu.memory_space<vmem>>
      %dma_wait3A_500 = arith.constant 0 : i32
      %dma_wait3A_501 = arith.constant 0 : i32
      %dma_wait3A_502 = tpu.memref_slice %arg14[%dma_wait3A_500, %dma_wait3A_501] : memref<10000x16xf32, #tpu.memory_space<vmem_shared>> -> memref<10000x16xf32, #tpu.memory_space<vmem_shared>>
      tpu.wait_indirect_dma semaphore(%arg19 : memref<!tpu.dma_semaphore, #tpu.memory_space<semaphore_mem>>) src(%dma_wait3A_496 : memref<128x16xf32, #tpu.memory_space<vmem>>) dst(%dma_wait3A_502 : memref<10000x16xf32, #tpu.memory_space<vmem_shared>>)
      %dma_wait3A_503 = arith.constant 4 : i32
      %dma_wait3A_504 = arith.constant 0 : i32
      %dma_wait3A_505 = arith.constant 0 : i32
      %dma_wait3A_506 = tpu.memref_slice %arg11[%dma_wait3A_503, %dma_wait3A_504, %dma_wait3A_505] : memref<6x128x16xf32, #tpu.memory_space<vmem>> -> memref<1x128x16xf32, #tpu.memory_space<vmem>>
      %dma_wait3A_507 = tpu.memref_squeeze %dma_wait3A_506 : memref<1x128x16xf32, #tpu.memory_space<vmem>> -> memref<128x16xf32, #tpu.memory_space<vmem>>
      %dma_wait3A_508 = arith.constant 0 : i32
      %dma_wait3A_509 = tpu.memref_slice %arg10[%add3A_393, %dma_wait3A_508] : memref<79x128xi32, #tpu.memory_space<vmem>> -> memref<1x128xi32, #tpu.memory_space<vmem>>
      %dma_wait3A_510 = tpu.memref_squeeze %dma_wait3A_509 : memref<1x128xi32, #tpu.memory_space<vmem>> -> memref<128xi32, #tpu.memory_space<vmem>>
      %dma_wait3A_511 = arith.constant 0 : i32
      %dma_wait3A_512 = arith.constant 0 : i32
      %dma_wait3A_513 = tpu.memref_slice %arg14[%dma_wait3A_511, %dma_wait3A_512] : memref<10000x16xf32, #tpu.memory_space<vmem_shared>> -> memref<10000x16xf32, #tpu.memory_space<vmem_shared>>
      tpu.wait_indirect_dma semaphore(%arg19 : memref<!tpu.dma_semaphore, #tpu.memory_space<semaphore_mem>>) src(%dma_wait3A_507 : memref<128x16xf32, #tpu.memory_space<vmem>>) dst(%dma_wait3A_513 : memref<10000x16xf32, #tpu.memory_space<vmem_shared>>)
      %dma_wait3A_514 = arith.constant 5 : i32
      %dma_wait3A_515 = arith.constant 0 : i32
      %dma_wait3A_516 = arith.constant 0 : i32
      %dma_wait3A_517 = tpu.memref_slice %arg11[%dma_wait3A_514, %dma_wait3A_515, %dma_wait3A_516] : memref<6x128x16xf32, #tpu.memory_space<vmem>> -> memref<1x128x16xf32, #tpu.memory_space<vmem>>
      %dma_wait3A_518 = tpu.memref_squeeze %dma_wait3A_517 : memref<1x128x16xf32, #tpu.memory_space<vmem>> -> memref<128x16xf32, #tpu.memory_space<vmem>>
      %dma_wait3A_519 = arith.constant 0 : i32
      %dma_wait3A_520 = tpu.memref_slice %arg10[%add3A_417, %dma_wait3A_519] : memref<79x128xi32, #tpu.memory_space<vmem>> -> memref<1x128xi32, #tpu.memory_space<vmem>>
      %dma_wait3A_521 = tpu.memref_squeeze %dma_wait3A_520 : memref<1x128xi32, #tpu.memory_space<vmem>> -> memref<128xi32, #tpu.memory_space<vmem>>
      %dma_wait3A_522 = arith.constant 0 : i32
      %dma_wait3A_523 = arith.constant 0 : i32
      %dma_wait3A_524 = tpu.memref_slice %arg14[%dma_wait3A_522, %dma_wait3A_523] : memref<10000x16xf32, #tpu.memory_space<vmem_shared>> -> memref<10000x16xf32, #tpu.memory_space<vmem_shared>>
      tpu.wait_indirect_dma semaphore(%arg19 : memref<!tpu.dma_semaphore, #tpu.memory_space<semaphore_mem>>) src(%dma_wait3A_518 : memref<128x16xf32, #tpu.memory_space<vmem>>) dst(%dma_wait3A_524 : memref<10000x16xf32, #tpu.memory_space<vmem_shared>>)
    }
    %scan3A_145 = arith.constant 13 : i32
    %lt3A_146 = arith.constant 4 : i32
    %lt3A_147 = arith.cmpi slt, %add3A, %lt3A_146 : i32
    %convert_element_type3A_148 = arith.extui %lt3A_147 : i1 to i32
    %cond3A_149 = arith.constant 0 : i32
    %cond3A_150 = arith.cmpi ne, %convert_element_type3A_148, %cond3A_149 : i32
    scf.if %cond3A_150 {
      %dma_start3A_162 = arith.constant 78 : i32
      %dma_start3A_163 = arith.constant 0 : i32
      %dma_start3A_164 = arith.constant 0 : i32
      %dma_start3A_165 = arith.constant 0 : i32
      %dma_start3A_166 = tpu.memref_slice %arg11[%dma_start3A_163, %dma_start3A_164, %dma_start3A_165] : memref<6x128x16xf32, #tpu.memory_space<vmem>> -> memref<1x128x16xf32, #tpu.memory_space<vmem>>
      %dma_start3A_167 = tpu.memref_squeeze %dma_start3A_166 : memref<1x128x16xf32, #tpu.memory_space<vmem>> -> memref<128x16xf32, #tpu.memory_space<vmem>>
      %dma_start3A_168 = arith.constant 0 : i32
      %dma_start3A_169 = tpu.memref_slice %arg9[%dma_start3A_162, %dma_start3A_168] : memref<79x128xi32, #tpu.memory_space<vmem>> -> memref<1x128xi32, #tpu.memory_space<vmem>>
      %dma_start3A_170 = tpu.memref_squeeze %dma_start3A_169 : memref<1x128xi32, #tpu.memory_space<vmem>> -> memref<128xi32, #tpu.memory_space<vmem>>
      %dma_start3A_171 = arith.constant 0 : i32
      %dma_start3A_172 = arith.constant 0 : i32
      %dma_start3A_173 = tpu.memref_slice %arg13[%dma_start3A_171, %dma_start3A_172] : memref<10000x16xf32, #tpu.memory_space<vmem_shared>> -> memref<10000x16xf32, #tpu.memory_space<vmem_shared>>
      tpu.enqueue_indirect_dma source(%dma_start3A_173 : memref<10000x16xf32, #tpu.memory_space<vmem_shared>>) target(%dma_start3A_167 : memref<128x16xf32, #tpu.memory_space<vmem>>) offsets(%dma_start3A_170 : memref<128xi32, #tpu.memory_space<vmem>>) semaphore(%arg17 : memref<!tpu.dma_semaphore, #tpu.memory_space<semaphore_mem>>)
      %dma_start3A_174 = arith.constant 78 : i32
      %dma_start3A_175 = arith.constant 0 : i32
      %dma_start3A_176 = tpu.memref_slice %arg10[%dma_start3A_174, %dma_start3A_175] : memref<79x128xi32, #tpu.memory_space<vmem>> -> memref<1x128xi32, #tpu.memory_space<vmem>>
      %dma_start3A_177 = tpu.memref_squeeze %dma_start3A_176 : memref<1x128xi32, #tpu.memory_space<vmem>> -> memref<128xi32, #tpu.memory_space<vmem>>
      %dma_start3A_178 = arith.constant 0 : i32
      %dma_start3A_179 = tpu.memref_slice %arg15[%dma_start3A_178] : memref<10000xf32, #tpu.memory_space<vmem_shared>> -> memref<10000xf32, #tpu.memory_space<vmem_shared>>
      tpu.enqueue_indirect_dma source(%arg12 : memref<128xf32, #tpu.memory_space<vmem>>) target(%dma_start3A_179 : memref<10000xf32, #tpu.memory_space<vmem_shared>>) offsets(%dma_start3A_177 : memref<128xi32, #tpu.memory_space<vmem>>) semaphore(%arg18 : memref<!tpu.dma_semaphore, #tpu.memory_space<semaphore_mem>>) {add = true}
      %dma_wait3A_180 = arith.constant 78 : i32
      %dma_wait3A_181 = arith.constant 0 : i32
      %dma_wait3A_182 = arith.constant 0 : i32
      %dma_wait3A_183 = arith.constant 0 : i32
      %dma_wait3A_184 = tpu.memref_slice %arg11[%dma_wait3A_181, %dma_wait3A_182, %dma_wait3A_183] : memref<6x128x16xf32, #tpu.memory_space<vmem>> -> memref<1x128x16xf32, #tpu.memory_space<vmem>>
      %dma_wait3A_185 = tpu.memref_squeeze %dma_wait3A_184 : memref<1x128x16xf32, #tpu.memory_space<vmem>> -> memref<128x16xf32, #tpu.memory_space<vmem>>
      %dma_wait3A_186 = arith.constant 0 : i32
      %dma_wait3A_187 = tpu.memref_slice %arg9[%dma_wait3A_180, %dma_wait3A_186] : memref<79x128xi32, #tpu.memory_space<vmem>> -> memref<1x128xi32, #tpu.memory_space<vmem>>
      %dma_wait3A_188 = tpu.memref_squeeze %dma_wait3A_187 : memref<1x128xi32, #tpu.memory_space<vmem>> -> memref<128xi32, #tpu.memory_space<vmem>>
      %dma_wait3A_189 = arith.constant 0 : i32
      %dma_wait3A_190 = arith.constant 0 : i32
      %dma_wait3A_191 = tpu.memref_slice %arg13[%dma_wait3A_189, %dma_wait3A_190] : memref<10000x16xf32, #tpu.memory_space<vmem_shared>> -> memref<10000x16xf32, #tpu.memory_space<vmem_shared>>
      tpu.wait_indirect_dma semaphore(%arg17 : memref<!tpu.dma_semaphore, #tpu.memory_space<semaphore_mem>>) src(%dma_wait3A_191 : memref<10000x16xf32, #tpu.memory_space<vmem_shared>>) dst(%dma_wait3A_185 : memref<128x16xf32, #tpu.memory_space<vmem>>)
      %dma_start3A_192 = arith.constant 0 : i32
      %dma_start3A_193 = arith.constant 78 : i32
      %dma_start3A_194 = arith.constant 0 : i32
      %dma_start3A_195 = arith.constant 0 : i32
      %dma_start3A_196 = tpu.memref_slice %arg11[%dma_start3A_192, %dma_start3A_194, %dma_start3A_195] : memref<6x128x16xf32, #tpu.memory_space<vmem>> -> memref<1x128x16xf32, #tpu.memory_space<vmem>>
      %dma_start3A_197 = tpu.memref_squeeze %dma_start3A_196 : memref<1x128x16xf32, #tpu.memory_space<vmem>> -> memref<128x16xf32, #tpu.memory_space<vmem>>
      %dma_start3A_198 = arith.constant 0 : i32
      %dma_start3A_199 = tpu.memref_slice %arg10[%dma_start3A_193, %dma_start3A_198] : memref<79x128xi32, #tpu.memory_space<vmem>> -> memref<1x128xi32, #tpu.memory_space<vmem>>
      %dma_start3A_200 = tpu.memref_squeeze %dma_start3A_199 : memref<1x128xi32, #tpu.memory_space<vmem>> -> memref<128xi32, #tpu.memory_space<vmem>>
      %dma_start3A_201 = arith.constant 0 : i32
      %dma_start3A_202 = arith.constant 0 : i32
      %dma_start3A_203 = tpu.memref_slice %arg14[%dma_start3A_201, %dma_start3A_202] : memref<10000x16xf32, #tpu.memory_space<vmem_shared>> -> memref<10000x16xf32, #tpu.memory_space<vmem_shared>>
      tpu.enqueue_indirect_dma source(%dma_start3A_197 : memref<128x16xf32, #tpu.memory_space<vmem>>) target(%dma_start3A_203 : memref<10000x16xf32, #tpu.memory_space<vmem_shared>>) offsets(%dma_start3A_200 : memref<128xi32, #tpu.memory_space<vmem>>) semaphore(%arg19 : memref<!tpu.dma_semaphore, #tpu.memory_space<semaphore_mem>>) {add = true}
      %dma_wait3A_204 = arith.constant 78 : i32
      %dma_wait3A_205 = arith.constant 0 : i32
      %dma_wait3A_206 = tpu.memref_slice %arg10[%dma_wait3A_204, %dma_wait3A_205] : memref<79x128xi32, #tpu.memory_space<vmem>> -> memref<1x128xi32, #tpu.memory_space<vmem>>
      %dma_wait3A_207 = tpu.memref_squeeze %dma_wait3A_206 : memref<1x128xi32, #tpu.memory_space<vmem>> -> memref<128xi32, #tpu.memory_space<vmem>>
      %dma_wait3A_208 = arith.constant 0 : i32
      %dma_wait3A_209 = tpu.memref_slice %arg15[%dma_wait3A_208] : memref<10000xf32, #tpu.memory_space<vmem_shared>> -> memref<10000xf32, #tpu.memory_space<vmem_shared>>
      tpu.wait_indirect_dma semaphore(%arg18 : memref<!tpu.dma_semaphore, #tpu.memory_space<semaphore_mem>>) src(%arg12 : memref<128xf32, #tpu.memory_space<vmem>>) dst(%dma_wait3A_209 : memref<10000xf32, #tpu.memory_space<vmem_shared>>)
      %dma_wait3A_210 = arith.constant 0 : i32
      %dma_wait3A_211 = arith.constant 78 : i32
      %dma_wait3A_212 = arith.constant 0 : i32
      %dma_wait3A_213 = arith.constant 0 : i32
      %dma_wait3A_214 = tpu.memref_slice %arg11[%dma_wait3A_210, %dma_wait3A_212, %dma_wait3A_213] : memref<6x128x16xf32, #tpu.memory_space<vmem>> -> memref<1x128x16xf32, #tpu.memory_space<vmem>>
      %dma_wait3A_215 = tpu.memref_squeeze %dma_wait3A_214 : memref<1x128x16xf32, #tpu.memory_space<vmem>> -> memref<128x16xf32, #tpu.memory_space<vmem>>
      %dma_wait3A_216 = arith.constant 0 : i32
      %dma_wait3A_217 = tpu.memref_slice %arg10[%dma_wait3A_211, %dma_wait3A_216] : memref<79x128xi32, #tpu.memory_space<vmem>> -> memref<1x128xi32, #tpu.memory_space<vmem>>
      %dma_wait3A_218 = tpu.memref_squeeze %dma_wait3A_217 : memref<1x128xi32, #tpu.memory_space<vmem>> -> memref<128xi32, #tpu.memory_space<vmem>>
      %dma_wait3A_219 = arith.constant 0 : i32
      %dma_wait3A_220 = arith.constant 0 : i32
      %dma_wait3A_221 = tpu.memref_slice %arg14[%dma_wait3A_219, %dma_wait3A_220] : memref<10000x16xf32, #tpu.memory_space<vmem_shared>> -> memref<10000x16xf32, #tpu.memory_space<vmem_shared>>
      tpu.wait_indirect_dma semaphore(%arg19 : memref<!tpu.dma_semaphore, #tpu.memory_space<semaphore_mem>>) src(%dma_wait3A_215 : memref<128x16xf32, #tpu.memory_space<vmem>>) dst(%dma_wait3A_221 : memref<10000x16xf32, #tpu.memory_space<vmem_shared>>)
    } else {
    }
    %barrier3A_151 = arith.constant 0 : index
    tpu.barrier barrier_id(%barrier3A_151)
    %lt3A_152 = arith.constant 15 : i32
    %lt3A_153 = arith.cmpi slt, %arg1, %lt3A_152 : i32
    %convert_element_type3A_154 = arith.extui %lt3A_153 : i1 to i32
    %cond3A_155 = arith.constant 0 : i32
    %cond3A_156 = arith.cmpi ne, %convert_element_type3A_154, %cond3A_155 : i32
    scf.if %cond3A_156 {
      "tpu.region"() ({
        %run_scoped3A = tpu.sem_alloc : memref<!tpu.dma_semaphore, #tpu.memory_space<semaphore_mem>>
        %dma_start3A_162 = arith.constant 0 : i32
        %dma_start3A_163 = tpu.memref_slice %arg7[%arg0, %mul3A_48, %dma_start3A_162] : memref<2x10000x16xf32, #tpu.memory_space<hbm>> -> memref<1x624x16xf32, #tpu.memory_space<hbm>>
        %dma_start3A_164 = tpu.memref_squeeze %dma_start3A_163 : memref<1x624x16xf32, #tpu.memory_space<hbm>> -> memref<624x16xf32, #tpu.memory_space<hbm>>
        %dma_start3A_165 = arith.constant 0 : i32
        %dma_start3A_166 = tpu.memref_slice %arg14[%mul3A_48, %dma_start3A_165] : memref<10000x16xf32, #tpu.memory_space<vmem_shared>> -> memref<624x16xf32, #tpu.memory_space<vmem_shared>>
        tpu.enqueue_dma source(%dma_start3A_166 : memref<624x16xf32, #tpu.memory_space<vmem_shared>>) target(%dma_start3A_164 : memref<624x16xf32, #tpu.memory_space<hbm>>) target_semaphore(%run_scoped3A : memref<!tpu.dma_semaphore, #tpu.memory_space<semaphore_mem>>)
        %dma_wait3A_167 = arith.constant 0 : i32
        %dma_wait3A_168 = tpu.memref_slice %arg7[%arg0, %mul3A_48, %dma_wait3A_167] : memref<2x10000x16xf32, #tpu.memory_space<hbm>> -> memref<1x624x16xf32, #tpu.memory_space<hbm>>
        %dma_wait3A_169 = tpu.memref_squeeze %dma_wait3A_168 : memref<1x624x16xf32, #tpu.memory_space<hbm>> -> memref<624x16xf32, #tpu.memory_space<hbm>>
        %dma_wait3A_170 = arith.constant 0 : i32
        %dma_wait3A_171 = tpu.memref_slice %arg14[%mul3A_48, %dma_wait3A_170] : memref<10000x16xf32, #tpu.memory_space<vmem_shared>> -> memref<624x16xf32, #tpu.memory_space<vmem_shared>>
        tpu.wait_dma2 semaphore(%run_scoped3A : memref<!tpu.dma_semaphore, #tpu.memory_space<semaphore_mem>>) src(%dma_wait3A_171 : memref<624x16xf32, #tpu.memory_space<vmem_shared>>) dst(%dma_wait3A_169 : memref<624x16xf32, #tpu.memory_space<hbm>>)
        tpu.yield
      }) : () -> ()
      "tpu.region"() ({
        %run_scoped3A = tpu.sem_alloc : memref<!tpu.dma_semaphore, #tpu.memory_space<semaphore_mem>>
        %dma_start3A_162 = tpu.memref_slice %arg8[%arg0, %mul3A_48] : memref<2x10000xf32, #tpu.memory_space<hbm>> -> memref<1x624xf32, #tpu.memory_space<hbm>>
        %dma_start3A_163 = tpu.memref_squeeze %dma_start3A_162 : memref<1x624xf32, #tpu.memory_space<hbm>> -> memref<624xf32, #tpu.memory_space<hbm>>
        %dma_start3A_164 = tpu.memref_slice %arg15[%mul3A_48] : memref<10000xf32, #tpu.memory_space<vmem_shared>> -> memref<624xf32, #tpu.memory_space<vmem_shared>>
        tpu.enqueue_dma source(%dma_start3A_164 : memref<624xf32, #tpu.memory_space<vmem_shared>>) target(%dma_start3A_163 : memref<624xf32, #tpu.memory_space<hbm>>) target_semaphore(%run_scoped3A : memref<!tpu.dma_semaphore, #tpu.memory_space<semaphore_mem>>)
        %dma_wait3A_165 = tpu.memref_slice %arg8[%arg0, %mul3A_48] : memref<2x10000xf32, #tpu.memory_space<hbm>> -> memref<1x624xf32, #tpu.memory_space<hbm>>
        %dma_wait3A_166 = tpu.memref_squeeze %dma_wait3A_165 : memref<1x624xf32, #tpu.memory_space<hbm>> -> memref<624xf32, #tpu.memory_space<hbm>>
        %dma_wait3A_167 = tpu.memref_slice %arg15[%mul3A_48] : memref<10000xf32, #tpu.memory_space<vmem_shared>> -> memref<624xf32, #tpu.memory_space<vmem_shared>>
        tpu.wait_dma2 semaphore(%run_scoped3A : memref<!tpu.dma_semaphore, #tpu.memory_space<semaphore_mem>>) src(%dma_wait3A_167 : memref<624xf32, #tpu.memory_space<vmem_shared>>) dst(%dma_wait3A_166 : memref<624xf32, #tpu.memory_space<hbm>>)
        tpu.yield
      }) : () -> ()
    } else {
    }
    %eq3A_157 = arith.constant 15 : i32
    %eq3A_158 = arith.cmpi eq, %arg1, %eq3A_157 : i32
    %convert_element_type3A_159 = arith.extui %eq3A_158 : i1 to i32
    %cond3A_160 = arith.constant 0 : i32
    %cond3A_161 = arith.cmpi ne, %convert_element_type3A_159, %cond3A_160 : i32
    scf.if %cond3A_161 {
      "tpu.region"() ({
        %run_scoped3A = tpu.sem_alloc : memref<!tpu.dma_semaphore, #tpu.memory_space<semaphore_mem>>
        %dma_start3A_162 = arith.constant 0 : i32
        %dma_start3A_163 = tpu.memref_slice %arg7[%arg0, %mul3A_48, %dma_start3A_162] : memref<2x10000x16xf32, #tpu.memory_space<hbm>> -> memref<1x640x16xf32, #tpu.memory_space<hbm>>
        %dma_start3A_164 = tpu.memref_squeeze %dma_start3A_163 : memref<1x640x16xf32, #tpu.memory_space<hbm>> -> memref<640x16xf32, #tpu.memory_space<hbm>>
        %dma_start3A_165 = arith.constant 0 : i32
        %dma_start3A_166 = tpu.memref_slice %arg14[%mul3A_48, %dma_start3A_165] : memref<10000x16xf32, #tpu.memory_space<vmem_shared>> -> memref<640x16xf32, #tpu.memory_space<vmem_shared>>
        tpu.enqueue_dma source(%dma_start3A_166 : memref<640x16xf32, #tpu.memory_space<vmem_shared>>) target(%dma_start3A_164 : memref<640x16xf32, #tpu.memory_space<hbm>>) target_semaphore(%run_scoped3A : memref<!tpu.dma_semaphore, #tpu.memory_space<semaphore_mem>>)
        %dma_wait3A_167 = arith.constant 0 : i32
        %dma_wait3A_168 = tpu.memref_slice %arg7[%arg0, %mul3A_48, %dma_wait3A_167] : memref<2x10000x16xf32, #tpu.memory_space<hbm>> -> memref<1x640x16xf32, #tpu.memory_space<hbm>>
        %dma_wait3A_169 = tpu.memref_squeeze %dma_wait3A_168 : memref<1x640x16xf32, #tpu.memory_space<hbm>> -> memref<640x16xf32, #tpu.memory_space<hbm>>
        %dma_wait3A_170 = arith.constant 0 : i32
        %dma_wait3A_171 = tpu.memref_slice %arg14[%mul3A_48, %dma_wait3A_170] : memref<10000x16xf32, #tpu.memory_space<vmem_shared>> -> memref<640x16xf32, #tpu.memory_space<vmem_shared>>
        tpu.wait_dma2 semaphore(%run_scoped3A : memref<!tpu.dma_semaphore, #tpu.memory_space<semaphore_mem>>) src(%dma_wait3A_171 : memref<640x16xf32, #tpu.memory_space<vmem_shared>>) dst(%dma_wait3A_169 : memref<640x16xf32, #tpu.memory_space<hbm>>)
        tpu.yield
      }) : () -> ()
      "tpu.region"() ({
        %run_scoped3A = tpu.sem_alloc : memref<!tpu.dma_semaphore, #tpu.memory_space<semaphore_mem>>
        %dma_start3A_162 = tpu.memref_slice %arg8[%arg0, %mul3A_48] : memref<2x10000xf32, #tpu.memory_space<hbm>> -> memref<1x640xf32, #tpu.memory_space<hbm>>
        %dma_start3A_163 = tpu.memref_squeeze %dma_start3A_162 : memref<1x640xf32, #tpu.memory_space<hbm>> -> memref<640xf32, #tpu.memory_space<hbm>>
        %dma_start3A_164 = tpu.memref_slice %arg15[%mul3A_48] : memref<10000xf32, #tpu.memory_space<vmem_shared>> -> memref<640xf32, #tpu.memory_space<vmem_shared>>
        tpu.enqueue_dma source(%dma_start3A_164 : memref<640xf32, #tpu.memory_space<vmem_shared>>) target(%dma_start3A_163 : memref<640xf32, #tpu.memory_space<hbm>>) target_semaphore(%run_scoped3A : memref<!tpu.dma_semaphore, #tpu.memory_space<semaphore_mem>>)
        %dma_wait3A_165 = tpu.memref_slice %arg8[%arg0, %mul3A_48] : memref<2x10000xf32, #tpu.memory_space<hbm>> -> memref<1x640xf32, #tpu.memory_space<hbm>>
        %dma_wait3A_166 = tpu.memref_squeeze %dma_wait3A_165 : memref<1x640xf32, #tpu.memory_space<hbm>> -> memref<640xf32, #tpu.memory_space<hbm>>
        %dma_wait3A_167 = tpu.memref_slice %arg15[%mul3A_48] : memref<10000xf32, #tpu.memory_space<vmem_shared>> -> memref<640xf32, #tpu.memory_space<vmem_shared>>
        tpu.wait_dma2 semaphore(%run_scoped3A : memref<!tpu.dma_semaphore, #tpu.memory_space<semaphore_mem>>) src(%dma_wait3A_167 : memref<640xf32, #tpu.memory_space<vmem_shared>>) dst(%dma_wait3A_166 : memref<640xf32, #tpu.memory_space<hbm>>)
        tpu.yield
      }) : () -> ()
    } else {
    }
    return
  }
}

#map = affine_map<(d0, d1) -> (0)>
#map1 = affine_map<(d0, d1) -> (0, 0)>
module attributes {stable_mosaic.version = 14 : i64} {
  func.func @_sc_pass2_body(%arg0: i32, %arg1: i32, %arg2: memref<10000xf32, #tpu.memory_space<hbm>>, %arg3: memref<2500x128xi32, #tpu.memory_space<hbm>>, %arg4: memref<2500x128xi32, #tpu.memory_space<hbm>>, %arg5: memref<10000xf32, #tpu.memory_space<hbm>>, %arg6: memref<2x10000xf32, #tpu.memory_space<hbm>>, %arg7: memref<79x128xi32, #tpu.memory_space<vmem>>, %arg8: memref<79x128xi32, #tpu.memory_space<vmem>>, %arg9: memref<6x128xf32, #tpu.memory_space<vmem>>, %arg10: memref<10000xf32, #tpu.memory_space<vmem_shared>>, %arg11: memref<10000xf32, #tpu.memory_space<vmem_shared>>, %arg12: memref<!tpu.dma_semaphore, #tpu.memory_space<semaphore_mem>>, %arg13: memref<!tpu.dma_semaphore, #tpu.memory_space<semaphore_mem>>, %arg14: memref<!tpu.dma_semaphore, #tpu.memory_space<semaphore_mem>>) attributes {dimension_semantics = [#tpu.dimension_semantics<core_parallel>, #tpu.dimension_semantics<subcore_parallel>], iteration_bounds = array<i64: 2, 16>, scalar_prefetch = 0 : i64, scratch_operands = 8 : i64, tpu.core_type = #tpu.core_type<sc_vector_subcore>, window_params = [{transform_indices = #map}, {transform_indices = #map1}, {transform_indices = #map1}, {transform_indices = #map}, {transform_indices = #map1}]} {
    %mul3A = arith.constant 16 : i32
    %mul3A_0 = arith.muli %arg0, %mul3A : i32
    %add3A = arith.addi %mul3A_0, %arg1 : i32
    %lt3A = arith.constant 4 : i32
    %lt3A_1 = arith.cmpi slt, %add3A, %lt3A : i32
    %add3A_2 = arith.constant 2496 : i32
    %add3A_3 = arith.addi %add3A_2, %add3A : i32
    %jit3A = arith.constant 0 : i32
    %select_n3A = arith.select %lt3A_1, %add3A_3, %jit3A : i32
    %mul3A_4 = arith.constant 78 : i32
    %mul3A_5 = arith.muli %add3A, %mul3A_4 : i32
    %dma_start3A = arith.constant 0 : i32
    %dma_start3A_6 = arith.constant 0 : i32
    %dma_start3A_7 = tpu.memref_slice %arg7[%dma_start3A, %dma_start3A_6] : memref<79x128xi32, #tpu.memory_space<vmem>> -> memref<78x128xi32, #tpu.memory_space<vmem>>
    %dma_start3A_8 = arith.constant 0 : i32
    %dma_start3A_9 = tpu.memref_slice %arg3[%mul3A_5, %dma_start3A_8] : memref<2500x128xi32, #tpu.memory_space<hbm>> -> memref<78x128xi32, #tpu.memory_space<hbm>>
    %dma_start3A_10 = arith.constant 0 : i32
    %dma_start3A_11 = arith.constant 0 : i32
    %dma_start3A_12 = tpu.memref_slice %arg7[%dma_start3A_10, %dma_start3A_11] : memref<79x128xi32, #tpu.memory_space<vmem>> -> memref<78x128xi32, #tpu.memory_space<vmem>>
    %dma_start3A_13 = arith.constant 0 : i32
    %dma_start3A_14 = tpu.memref_slice %arg3[%mul3A_5, %dma_start3A_13] : memref<2500x128xi32, #tpu.memory_space<hbm>> -> memref<78x128xi32, #tpu.memory_space<hbm>>
    tpu.enqueue_dma source(%dma_start3A_14 : memref<78x128xi32, #tpu.memory_space<hbm>>) target(%dma_start3A_12 : memref<78x128xi32, #tpu.memory_space<vmem>>) target_semaphore(%arg12 : memref<!tpu.dma_semaphore, #tpu.memory_space<semaphore_mem>>)
    %mul3A_15 = arith.constant 78 : i32
    %mul3A_16 = arith.muli %add3A, %mul3A_15 : i32
    %dma_start3A_17 = arith.constant 0 : i32
    %dma_start3A_18 = arith.constant 0 : i32
    %dma_start3A_19 = tpu.memref_slice %arg8[%dma_start3A_17, %dma_start3A_18] : memref<79x128xi32, #tpu.memory_space<vmem>> -> memref<78x128xi32, #tpu.memory_space<vmem>>
    %dma_start3A_20 = arith.constant 0 : i32
    %dma_start3A_21 = tpu.memref_slice %arg4[%mul3A_16, %dma_start3A_20] : memref<2500x128xi32, #tpu.memory_space<hbm>> -> memref<78x128xi32, #tpu.memory_space<hbm>>
    %dma_start3A_22 = arith.constant 0 : i32
    %dma_start3A_23 = arith.constant 0 : i32
    %dma_start3A_24 = tpu.memref_slice %arg8[%dma_start3A_22, %dma_start3A_23] : memref<79x128xi32, #tpu.memory_space<vmem>> -> memref<78x128xi32, #tpu.memory_space<vmem>>
    %dma_start3A_25 = arith.constant 0 : i32
    %dma_start3A_26 = tpu.memref_slice %arg4[%mul3A_16, %dma_start3A_25] : memref<2500x128xi32, #tpu.memory_space<hbm>> -> memref<78x128xi32, #tpu.memory_space<hbm>>
    tpu.enqueue_dma source(%dma_start3A_26 : memref<78x128xi32, #tpu.memory_space<hbm>>) target(%dma_start3A_24 : memref<78x128xi32, #tpu.memory_space<vmem>>) target_semaphore(%arg12 : memref<!tpu.dma_semaphore, #tpu.memory_space<semaphore_mem>>)
    %dma_start3A_27 = arith.constant 78 : i32
    %dma_start3A_28 = arith.constant 0 : i32
    %dma_start3A_29 = tpu.memref_slice %arg7[%dma_start3A_27, %dma_start3A_28] : memref<79x128xi32, #tpu.memory_space<vmem>> -> memref<1x128xi32, #tpu.memory_space<vmem>>
    %dma_start3A_30 = arith.constant 0 : i32
    %dma_start3A_31 = tpu.memref_slice %arg3[%select_n3A, %dma_start3A_30] : memref<2500x128xi32, #tpu.memory_space<hbm>> -> memref<1x128xi32, #tpu.memory_space<hbm>>
    %dma_start3A_32 = arith.constant 78 : i32
    %dma_start3A_33 = arith.constant 0 : i32
    %dma_start3A_34 = tpu.memref_slice %arg7[%dma_start3A_32, %dma_start3A_33] : memref<79x128xi32, #tpu.memory_space<vmem>> -> memref<1x128xi32, #tpu.memory_space<vmem>>
    %dma_start3A_35 = arith.constant 0 : i32
    %dma_start3A_36 = tpu.memref_slice %arg3[%select_n3A, %dma_start3A_35] : memref<2500x128xi32, #tpu.memory_space<hbm>> -> memref<1x128xi32, #tpu.memory_space<hbm>>
    tpu.enqueue_dma source(%dma_start3A_36 : memref<1x128xi32, #tpu.memory_space<hbm>>) target(%dma_start3A_34 : memref<1x128xi32, #tpu.memory_space<vmem>>) target_semaphore(%arg12 : memref<!tpu.dma_semaphore, #tpu.memory_space<semaphore_mem>>)
    %dma_start3A_37 = arith.constant 78 : i32
    %dma_start3A_38 = arith.constant 0 : i32
    %dma_start3A_39 = tpu.memref_slice %arg8[%dma_start3A_37, %dma_start3A_38] : memref<79x128xi32, #tpu.memory_space<vmem>> -> memref<1x128xi32, #tpu.memory_space<vmem>>
    %dma_start3A_40 = arith.constant 0 : i32
    %dma_start3A_41 = tpu.memref_slice %arg4[%select_n3A, %dma_start3A_40] : memref<2500x128xi32, #tpu.memory_space<hbm>> -> memref<1x128xi32, #tpu.memory_space<hbm>>
    %dma_start3A_42 = arith.constant 78 : i32
    %dma_start3A_43 = arith.constant 0 : i32
    %dma_start3A_44 = tpu.memref_slice %arg8[%dma_start3A_42, %dma_start3A_43] : memref<79x128xi32, #tpu.memory_space<vmem>> -> memref<1x128xi32, #tpu.memory_space<vmem>>
    %dma_start3A_45 = arith.constant 0 : i32
    %dma_start3A_46 = tpu.memref_slice %arg4[%select_n3A, %dma_start3A_45] : memref<2500x128xi32, #tpu.memory_space<hbm>> -> memref<1x128xi32, #tpu.memory_space<hbm>>
    tpu.enqueue_dma source(%dma_start3A_46 : memref<1x128xi32, #tpu.memory_space<hbm>>) target(%dma_start3A_44 : memref<1x128xi32, #tpu.memory_space<vmem>>) target_semaphore(%arg12 : memref<!tpu.dma_semaphore, #tpu.memory_space<semaphore_mem>>)
    %mul3A_47 = arith.constant 624 : i32
    %mul3A_48 = arith.muli %arg1, %mul3A_47 : i32
    %lt3A_49 = arith.constant 15 : i32
    %lt3A_50 = arith.cmpi slt, %arg1, %lt3A_49 : i32
    %convert_element_type3A = arith.extui %lt3A_50 : i1 to i32
    %cond3A = arith.constant 0 : i32
    %cond3A_51 = arith.cmpi ne, %convert_element_type3A, %cond3A : i32
    scf.if %cond3A_51 {
      "tpu.region"() ({
        %run_scoped3A = tpu.sem_alloc : memref<!tpu.dma_semaphore, #tpu.memory_space<semaphore_mem>>
        %dma_start3A_116 = tpu.memref_slice %arg10[%mul3A_48] : memref<10000xf32, #tpu.memory_space<vmem_shared>> -> memref<624xf32, #tpu.memory_space<vmem_shared>>
        %dma_start3A_117 = tpu.memref_slice %arg2[%mul3A_48] : memref<10000xf32, #tpu.memory_space<hbm>> -> memref<624xf32, #tpu.memory_space<hbm>>
        tpu.enqueue_dma source(%dma_start3A_117 : memref<624xf32, #tpu.memory_space<hbm>>) target(%dma_start3A_116 : memref<624xf32, #tpu.memory_space<vmem_shared>>) target_semaphore(%run_scoped3A : memref<!tpu.dma_semaphore, #tpu.memory_space<semaphore_mem>>)
        %dma_wait3A_118 = tpu.memref_slice %arg10[%mul3A_48] : memref<10000xf32, #tpu.memory_space<vmem_shared>> -> memref<624xf32, #tpu.memory_space<vmem_shared>>
        %dma_wait3A_119 = tpu.memref_slice %arg2[%mul3A_48] : memref<10000xf32, #tpu.memory_space<hbm>> -> memref<624xf32, #tpu.memory_space<hbm>>
        tpu.wait_dma2 semaphore(%run_scoped3A : memref<!tpu.dma_semaphore, #tpu.memory_space<semaphore_mem>>) src(%dma_wait3A_119 : memref<624xf32, #tpu.memory_space<hbm>>) dst(%dma_wait3A_118 : memref<624xf32, #tpu.memory_space<vmem_shared>>)
        tpu.yield
      }) : () -> ()
      "tpu.region"() ({
        %run_scoped3A = tpu.sem_alloc : memref<!tpu.dma_semaphore, #tpu.memory_space<semaphore_mem>>
        %dma_start3A_116 = tpu.memref_slice %arg11[%mul3A_48] : memref<10000xf32, #tpu.memory_space<vmem_shared>> -> memref<624xf32, #tpu.memory_space<vmem_shared>>
        %dma_start3A_117 = tpu.memref_slice %arg5[%mul3A_48] : memref<10000xf32, #tpu.memory_space<hbm>> -> memref<624xf32, #tpu.memory_space<hbm>>
        tpu.enqueue_dma source(%dma_start3A_117 : memref<624xf32, #tpu.memory_space<hbm>>) target(%dma_start3A_116 : memref<624xf32, #tpu.memory_space<vmem_shared>>) target_semaphore(%run_scoped3A : memref<!tpu.dma_semaphore, #tpu.memory_space<semaphore_mem>>)
        %dma_wait3A_118 = tpu.memref_slice %arg11[%mul3A_48] : memref<10000xf32, #tpu.memory_space<vmem_shared>> -> memref<624xf32, #tpu.memory_space<vmem_shared>>
        %dma_wait3A_119 = tpu.memref_slice %arg5[%mul3A_48] : memref<10000xf32, #tpu.memory_space<hbm>> -> memref<624xf32, #tpu.memory_space<hbm>>
        tpu.wait_dma2 semaphore(%run_scoped3A : memref<!tpu.dma_semaphore, #tpu.memory_space<semaphore_mem>>) src(%dma_wait3A_119 : memref<624xf32, #tpu.memory_space<hbm>>) dst(%dma_wait3A_118 : memref<624xf32, #tpu.memory_space<vmem_shared>>)
        tpu.yield
      }) : () -> ()
    } else {
    }
    %eq3A = arith.constant 15 : i32
    %eq3A_52 = arith.cmpi eq, %arg1, %eq3A : i32
    %convert_element_type3A_53 = arith.extui %eq3A_52 : i1 to i32
    %cond3A_54 = arith.constant 0 : i32
    %cond3A_55 = arith.cmpi ne, %convert_element_type3A_53, %cond3A_54 : i32
    scf.if %cond3A_55 {
      "tpu.region"() ({
        %run_scoped3A = tpu.sem_alloc : memref<!tpu.dma_semaphore, #tpu.memory_space<semaphore_mem>>
        %dma_start3A_116 = tpu.memref_slice %arg10[%mul3A_48] : memref<10000xf32, #tpu.memory_space<vmem_shared>> -> memref<640xf32, #tpu.memory_space<vmem_shared>>
        %dma_start3A_117 = tpu.memref_slice %arg2[%mul3A_48] : memref<10000xf32, #tpu.memory_space<hbm>> -> memref<640xf32, #tpu.memory_space<hbm>>
        tpu.enqueue_dma source(%dma_start3A_117 : memref<640xf32, #tpu.memory_space<hbm>>) target(%dma_start3A_116 : memref<640xf32, #tpu.memory_space<vmem_shared>>) target_semaphore(%run_scoped3A : memref<!tpu.dma_semaphore, #tpu.memory_space<semaphore_mem>>)
        %dma_wait3A_118 = tpu.memref_slice %arg10[%mul3A_48] : memref<10000xf32, #tpu.memory_space<vmem_shared>> -> memref<640xf32, #tpu.memory_space<vmem_shared>>
        %dma_wait3A_119 = tpu.memref_slice %arg2[%mul3A_48] : memref<10000xf32, #tpu.memory_space<hbm>> -> memref<640xf32, #tpu.memory_space<hbm>>
        tpu.wait_dma2 semaphore(%run_scoped3A : memref<!tpu.dma_semaphore, #tpu.memory_space<semaphore_mem>>) src(%dma_wait3A_119 : memref<640xf32, #tpu.memory_space<hbm>>) dst(%dma_wait3A_118 : memref<640xf32, #tpu.memory_space<vmem_shared>>)
        tpu.yield
      }) : () -> ()
      "tpu.region"() ({
        %run_scoped3A = tpu.sem_alloc : memref<!tpu.dma_semaphore, #tpu.memory_space<semaphore_mem>>
        %dma_start3A_116 = tpu.memref_slice %arg11[%mul3A_48] : memref<10000xf32, #tpu.memory_space<vmem_shared>> -> memref<640xf32, #tpu.memory_space<vmem_shared>>
        %dma_start3A_117 = tpu.memref_slice %arg5[%mul3A_48] : memref<10000xf32, #tpu.memory_space<hbm>> -> memref<640xf32, #tpu.memory_space<hbm>>
        tpu.enqueue_dma source(%dma_start3A_117 : memref<640xf32, #tpu.memory_space<hbm>>) target(%dma_start3A_116 : memref<640xf32, #tpu.memory_space<vmem_shared>>) target_semaphore(%run_scoped3A : memref<!tpu.dma_semaphore, #tpu.memory_space<semaphore_mem>>)
        %dma_wait3A_118 = tpu.memref_slice %arg11[%mul3A_48] : memref<10000xf32, #tpu.memory_space<vmem_shared>> -> memref<640xf32, #tpu.memory_space<vmem_shared>>
        %dma_wait3A_119 = tpu.memref_slice %arg5[%mul3A_48] : memref<10000xf32, #tpu.memory_space<hbm>> -> memref<640xf32, #tpu.memory_space<hbm>>
        tpu.wait_dma2 semaphore(%run_scoped3A : memref<!tpu.dma_semaphore, #tpu.memory_space<semaphore_mem>>) src(%dma_wait3A_119 : memref<640xf32, #tpu.memory_space<hbm>>) dst(%dma_wait3A_118 : memref<640xf32, #tpu.memory_space<vmem_shared>>)
        tpu.yield
      }) : () -> ()
    } else {
    }
    %dma_wait3A = arith.constant 0 : i32
    %dma_wait3A_56 = arith.constant 0 : i32
    %dma_wait3A_57 = tpu.memref_slice %arg7[%dma_wait3A, %dma_wait3A_56] : memref<79x128xi32, #tpu.memory_space<vmem>> -> memref<78x128xi32, #tpu.memory_space<vmem>>
    %dma_wait3A_58 = arith.constant 0 : i32
    %dma_wait3A_59 = tpu.memref_slice %arg3[%mul3A_5, %dma_wait3A_58] : memref<2500x128xi32, #tpu.memory_space<hbm>> -> memref<78x128xi32, #tpu.memory_space<hbm>>
    %dma_wait3A_60 = arith.constant 0 : i32
    %dma_wait3A_61 = arith.constant 0 : i32
    %dma_wait3A_62 = tpu.memref_slice %arg7[%dma_wait3A_60, %dma_wait3A_61] : memref<79x128xi32, #tpu.memory_space<vmem>> -> memref<78x128xi32, #tpu.memory_space<vmem>>
    %dma_wait3A_63 = arith.constant 0 : i32
    %dma_wait3A_64 = tpu.memref_slice %arg3[%mul3A_5, %dma_wait3A_63] : memref<2500x128xi32, #tpu.memory_space<hbm>> -> memref<78x128xi32, #tpu.memory_space<hbm>>
    tpu.wait_dma2 semaphore(%arg12 : memref<!tpu.dma_semaphore, #tpu.memory_space<semaphore_mem>>) src(%dma_wait3A_64 : memref<78x128xi32, #tpu.memory_space<hbm>>) dst(%dma_wait3A_62 : memref<78x128xi32, #tpu.memory_space<vmem>>)
    %dma_wait3A_65 = arith.constant 0 : i32
    %dma_wait3A_66 = arith.constant 0 : i32
    %dma_wait3A_67 = tpu.memref_slice %arg8[%dma_wait3A_65, %dma_wait3A_66] : memref<79x128xi32, #tpu.memory_space<vmem>> -> memref<78x128xi32, #tpu.memory_space<vmem>>
    %dma_wait3A_68 = arith.constant 0 : i32
    %dma_wait3A_69 = tpu.memref_slice %arg4[%mul3A_16, %dma_wait3A_68] : memref<2500x128xi32, #tpu.memory_space<hbm>> -> memref<78x128xi32, #tpu.memory_space<hbm>>
    %dma_wait3A_70 = arith.constant 0 : i32
    %dma_wait3A_71 = arith.constant 0 : i32
    %dma_wait3A_72 = tpu.memref_slice %arg8[%dma_wait3A_70, %dma_wait3A_71] : memref<79x128xi32, #tpu.memory_space<vmem>> -> memref<78x128xi32, #tpu.memory_space<vmem>>
    %dma_wait3A_73 = arith.constant 0 : i32
    %dma_wait3A_74 = tpu.memref_slice %arg4[%mul3A_16, %dma_wait3A_73] : memref<2500x128xi32, #tpu.memory_space<hbm>> -> memref<78x128xi32, #tpu.memory_space<hbm>>
    tpu.wait_dma2 semaphore(%arg12 : memref<!tpu.dma_semaphore, #tpu.memory_space<semaphore_mem>>) src(%dma_wait3A_74 : memref<78x128xi32, #tpu.memory_space<hbm>>) dst(%dma_wait3A_72 : memref<78x128xi32, #tpu.memory_space<vmem>>)
    %dma_wait3A_75 = arith.constant 78 : i32
    %dma_wait3A_76 = arith.constant 0 : i32
    %dma_wait3A_77 = tpu.memref_slice %arg7[%dma_wait3A_75, %dma_wait3A_76] : memref<79x128xi32, #tpu.memory_space<vmem>> -> memref<1x128xi32, #tpu.memory_space<vmem>>
    %dma_wait3A_78 = arith.constant 0 : i32
    %dma_wait3A_79 = tpu.memref_slice %arg3[%select_n3A, %dma_wait3A_78] : memref<2500x128xi32, #tpu.memory_space<hbm>> -> memref<1x128xi32, #tpu.memory_space<hbm>>
    %dma_wait3A_80 = arith.constant 78 : i32
    %dma_wait3A_81 = arith.constant 0 : i32
    %dma_wait3A_82 = tpu.memref_slice %arg7[%dma_wait3A_80, %dma_wait3A_81] : memref<79x128xi32, #tpu.memory_space<vmem>> -> memref<1x128xi32, #tpu.memory_space<vmem>>
    %dma_wait3A_83 = arith.constant 0 : i32
    %dma_wait3A_84 = tpu.memref_slice %arg3[%select_n3A, %dma_wait3A_83] : memref<2500x128xi32, #tpu.memory_space<hbm>> -> memref<1x128xi32, #tpu.memory_space<hbm>>
    tpu.wait_dma2 semaphore(%arg12 : memref<!tpu.dma_semaphore, #tpu.memory_space<semaphore_mem>>) src(%dma_wait3A_84 : memref<1x128xi32, #tpu.memory_space<hbm>>) dst(%dma_wait3A_82 : memref<1x128xi32, #tpu.memory_space<vmem>>)
    %dma_wait3A_85 = arith.constant 78 : i32
    %dma_wait3A_86 = arith.constant 0 : i32
    %dma_wait3A_87 = tpu.memref_slice %arg8[%dma_wait3A_85, %dma_wait3A_86] : memref<79x128xi32, #tpu.memory_space<vmem>> -> memref<1x128xi32, #tpu.memory_space<vmem>>
    %dma_wait3A_88 = arith.constant 0 : i32
    %dma_wait3A_89 = tpu.memref_slice %arg4[%select_n3A, %dma_wait3A_88] : memref<2500x128xi32, #tpu.memory_space<hbm>> -> memref<1x128xi32, #tpu.memory_space<hbm>>
    %dma_wait3A_90 = arith.constant 78 : i32
    %dma_wait3A_91 = arith.constant 0 : i32
    %dma_wait3A_92 = tpu.memref_slice %arg8[%dma_wait3A_90, %dma_wait3A_91] : memref<79x128xi32, #tpu.memory_space<vmem>> -> memref<1x128xi32, #tpu.memory_space<vmem>>
    %dma_wait3A_93 = arith.constant 0 : i32
    %dma_wait3A_94 = tpu.memref_slice %arg4[%select_n3A, %dma_wait3A_93] : memref<2500x128xi32, #tpu.memory_space<hbm>> -> memref<1x128xi32, #tpu.memory_space<hbm>>
    tpu.wait_dma2 semaphore(%arg12 : memref<!tpu.dma_semaphore, #tpu.memory_space<semaphore_mem>>) src(%dma_wait3A_94 : memref<1x128xi32, #tpu.memory_space<hbm>>) dst(%dma_wait3A_92 : memref<1x128xi32, #tpu.memory_space<vmem>>)
    %barrier3A = arith.constant 0 : index
    tpu.barrier barrier_id(%barrier3A)
    %scan3A = arith.constant 0 : i32
    %scan3A_95 = arith.constant 0 : i32
    %scan3A_96 = arith.constant 13 : i32
    %scan3A_97 = arith.addi %scan3A_95, %scan3A_96 : i32
    %scan3A_98 = arith.constant 1 : i32
    scf.for %scan3A_116 = %scan3A_95 to %scan3A_97 step %scan3A_98  : i32 {
      %mul3A_117 = arith.constant 6 : i32
      %mul3A_118 = arith.muli %scan3A_116, %mul3A_117 : i32
      %add3A_119 = arith.constant 0 : i32
      %add3A_120 = arith.addi %mul3A_118, %add3A_119 : i32
      %dma_start3A_121 = arith.constant 0 : i32
      %dma_start3A_122 = arith.constant 0 : i32
      %dma_start3A_123 = tpu.memref_slice %arg9[%dma_start3A_121, %dma_start3A_122] : memref<6x128xf32, #tpu.memory_space<vmem>> -> memref<1x128xf32, #tpu.memory_space<vmem>>
      %dma_start3A_124 = tpu.memref_squeeze %dma_start3A_123 : memref<1x128xf32, #tpu.memory_space<vmem>> -> memref<128xf32, #tpu.memory_space<vmem>>
      %dma_start3A_125 = arith.constant 0 : i32
      %dma_start3A_126 = tpu.memref_slice %arg7[%add3A_120, %dma_start3A_125] : memref<79x128xi32, #tpu.memory_space<vmem>> -> memref<1x128xi32, #tpu.memory_space<vmem>>
      %dma_start3A_127 = tpu.memref_squeeze %dma_start3A_126 : memref<1x128xi32, #tpu.memory_space<vmem>> -> memref<128xi32, #tpu.memory_space<vmem>>
      %dma_start3A_128 = arith.constant 0 : i32
      %dma_start3A_129 = tpu.memref_slice %arg10[%dma_start3A_128] : memref<10000xf32, #tpu.memory_space<vmem_shared>> -> memref<10000xf32, #tpu.memory_space<vmem_shared>>
      tpu.enqueue_indirect_dma source(%dma_start3A_129 : memref<10000xf32, #tpu.memory_space<vmem_shared>>) target(%dma_start3A_124 : memref<128xf32, #tpu.memory_space<vmem>>) offsets(%dma_start3A_127 : memref<128xi32, #tpu.memory_space<vmem>>) semaphore(%arg13 : memref<!tpu.dma_semaphore, #tpu.memory_space<semaphore_mem>>)
      %add3A_130 = arith.constant 1 : i32
      %add3A_131 = arith.addi %mul3A_118, %add3A_130 : i32
      %dma_start3A_132 = arith.constant 1 : i32
      %dma_start3A_133 = arith.constant 0 : i32
      %dma_start3A_134 = tpu.memref_slice %arg9[%dma_start3A_132, %dma_start3A_133] : memref<6x128xf32, #tpu.memory_space<vmem>> -> memref<1x128xf32, #tpu.memory_space<vmem>>
      %dma_start3A_135 = tpu.memref_squeeze %dma_start3A_134 : memref<1x128xf32, #tpu.memory_space<vmem>> -> memref<128xf32, #tpu.memory_space<vmem>>
      %dma_start3A_136 = arith.constant 0 : i32
      %dma_start3A_137 = tpu.memref_slice %arg7[%add3A_131, %dma_start3A_136] : memref<79x128xi32, #tpu.memory_space<vmem>> -> memref<1x128xi32, #tpu.memory_space<vmem>>
      %dma_start3A_138 = tpu.memref_squeeze %dma_start3A_137 : memref<1x128xi32, #tpu.memory_space<vmem>> -> memref<128xi32, #tpu.memory_space<vmem>>
      %dma_start3A_139 = arith.constant 0 : i32
      %dma_start3A_140 = tpu.memref_slice %arg10[%dma_start3A_139] : memref<10000xf32, #tpu.memory_space<vmem_shared>> -> memref<10000xf32, #tpu.memory_space<vmem_shared>>
      tpu.enqueue_indirect_dma source(%dma_start3A_140 : memref<10000xf32, #tpu.memory_space<vmem_shared>>) target(%dma_start3A_135 : memref<128xf32, #tpu.memory_space<vmem>>) offsets(%dma_start3A_138 : memref<128xi32, #tpu.memory_space<vmem>>) semaphore(%arg13 : memref<!tpu.dma_semaphore, #tpu.memory_space<semaphore_mem>>)
      %add3A_141 = arith.constant 2 : i32
      %add3A_142 = arith.addi %mul3A_118, %add3A_141 : i32
      %dma_start3A_143 = arith.constant 2 : i32
      %dma_start3A_144 = arith.constant 0 : i32
      %dma_start3A_145 = tpu.memref_slice %arg9[%dma_start3A_143, %dma_start3A_144] : memref<6x128xf32, #tpu.memory_space<vmem>> -> memref<1x128xf32, #tpu.memory_space<vmem>>
      %dma_start3A_146 = tpu.memref_squeeze %dma_start3A_145 : memref<1x128xf32, #tpu.memory_space<vmem>> -> memref<128xf32, #tpu.memory_space<vmem>>
      %dma_start3A_147 = arith.constant 0 : i32
      %dma_start3A_148 = tpu.memref_slice %arg7[%add3A_142, %dma_start3A_147] : memref<79x128xi32, #tpu.memory_space<vmem>> -> memref<1x128xi32, #tpu.memory_space<vmem>>
      %dma_start3A_149 = tpu.memref_squeeze %dma_start3A_148 : memref<1x128xi32, #tpu.memory_space<vmem>> -> memref<128xi32, #tpu.memory_space<vmem>>
      %dma_start3A_150 = arith.constant 0 : i32
      %dma_start3A_151 = tpu.memref_slice %arg10[%dma_start3A_150] : memref<10000xf32, #tpu.memory_space<vmem_shared>> -> memref<10000xf32, #tpu.memory_space<vmem_shared>>
      tpu.enqueue_indirect_dma source(%dma_start3A_151 : memref<10000xf32, #tpu.memory_space<vmem_shared>>) target(%dma_start3A_146 : memref<128xf32, #tpu.memory_space<vmem>>) offsets(%dma_start3A_149 : memref<128xi32, #tpu.memory_space<vmem>>) semaphore(%arg13 : memref<!tpu.dma_semaphore, #tpu.memory_space<semaphore_mem>>)
      %add3A_152 = arith.constant 3 : i32
      %add3A_153 = arith.addi %mul3A_118, %add3A_152 : i32
      %dma_start3A_154 = arith.constant 3 : i32
      %dma_start3A_155 = arith.constant 0 : i32
      %dma_start3A_156 = tpu.memref_slice %arg9[%dma_start3A_154, %dma_start3A_155] : memref<6x128xf32, #tpu.memory_space<vmem>> -> memref<1x128xf32, #tpu.memory_space<vmem>>
      %dma_start3A_157 = tpu.memref_squeeze %dma_start3A_156 : memref<1x128xf32, #tpu.memory_space<vmem>> -> memref<128xf32, #tpu.memory_space<vmem>>
      %dma_start3A_158 = arith.constant 0 : i32
      %dma_start3A_159 = tpu.memref_slice %arg7[%add3A_153, %dma_start3A_158] : memref<79x128xi32, #tpu.memory_space<vmem>> -> memref<1x128xi32, #tpu.memory_space<vmem>>
      %dma_start3A_160 = tpu.memref_squeeze %dma_start3A_159 : memref<1x128xi32, #tpu.memory_space<vmem>> -> memref<128xi32, #tpu.memory_space<vmem>>
      %dma_start3A_161 = arith.constant 0 : i32
      %dma_start3A_162 = tpu.memref_slice %arg10[%dma_start3A_161] : memref<10000xf32, #tpu.memory_space<vmem_shared>> -> memref<10000xf32, #tpu.memory_space<vmem_shared>>
      tpu.enqueue_indirect_dma source(%dma_start3A_162 : memref<10000xf32, #tpu.memory_space<vmem_shared>>) target(%dma_start3A_157 : memref<128xf32, #tpu.memory_space<vmem>>) offsets(%dma_start3A_160 : memref<128xi32, #tpu.memory_space<vmem>>) semaphore(%arg13 : memref<!tpu.dma_semaphore, #tpu.memory_space<semaphore_mem>>)
      %add3A_163 = arith.constant 4 : i32
      %add3A_164 = arith.addi %mul3A_118, %add3A_163 : i32
      %dma_start3A_165 = arith.constant 4 : i32
      %dma_start3A_166 = arith.constant 0 : i32
      %dma_start3A_167 = tpu.memref_slice %arg9[%dma_start3A_165, %dma_start3A_166] : memref<6x128xf32, #tpu.memory_space<vmem>> -> memref<1x128xf32, #tpu.memory_space<vmem>>
      %dma_start3A_168 = tpu.memref_squeeze %dma_start3A_167 : memref<1x128xf32, #tpu.memory_space<vmem>> -> memref<128xf32, #tpu.memory_space<vmem>>
      %dma_start3A_169 = arith.constant 0 : i32
      %dma_start3A_170 = tpu.memref_slice %arg7[%add3A_164, %dma_start3A_169] : memref<79x128xi32, #tpu.memory_space<vmem>> -> memref<1x128xi32, #tpu.memory_space<vmem>>
      %dma_start3A_171 = tpu.memref_squeeze %dma_start3A_170 : memref<1x128xi32, #tpu.memory_space<vmem>> -> memref<128xi32, #tpu.memory_space<vmem>>
      %dma_start3A_172 = arith.constant 0 : i32
      %dma_start3A_173 = tpu.memref_slice %arg10[%dma_start3A_172] : memref<10000xf32, #tpu.memory_space<vmem_shared>> -> memref<10000xf32, #tpu.memory_space<vmem_shared>>
      tpu.enqueue_indirect_dma source(%dma_start3A_173 : memref<10000xf32, #tpu.memory_space<vmem_shared>>) target(%dma_start3A_168 : memref<128xf32, #tpu.memory_space<vmem>>) offsets(%dma_start3A_171 : memref<128xi32, #tpu.memory_space<vmem>>) semaphore(%arg13 : memref<!tpu.dma_semaphore, #tpu.memory_space<semaphore_mem>>)
      %add3A_174 = arith.constant 5 : i32
      %add3A_175 = arith.addi %mul3A_118, %add3A_174 : i32
      %dma_start3A_176 = arith.constant 5 : i32
      %dma_start3A_177 = arith.constant 0 : i32
      %dma_start3A_178 = tpu.memref_slice %arg9[%dma_start3A_176, %dma_start3A_177] : memref<6x128xf32, #tpu.memory_space<vmem>> -> memref<1x128xf32, #tpu.memory_space<vmem>>
      %dma_start3A_179 = tpu.memref_squeeze %dma_start3A_178 : memref<1x128xf32, #tpu.memory_space<vmem>> -> memref<128xf32, #tpu.memory_space<vmem>>
      %dma_start3A_180 = arith.constant 0 : i32
      %dma_start3A_181 = tpu.memref_slice %arg7[%add3A_175, %dma_start3A_180] : memref<79x128xi32, #tpu.memory_space<vmem>> -> memref<1x128xi32, #tpu.memory_space<vmem>>
      %dma_start3A_182 = tpu.memref_squeeze %dma_start3A_181 : memref<1x128xi32, #tpu.memory_space<vmem>> -> memref<128xi32, #tpu.memory_space<vmem>>
      %dma_start3A_183 = arith.constant 0 : i32
      %dma_start3A_184 = tpu.memref_slice %arg10[%dma_start3A_183] : memref<10000xf32, #tpu.memory_space<vmem_shared>> -> memref<10000xf32, #tpu.memory_space<vmem_shared>>
      tpu.enqueue_indirect_dma source(%dma_start3A_184 : memref<10000xf32, #tpu.memory_space<vmem_shared>>) target(%dma_start3A_179 : memref<128xf32, #tpu.memory_space<vmem>>) offsets(%dma_start3A_182 : memref<128xi32, #tpu.memory_space<vmem>>) semaphore(%arg13 : memref<!tpu.dma_semaphore, #tpu.memory_space<semaphore_mem>>)
      %dma_wait3A_185 = arith.constant 0 : i32
      %dma_wait3A_186 = arith.constant 0 : i32
      %dma_wait3A_187 = tpu.memref_slice %arg9[%dma_wait3A_185, %dma_wait3A_186] : memref<6x128xf32, #tpu.memory_space<vmem>> -> memref<1x128xf32, #tpu.memory_space<vmem>>
      %dma_wait3A_188 = tpu.memref_squeeze %dma_wait3A_187 : memref<1x128xf32, #tpu.memory_space<vmem>> -> memref<128xf32, #tpu.memory_space<vmem>>
      %dma_wait3A_189 = arith.constant 0 : i32
      %dma_wait3A_190 = tpu.memref_slice %arg7[%add3A_120, %dma_wait3A_189] : memref<79x128xi32, #tpu.memory_space<vmem>> -> memref<1x128xi32, #tpu.memory_space<vmem>>
      %dma_wait3A_191 = tpu.memref_squeeze %dma_wait3A_190 : memref<1x128xi32, #tpu.memory_space<vmem>> -> memref<128xi32, #tpu.memory_space<vmem>>
      %dma_wait3A_192 = arith.constant 0 : i32
      %dma_wait3A_193 = tpu.memref_slice %arg10[%dma_wait3A_192] : memref<10000xf32, #tpu.memory_space<vmem_shared>> -> memref<10000xf32, #tpu.memory_space<vmem_shared>>
      tpu.wait_indirect_dma semaphore(%arg13 : memref<!tpu.dma_semaphore, #tpu.memory_space<semaphore_mem>>) src(%dma_wait3A_193 : memref<10000xf32, #tpu.memory_space<vmem_shared>>) dst(%dma_wait3A_188 : memref<128xf32, #tpu.memory_space<vmem>>)
      %add3A_194 = arith.constant 0 : i32
      %add3A_195 = arith.addi %mul3A_118, %add3A_194 : i32
      %dma_start3A_196 = arith.constant 0 : i32
      %dma_start3A_197 = arith.constant 0 : i32
      %dma_start3A_198 = tpu.memref_slice %arg9[%dma_start3A_196, %dma_start3A_197] : memref<6x128xf32, #tpu.memory_space<vmem>> -> memref<1x128xf32, #tpu.memory_space<vmem>>
      %dma_start3A_199 = tpu.memref_squeeze %dma_start3A_198 : memref<1x128xf32, #tpu.memory_space<vmem>> -> memref<128xf32, #tpu.memory_space<vmem>>
      %dma_start3A_200 = arith.constant 0 : i32
      %dma_start3A_201 = tpu.memref_slice %arg8[%add3A_195, %dma_start3A_200] : memref<79x128xi32, #tpu.memory_space<vmem>> -> memref<1x128xi32, #tpu.memory_space<vmem>>
      %dma_start3A_202 = tpu.memref_squeeze %dma_start3A_201 : memref<1x128xi32, #tpu.memory_space<vmem>> -> memref<128xi32, #tpu.memory_space<vmem>>
      %dma_start3A_203 = arith.constant 0 : i32
      %dma_start3A_204 = tpu.memref_slice %arg11[%dma_start3A_203] : memref<10000xf32, #tpu.memory_space<vmem_shared>> -> memref<10000xf32, #tpu.memory_space<vmem_shared>>
      tpu.enqueue_indirect_dma source(%dma_start3A_199 : memref<128xf32, #tpu.memory_space<vmem>>) target(%dma_start3A_204 : memref<10000xf32, #tpu.memory_space<vmem_shared>>) offsets(%dma_start3A_202 : memref<128xi32, #tpu.memory_space<vmem>>) semaphore(%arg14 : memref<!tpu.dma_semaphore, #tpu.memory_space<semaphore_mem>>) {add = true}
      %dma_wait3A_205 = arith.constant 1 : i32
      %dma_wait3A_206 = arith.constant 0 : i32
      %dma_wait3A_207 = tpu.memref_slice %arg9[%dma_wait3A_205, %dma_wait3A_206] : memref<6x128xf32, #tpu.memory_space<vmem>> -> memref<1x128xf32, #tpu.memory_space<vmem>>
      %dma_wait3A_208 = tpu.memref_squeeze %dma_wait3A_207 : memref<1x128xf32, #tpu.memory_space<vmem>> -> memref<128xf32, #tpu.memory_space<vmem>>
      %dma_wait3A_209 = arith.constant 0 : i32
      %dma_wait3A_210 = tpu.memref_slice %arg7[%add3A_131, %dma_wait3A_209] : memref<79x128xi32, #tpu.memory_space<vmem>> -> memref<1x128xi32, #tpu.memory_space<vmem>>
      %dma_wait3A_211 = tpu.memref_squeeze %dma_wait3A_210 : memref<1x128xi32, #tpu.memory_space<vmem>> -> memref<128xi32, #tpu.memory_space<vmem>>
      %dma_wait3A_212 = arith.constant 0 : i32
      %dma_wait3A_213 = tpu.memref_slice %arg10[%dma_wait3A_212] : memref<10000xf32, #tpu.memory_space<vmem_shared>> -> memref<10000xf32, #tpu.memory_space<vmem_shared>>
      tpu.wait_indirect_dma semaphore(%arg13 : memref<!tpu.dma_semaphore, #tpu.memory_space<semaphore_mem>>) src(%dma_wait3A_213 : memref<10000xf32, #tpu.memory_space<vmem_shared>>) dst(%dma_wait3A_208 : memref<128xf32, #tpu.memory_space<vmem>>)
      %add3A_214 = arith.constant 1 : i32
      %add3A_215 = arith.addi %mul3A_118, %add3A_214 : i32
      %dma_start3A_216 = arith.constant 1 : i32
      %dma_start3A_217 = arith.constant 0 : i32
      %dma_start3A_218 = tpu.memref_slice %arg9[%dma_start3A_216, %dma_start3A_217] : memref<6x128xf32, #tpu.memory_space<vmem>> -> memref<1x128xf32, #tpu.memory_space<vmem>>
      %dma_start3A_219 = tpu.memref_squeeze %dma_start3A_218 : memref<1x128xf32, #tpu.memory_space<vmem>> -> memref<128xf32, #tpu.memory_space<vmem>>
      %dma_start3A_220 = arith.constant 0 : i32
      %dma_start3A_221 = tpu.memref_slice %arg8[%add3A_215, %dma_start3A_220] : memref<79x128xi32, #tpu.memory_space<vmem>> -> memref<1x128xi32, #tpu.memory_space<vmem>>
      %dma_start3A_222 = tpu.memref_squeeze %dma_start3A_221 : memref<1x128xi32, #tpu.memory_space<vmem>> -> memref<128xi32, #tpu.memory_space<vmem>>
      %dma_start3A_223 = arith.constant 0 : i32
      %dma_start3A_224 = tpu.memref_slice %arg11[%dma_start3A_223] : memref<10000xf32, #tpu.memory_space<vmem_shared>> -> memref<10000xf32, #tpu.memory_space<vmem_shared>>
      tpu.enqueue_indirect_dma source(%dma_start3A_219 : memref<128xf32, #tpu.memory_space<vmem>>) target(%dma_start3A_224 : memref<10000xf32, #tpu.memory_space<vmem_shared>>) offsets(%dma_start3A_222 : memref<128xi32, #tpu.memory_space<vmem>>) semaphore(%arg14 : memref<!tpu.dma_semaphore, #tpu.memory_space<semaphore_mem>>) {add = true}
      %dma_wait3A_225 = arith.constant 2 : i32
      %dma_wait3A_226 = arith.constant 0 : i32
      %dma_wait3A_227 = tpu.memref_slice %arg9[%dma_wait3A_225, %dma_wait3A_226] : memref<6x128xf32, #tpu.memory_space<vmem>> -> memref<1x128xf32, #tpu.memory_space<vmem>>
      %dma_wait3A_228 = tpu.memref_squeeze %dma_wait3A_227 : memref<1x128xf32, #tpu.memory_space<vmem>> -> memref<128xf32, #tpu.memory_space<vmem>>
      %dma_wait3A_229 = arith.constant 0 : i32
      %dma_wait3A_230 = tpu.memref_slice %arg7[%add3A_142, %dma_wait3A_229] : memref<79x128xi32, #tpu.memory_space<vmem>> -> memref<1x128xi32, #tpu.memory_space<vmem>>
      %dma_wait3A_231 = tpu.memref_squeeze %dma_wait3A_230 : memref<1x128xi32, #tpu.memory_space<vmem>> -> memref<128xi32, #tpu.memory_space<vmem>>
      %dma_wait3A_232 = arith.constant 0 : i32
      %dma_wait3A_233 = tpu.memref_slice %arg10[%dma_wait3A_232] : memref<10000xf32, #tpu.memory_space<vmem_shared>> -> memref<10000xf32, #tpu.memory_space<vmem_shared>>
      tpu.wait_indirect_dma semaphore(%arg13 : memref<!tpu.dma_semaphore, #tpu.memory_space<semaphore_mem>>) src(%dma_wait3A_233 : memref<10000xf32, #tpu.memory_space<vmem_shared>>) dst(%dma_wait3A_228 : memref<128xf32, #tpu.memory_space<vmem>>)
      %add3A_234 = arith.constant 2 : i32
      %add3A_235 = arith.addi %mul3A_118, %add3A_234 : i32
      %dma_start3A_236 = arith.constant 2 : i32
      %dma_start3A_237 = arith.constant 0 : i32
      %dma_start3A_238 = tpu.memref_slice %arg9[%dma_start3A_236, %dma_start3A_237] : memref<6x128xf32, #tpu.memory_space<vmem>> -> memref<1x128xf32, #tpu.memory_space<vmem>>
      %dma_start3A_239 = tpu.memref_squeeze %dma_start3A_238 : memref<1x128xf32, #tpu.memory_space<vmem>> -> memref<128xf32, #tpu.memory_space<vmem>>
      %dma_start3A_240 = arith.constant 0 : i32
      %dma_start3A_241 = tpu.memref_slice %arg8[%add3A_235, %dma_start3A_240] : memref<79x128xi32, #tpu.memory_space<vmem>> -> memref<1x128xi32, #tpu.memory_space<vmem>>
      %dma_start3A_242 = tpu.memref_squeeze %dma_start3A_241 : memref<1x128xi32, #tpu.memory_space<vmem>> -> memref<128xi32, #tpu.memory_space<vmem>>
      %dma_start3A_243 = arith.constant 0 : i32
      %dma_start3A_244 = tpu.memref_slice %arg11[%dma_start3A_243] : memref<10000xf32, #tpu.memory_space<vmem_shared>> -> memref<10000xf32, #tpu.memory_space<vmem_shared>>
      tpu.enqueue_indirect_dma source(%dma_start3A_239 : memref<128xf32, #tpu.memory_space<vmem>>) target(%dma_start3A_244 : memref<10000xf32, #tpu.memory_space<vmem_shared>>) offsets(%dma_start3A_242 : memref<128xi32, #tpu.memory_space<vmem>>) semaphore(%arg14 : memref<!tpu.dma_semaphore, #tpu.memory_space<semaphore_mem>>) {add = true}
      %dma_wait3A_245 = arith.constant 3 : i32
      %dma_wait3A_246 = arith.constant 0 : i32
      %dma_wait3A_247 = tpu.memref_slice %arg9[%dma_wait3A_245, %dma_wait3A_246] : memref<6x128xf32, #tpu.memory_space<vmem>> -> memref<1x128xf32, #tpu.memory_space<vmem>>
      %dma_wait3A_248 = tpu.memref_squeeze %dma_wait3A_247 : memref<1x128xf32, #tpu.memory_space<vmem>> -> memref<128xf32, #tpu.memory_space<vmem>>
      %dma_wait3A_249 = arith.constant 0 : i32
      %dma_wait3A_250 = tpu.memref_slice %arg7[%add3A_153, %dma_wait3A_249] : memref<79x128xi32, #tpu.memory_space<vmem>> -> memref<1x128xi32, #tpu.memory_space<vmem>>
      %dma_wait3A_251 = tpu.memref_squeeze %dma_wait3A_250 : memref<1x128xi32, #tpu.memory_space<vmem>> -> memref<128xi32, #tpu.memory_space<vmem>>
      %dma_wait3A_252 = arith.constant 0 : i32
      %dma_wait3A_253 = tpu.memref_slice %arg10[%dma_wait3A_252] : memref<10000xf32, #tpu.memory_space<vmem_shared>> -> memref<10000xf32, #tpu.memory_space<vmem_shared>>
      tpu.wait_indirect_dma semaphore(%arg13 : memref<!tpu.dma_semaphore, #tpu.memory_space<semaphore_mem>>) src(%dma_wait3A_253 : memref<10000xf32, #tpu.memory_space<vmem_shared>>) dst(%dma_wait3A_248 : memref<128xf32, #tpu.memory_space<vmem>>)
      %add3A_254 = arith.constant 3 : i32
      %add3A_255 = arith.addi %mul3A_118, %add3A_254 : i32
      %dma_start3A_256 = arith.constant 3 : i32
      %dma_start3A_257 = arith.constant 0 : i32
      %dma_start3A_258 = tpu.memref_slice %arg9[%dma_start3A_256, %dma_start3A_257] : memref<6x128xf32, #tpu.memory_space<vmem>> -> memref<1x128xf32, #tpu.memory_space<vmem>>
      %dma_start3A_259 = tpu.memref_squeeze %dma_start3A_258 : memref<1x128xf32, #tpu.memory_space<vmem>> -> memref<128xf32, #tpu.memory_space<vmem>>
      %dma_start3A_260 = arith.constant 0 : i32
      %dma_start3A_261 = tpu.memref_slice %arg8[%add3A_255, %dma_start3A_260] : memref<79x128xi32, #tpu.memory_space<vmem>> -> memref<1x128xi32, #tpu.memory_space<vmem>>
      %dma_start3A_262 = tpu.memref_squeeze %dma_start3A_261 : memref<1x128xi32, #tpu.memory_space<vmem>> -> memref<128xi32, #tpu.memory_space<vmem>>
      %dma_start3A_263 = arith.constant 0 : i32
      %dma_start3A_264 = tpu.memref_slice %arg11[%dma_start3A_263] : memref<10000xf32, #tpu.memory_space<vmem_shared>> -> memref<10000xf32, #tpu.memory_space<vmem_shared>>
      tpu.enqueue_indirect_dma source(%dma_start3A_259 : memref<128xf32, #tpu.memory_space<vmem>>) target(%dma_start3A_264 : memref<10000xf32, #tpu.memory_space<vmem_shared>>) offsets(%dma_start3A_262 : memref<128xi32, #tpu.memory_space<vmem>>) semaphore(%arg14 : memref<!tpu.dma_semaphore, #tpu.memory_space<semaphore_mem>>) {add = true}
      %dma_wait3A_265 = arith.constant 4 : i32
      %dma_wait3A_266 = arith.constant 0 : i32
      %dma_wait3A_267 = tpu.memref_slice %arg9[%dma_wait3A_265, %dma_wait3A_266] : memref<6x128xf32, #tpu.memory_space<vmem>> -> memref<1x128xf32, #tpu.memory_space<vmem>>
      %dma_wait3A_268 = tpu.memref_squeeze %dma_wait3A_267 : memref<1x128xf32, #tpu.memory_space<vmem>> -> memref<128xf32, #tpu.memory_space<vmem>>
      %dma_wait3A_269 = arith.constant 0 : i32
      %dma_wait3A_270 = tpu.memref_slice %arg7[%add3A_164, %dma_wait3A_269] : memref<79x128xi32, #tpu.memory_space<vmem>> -> memref<1x128xi32, #tpu.memory_space<vmem>>
      %dma_wait3A_271 = tpu.memref_squeeze %dma_wait3A_270 : memref<1x128xi32, #tpu.memory_space<vmem>> -> memref<128xi32, #tpu.memory_space<vmem>>
      %dma_wait3A_272 = arith.constant 0 : i32
      %dma_wait3A_273 = tpu.memref_slice %arg10[%dma_wait3A_272] : memref<10000xf32, #tpu.memory_space<vmem_shared>> -> memref<10000xf32, #tpu.memory_space<vmem_shared>>
      tpu.wait_indirect_dma semaphore(%arg13 : memref<!tpu.dma_semaphore, #tpu.memory_space<semaphore_mem>>) src(%dma_wait3A_273 : memref<10000xf32, #tpu.memory_space<vmem_shared>>) dst(%dma_wait3A_268 : memref<128xf32, #tpu.memory_space<vmem>>)
      %add3A_274 = arith.constant 4 : i32
      %add3A_275 = arith.addi %mul3A_118, %add3A_274 : i32
      %dma_start3A_276 = arith.constant 4 : i32
      %dma_start3A_277 = arith.constant 0 : i32
      %dma_start3A_278 = tpu.memref_slice %arg9[%dma_start3A_276, %dma_start3A_277] : memref<6x128xf32, #tpu.memory_space<vmem>> -> memref<1x128xf32, #tpu.memory_space<vmem>>
      %dma_start3A_279 = tpu.memref_squeeze %dma_start3A_278 : memref<1x128xf32, #tpu.memory_space<vmem>> -> memref<128xf32, #tpu.memory_space<vmem>>
      %dma_start3A_280 = arith.constant 0 : i32
      %dma_start3A_281 = tpu.memref_slice %arg8[%add3A_275, %dma_start3A_280] : memref<79x128xi32, #tpu.memory_space<vmem>> -> memref<1x128xi32, #tpu.memory_space<vmem>>
      %dma_start3A_282 = tpu.memref_squeeze %dma_start3A_281 : memref<1x128xi32, #tpu.memory_space<vmem>> -> memref<128xi32, #tpu.memory_space<vmem>>
      %dma_start3A_283 = arith.constant 0 : i32
      %dma_start3A_284 = tpu.memref_slice %arg11[%dma_start3A_283] : memref<10000xf32, #tpu.memory_space<vmem_shared>> -> memref<10000xf32, #tpu.memory_space<vmem_shared>>
      tpu.enqueue_indirect_dma source(%dma_start3A_279 : memref<128xf32, #tpu.memory_space<vmem>>) target(%dma_start3A_284 : memref<10000xf32, #tpu.memory_space<vmem_shared>>) offsets(%dma_start3A_282 : memref<128xi32, #tpu.memory_space<vmem>>) semaphore(%arg14 : memref<!tpu.dma_semaphore, #tpu.memory_space<semaphore_mem>>) {add = true}
      %dma_wait3A_285 = arith.constant 5 : i32
      %dma_wait3A_286 = arith.constant 0 : i32
      %dma_wait3A_287 = tpu.memref_slice %arg9[%dma_wait3A_285, %dma_wait3A_286] : memref<6x128xf32, #tpu.memory_space<vmem>> -> memref<1x128xf32, #tpu.memory_space<vmem>>
      %dma_wait3A_288 = tpu.memref_squeeze %dma_wait3A_287 : memref<1x128xf32, #tpu.memory_space<vmem>> -> memref<128xf32, #tpu.memory_space<vmem>>
      %dma_wait3A_289 = arith.constant 0 : i32
      %dma_wait3A_290 = tpu.memref_slice %arg7[%add3A_175, %dma_wait3A_289] : memref<79x128xi32, #tpu.memory_space<vmem>> -> memref<1x128xi32, #tpu.memory_space<vmem>>
      %dma_wait3A_291 = tpu.memref_squeeze %dma_wait3A_290 : memref<1x128xi32, #tpu.memory_space<vmem>> -> memref<128xi32, #tpu.memory_space<vmem>>
      %dma_wait3A_292 = arith.constant 0 : i32
      %dma_wait3A_293 = tpu.memref_slice %arg10[%dma_wait3A_292] : memref<10000xf32, #tpu.memory_space<vmem_shared>> -> memref<10000xf32, #tpu.memory_space<vmem_shared>>
      tpu.wait_indirect_dma semaphore(%arg13 : memref<!tpu.dma_semaphore, #tpu.memory_space<semaphore_mem>>) src(%dma_wait3A_293 : memref<10000xf32, #tpu.memory_space<vmem_shared>>) dst(%dma_wait3A_288 : memref<128xf32, #tpu.memory_space<vmem>>)
      %add3A_294 = arith.constant 5 : i32
      %add3A_295 = arith.addi %mul3A_118, %add3A_294 : i32
      %dma_start3A_296 = arith.constant 5 : i32
      %dma_start3A_297 = arith.constant 0 : i32
      %dma_start3A_298 = tpu.memref_slice %arg9[%dma_start3A_296, %dma_start3A_297] : memref<6x128xf32, #tpu.memory_space<vmem>> -> memref<1x128xf32, #tpu.memory_space<vmem>>
      %dma_start3A_299 = tpu.memref_squeeze %dma_start3A_298 : memref<1x128xf32, #tpu.memory_space<vmem>> -> memref<128xf32, #tpu.memory_space<vmem>>
      %dma_start3A_300 = arith.constant 0 : i32
      %dma_start3A_301 = tpu.memref_slice %arg8[%add3A_295, %dma_start3A_300] : memref<79x128xi32, #tpu.memory_space<vmem>> -> memref<1x128xi32, #tpu.memory_space<vmem>>
      %dma_start3A_302 = tpu.memref_squeeze %dma_start3A_301 : memref<1x128xi32, #tpu.memory_space<vmem>> -> memref<128xi32, #tpu.memory_space<vmem>>
      %dma_start3A_303 = arith.constant 0 : i32
      %dma_start3A_304 = tpu.memref_slice %arg11[%dma_start3A_303] : memref<10000xf32, #tpu.memory_space<vmem_shared>> -> memref<10000xf32, #tpu.memory_space<vmem_shared>>
      tpu.enqueue_indirect_dma source(%dma_start3A_299 : memref<128xf32, #tpu.memory_space<vmem>>) target(%dma_start3A_304 : memref<10000xf32, #tpu.memory_space<vmem_shared>>) offsets(%dma_start3A_302 : memref<128xi32, #tpu.memory_space<vmem>>) semaphore(%arg14 : memref<!tpu.dma_semaphore, #tpu.memory_space<semaphore_mem>>) {add = true}
      %dma_wait3A_305 = arith.constant 0 : i32
      %dma_wait3A_306 = arith.constant 0 : i32
      %dma_wait3A_307 = tpu.memref_slice %arg9[%dma_wait3A_305, %dma_wait3A_306] : memref<6x128xf32, #tpu.memory_space<vmem>> -> memref<1x128xf32, #tpu.memory_space<vmem>>
      %dma_wait3A_308 = tpu.memref_squeeze %dma_wait3A_307 : memref<1x128xf32, #tpu.memory_space<vmem>> -> memref<128xf32, #tpu.memory_space<vmem>>
      %dma_wait3A_309 = arith.constant 0 : i32
      %dma_wait3A_310 = tpu.memref_slice %arg8[%add3A_195, %dma_wait3A_309] : memref<79x128xi32, #tpu.memory_space<vmem>> -> memref<1x128xi32, #tpu.memory_space<vmem>>
      %dma_wait3A_311 = tpu.memref_squeeze %dma_wait3A_310 : memref<1x128xi32, #tpu.memory_space<vmem>> -> memref<128xi32, #tpu.memory_space<vmem>>
      %dma_wait3A_312 = arith.constant 0 : i32
      %dma_wait3A_313 = tpu.memref_slice %arg11[%dma_wait3A_312] : memref<10000xf32, #tpu.memory_space<vmem_shared>> -> memref<10000xf32, #tpu.memory_space<vmem_shared>>
      tpu.wait_indirect_dma semaphore(%arg14 : memref<!tpu.dma_semaphore, #tpu.memory_space<semaphore_mem>>) src(%dma_wait3A_308 : memref<128xf32, #tpu.memory_space<vmem>>) dst(%dma_wait3A_313 : memref<10000xf32, #tpu.memory_space<vmem_shared>>)
      %dma_wait3A_314 = arith.constant 1 : i32
      %dma_wait3A_315 = arith.constant 0 : i32
      %dma_wait3A_316 = tpu.memref_slice %arg9[%dma_wait3A_314, %dma_wait3A_315] : memref<6x128xf32, #tpu.memory_space<vmem>> -> memref<1x128xf32, #tpu.memory_space<vmem>>
      %dma_wait3A_317 = tpu.memref_squeeze %dma_wait3A_316 : memref<1x128xf32, #tpu.memory_space<vmem>> -> memref<128xf32, #tpu.memory_space<vmem>>
      %dma_wait3A_318 = arith.constant 0 : i32
      %dma_wait3A_319 = tpu.memref_slice %arg8[%add3A_215, %dma_wait3A_318] : memref<79x128xi32, #tpu.memory_space<vmem>> -> memref<1x128xi32, #tpu.memory_space<vmem>>
      %dma_wait3A_320 = tpu.memref_squeeze %dma_wait3A_319 : memref<1x128xi32, #tpu.memory_space<vmem>> -> memref<128xi32, #tpu.memory_space<vmem>>
      %dma_wait3A_321 = arith.constant 0 : i32
      %dma_wait3A_322 = tpu.memref_slice %arg11[%dma_wait3A_321] : memref<10000xf32, #tpu.memory_space<vmem_shared>> -> memref<10000xf32, #tpu.memory_space<vmem_shared>>
      tpu.wait_indirect_dma semaphore(%arg14 : memref<!tpu.dma_semaphore, #tpu.memory_space<semaphore_mem>>) src(%dma_wait3A_317 : memref<128xf32, #tpu.memory_space<vmem>>) dst(%dma_wait3A_322 : memref<10000xf32, #tpu.memory_space<vmem_shared>>)
      %dma_wait3A_323 = arith.constant 2 : i32
      %dma_wait3A_324 = arith.constant 0 : i32
      %dma_wait3A_325 = tpu.memref_slice %arg9[%dma_wait3A_323, %dma_wait3A_324] : memref<6x128xf32, #tpu.memory_space<vmem>> -> memref<1x128xf32, #tpu.memory_space<vmem>>
      %dma_wait3A_326 = tpu.memref_squeeze %dma_wait3A_325 : memref<1x128xf32, #tpu.memory_space<vmem>> -> memref<128xf32, #tpu.memory_space<vmem>>
      %dma_wait3A_327 = arith.constant 0 : i32
      %dma_wait3A_328 = tpu.memref_slice %arg8[%add3A_235, %dma_wait3A_327] : memref<79x128xi32, #tpu.memory_space<vmem>> -> memref<1x128xi32, #tpu.memory_space<vmem>>
      %dma_wait3A_329 = tpu.memref_squeeze %dma_wait3A_328 : memref<1x128xi32, #tpu.memory_space<vmem>> -> memref<128xi32, #tpu.memory_space<vmem>>
      %dma_wait3A_330 = arith.constant 0 : i32
      %dma_wait3A_331 = tpu.memref_slice %arg11[%dma_wait3A_330] : memref<10000xf32, #tpu.memory_space<vmem_shared>> -> memref<10000xf32, #tpu.memory_space<vmem_shared>>
      tpu.wait_indirect_dma semaphore(%arg14 : memref<!tpu.dma_semaphore, #tpu.memory_space<semaphore_mem>>) src(%dma_wait3A_326 : memref<128xf32, #tpu.memory_space<vmem>>) dst(%dma_wait3A_331 : memref<10000xf32, #tpu.memory_space<vmem_shared>>)
      %dma_wait3A_332 = arith.constant 3 : i32
      %dma_wait3A_333 = arith.constant 0 : i32
      %dma_wait3A_334 = tpu.memref_slice %arg9[%dma_wait3A_332, %dma_wait3A_333] : memref<6x128xf32, #tpu.memory_space<vmem>> -> memref<1x128xf32, #tpu.memory_space<vmem>>
      %dma_wait3A_335 = tpu.memref_squeeze %dma_wait3A_334 : memref<1x128xf32, #tpu.memory_space<vmem>> -> memref<128xf32, #tpu.memory_space<vmem>>
      %dma_wait3A_336 = arith.constant 0 : i32
      %dma_wait3A_337 = tpu.memref_slice %arg8[%add3A_255, %dma_wait3A_336] : memref<79x128xi32, #tpu.memory_space<vmem>> -> memref<1x128xi32, #tpu.memory_space<vmem>>
      %dma_wait3A_338 = tpu.memref_squeeze %dma_wait3A_337 : memref<1x128xi32, #tpu.memory_space<vmem>> -> memref<128xi32, #tpu.memory_space<vmem>>
      %dma_wait3A_339 = arith.constant 0 : i32
      %dma_wait3A_340 = tpu.memref_slice %arg11[%dma_wait3A_339] : memref<10000xf32, #tpu.memory_space<vmem_shared>> -> memref<10000xf32, #tpu.memory_space<vmem_shared>>
      tpu.wait_indirect_dma semaphore(%arg14 : memref<!tpu.dma_semaphore, #tpu.memory_space<semaphore_mem>>) src(%dma_wait3A_335 : memref<128xf32, #tpu.memory_space<vmem>>) dst(%dma_wait3A_340 : memref<10000xf32, #tpu.memory_space<vmem_shared>>)
      %dma_wait3A_341 = arith.constant 4 : i32
      %dma_wait3A_342 = arith.constant 0 : i32
      %dma_wait3A_343 = tpu.memref_slice %arg9[%dma_wait3A_341, %dma_wait3A_342] : memref<6x128xf32, #tpu.memory_space<vmem>> -> memref<1x128xf32, #tpu.memory_space<vmem>>
      %dma_wait3A_344 = tpu.memref_squeeze %dma_wait3A_343 : memref<1x128xf32, #tpu.memory_space<vmem>> -> memref<128xf32, #tpu.memory_space<vmem>>
      %dma_wait3A_345 = arith.constant 0 : i32
      %dma_wait3A_346 = tpu.memref_slice %arg8[%add3A_275, %dma_wait3A_345] : memref<79x128xi32, #tpu.memory_space<vmem>> -> memref<1x128xi32, #tpu.memory_space<vmem>>
      %dma_wait3A_347 = tpu.memref_squeeze %dma_wait3A_346 : memref<1x128xi32, #tpu.memory_space<vmem>> -> memref<128xi32, #tpu.memory_space<vmem>>
      %dma_wait3A_348 = arith.constant 0 : i32
      %dma_wait3A_349 = tpu.memref_slice %arg11[%dma_wait3A_348] : memref<10000xf32, #tpu.memory_space<vmem_shared>> -> memref<10000xf32, #tpu.memory_space<vmem_shared>>
      tpu.wait_indirect_dma semaphore(%arg14 : memref<!tpu.dma_semaphore, #tpu.memory_space<semaphore_mem>>) src(%dma_wait3A_344 : memref<128xf32, #tpu.memory_space<vmem>>) dst(%dma_wait3A_349 : memref<10000xf32, #tpu.memory_space<vmem_shared>>)
      %dma_wait3A_350 = arith.constant 5 : i32
      %dma_wait3A_351 = arith.constant 0 : i32
      %dma_wait3A_352 = tpu.memref_slice %arg9[%dma_wait3A_350, %dma_wait3A_351] : memref<6x128xf32, #tpu.memory_space<vmem>> -> memref<1x128xf32, #tpu.memory_space<vmem>>
      %dma_wait3A_353 = tpu.memref_squeeze %dma_wait3A_352 : memref<1x128xf32, #tpu.memory_space<vmem>> -> memref<128xf32, #tpu.memory_space<vmem>>
      %dma_wait3A_354 = arith.constant 0 : i32
      %dma_wait3A_355 = tpu.memref_slice %arg8[%add3A_295, %dma_wait3A_354] : memref<79x128xi32, #tpu.memory_space<vmem>> -> memref<1x128xi32, #tpu.memory_space<vmem>>
      %dma_wait3A_356 = tpu.memref_squeeze %dma_wait3A_355 : memref<1x128xi32, #tpu.memory_space<vmem>> -> memref<128xi32, #tpu.memory_space<vmem>>
      %dma_wait3A_357 = arith.constant 0 : i32
      %dma_wait3A_358 = tpu.memref_slice %arg11[%dma_wait3A_357] : memref<10000xf32, #tpu.memory_space<vmem_shared>> -> memref<10000xf32, #tpu.memory_space<vmem_shared>>
      tpu.wait_indirect_dma semaphore(%arg14 : memref<!tpu.dma_semaphore, #tpu.memory_space<semaphore_mem>>) src(%dma_wait3A_353 : memref<128xf32, #tpu.memory_space<vmem>>) dst(%dma_wait3A_358 : memref<10000xf32, #tpu.memory_space<vmem_shared>>)
    }
    %scan3A_99 = arith.constant 13 : i32
    %lt3A_100 = arith.constant 4 : i32
    %lt3A_101 = arith.cmpi slt, %add3A, %lt3A_100 : i32
    %convert_element_type3A_102 = arith.extui %lt3A_101 : i1 to i32
    %cond3A_103 = arith.constant 0 : i32
    %cond3A_104 = arith.cmpi ne, %convert_element_type3A_102, %cond3A_103 : i32
    scf.if %cond3A_104 {
      %dma_start3A_116 = arith.constant 78 : i32
      %dma_start3A_117 = arith.constant 0 : i32
      %dma_start3A_118 = arith.constant 0 : i32
      %dma_start3A_119 = tpu.memref_slice %arg9[%dma_start3A_117, %dma_start3A_118] : memref<6x128xf32, #tpu.memory_space<vmem>> -> memref<1x128xf32, #tpu.memory_space<vmem>>
      %dma_start3A_120 = tpu.memref_squeeze %dma_start3A_119 : memref<1x128xf32, #tpu.memory_space<vmem>> -> memref<128xf32, #tpu.memory_space<vmem>>
      %dma_start3A_121 = arith.constant 0 : i32
      %dma_start3A_122 = tpu.memref_slice %arg7[%dma_start3A_116, %dma_start3A_121] : memref<79x128xi32, #tpu.memory_space<vmem>> -> memref<1x128xi32, #tpu.memory_space<vmem>>
      %dma_start3A_123 = tpu.memref_squeeze %dma_start3A_122 : memref<1x128xi32, #tpu.memory_space<vmem>> -> memref<128xi32, #tpu.memory_space<vmem>>
      %dma_start3A_124 = arith.constant 0 : i32
      %dma_start3A_125 = tpu.memref_slice %arg10[%dma_start3A_124] : memref<10000xf32, #tpu.memory_space<vmem_shared>> -> memref<10000xf32, #tpu.memory_space<vmem_shared>>
      tpu.enqueue_indirect_dma source(%dma_start3A_125 : memref<10000xf32, #tpu.memory_space<vmem_shared>>) target(%dma_start3A_120 : memref<128xf32, #tpu.memory_space<vmem>>) offsets(%dma_start3A_123 : memref<128xi32, #tpu.memory_space<vmem>>) semaphore(%arg13 : memref<!tpu.dma_semaphore, #tpu.memory_space<semaphore_mem>>)
      %dma_wait3A_126 = arith.constant 78 : i32
      %dma_wait3A_127 = arith.constant 0 : i32
      %dma_wait3A_128 = arith.constant 0 : i32
      %dma_wait3A_129 = tpu.memref_slice %arg9[%dma_wait3A_127, %dma_wait3A_128] : memref<6x128xf32, #tpu.memory_space<vmem>> -> memref<1x128xf32, #tpu.memory_space<vmem>>
      %dma_wait3A_130 = tpu.memref_squeeze %dma_wait3A_129 : memref<1x128xf32, #tpu.memory_space<vmem>> -> memref<128xf32, #tpu.memory_space<vmem>>
      %dma_wait3A_131 = arith.constant 0 : i32
      %dma_wait3A_132 = tpu.memref_slice %arg7[%dma_wait3A_126, %dma_wait3A_131] : memref<79x128xi32, #tpu.memory_space<vmem>> -> memref<1x128xi32, #tpu.memory_space<vmem>>
      %dma_wait3A_133 = tpu.memref_squeeze %dma_wait3A_132 : memref<1x128xi32, #tpu.memory_space<vmem>> -> memref<128xi32, #tpu.memory_space<vmem>>
      %dma_wait3A_134 = arith.constant 0 : i32
      %dma_wait3A_135 = tpu.memref_slice %arg10[%dma_wait3A_134] : memref<10000xf32, #tpu.memory_space<vmem_shared>> -> memref<10000xf32, #tpu.memory_space<vmem_shared>>
      tpu.wait_indirect_dma semaphore(%arg13 : memref<!tpu.dma_semaphore, #tpu.memory_space<semaphore_mem>>) src(%dma_wait3A_135 : memref<10000xf32, #tpu.memory_space<vmem_shared>>) dst(%dma_wait3A_130 : memref<128xf32, #tpu.memory_space<vmem>>)
      %dma_start3A_136 = arith.constant 0 : i32
      %dma_start3A_137 = arith.constant 78 : i32
      %dma_start3A_138 = arith.constant 0 : i32
      %dma_start3A_139 = tpu.memref_slice %arg9[%dma_start3A_136, %dma_start3A_138] : memref<6x128xf32, #tpu.memory_space<vmem>> -> memref<1x128xf32, #tpu.memory_space<vmem>>
      %dma_start3A_140 = tpu.memref_squeeze %dma_start3A_139 : memref<1x128xf32, #tpu.memory_space<vmem>> -> memref<128xf32, #tpu.memory_space<vmem>>
      %dma_start3A_141 = arith.constant 0 : i32
      %dma_start3A_142 = tpu.memref_slice %arg8[%dma_start3A_137, %dma_start3A_141] : memref<79x128xi32, #tpu.memory_space<vmem>> -> memref<1x128xi32, #tpu.memory_space<vmem>>
      %dma_start3A_143 = tpu.memref_squeeze %dma_start3A_142 : memref<1x128xi32, #tpu.memory_space<vmem>> -> memref<128xi32, #tpu.memory_space<vmem>>
      %dma_start3A_144 = arith.constant 0 : i32
      %dma_start3A_145 = tpu.memref_slice %arg11[%dma_start3A_144] : memref<10000xf32, #tpu.memory_space<vmem_shared>> -> memref<10000xf32, #tpu.memory_space<vmem_shared>>
      tpu.enqueue_indirect_dma source(%dma_start3A_140 : memref<128xf32, #tpu.memory_space<vmem>>) target(%dma_start3A_145 : memref<10000xf32, #tpu.memory_space<vmem_shared>>) offsets(%dma_start3A_143 : memref<128xi32, #tpu.memory_space<vmem>>) semaphore(%arg14 : memref<!tpu.dma_semaphore, #tpu.memory_space<semaphore_mem>>) {add = true}
      %dma_wait3A_146 = arith.constant 0 : i32
      %dma_wait3A_147 = arith.constant 78 : i32
      %dma_wait3A_148 = arith.constant 0 : i32
      %dma_wait3A_149 = tpu.memref_slice %arg9[%dma_wait3A_146, %dma_wait3A_148] : memref<6x128xf32, #tpu.memory_space<vmem>> -> memref<1x128xf32, #tpu.memory_space<vmem>>
      %dma_wait3A_150 = tpu.memref_squeeze %dma_wait3A_149 : memref<1x128xf32, #tpu.memory_space<vmem>> -> memref<128xf32, #tpu.memory_space<vmem>>
      %dma_wait3A_151 = arith.constant 0 : i32
      %dma_wait3A_152 = tpu.memref_slice %arg8[%dma_wait3A_147, %dma_wait3A_151] : memref<79x128xi32, #tpu.memory_space<vmem>> -> memref<1x128xi32, #tpu.memory_space<vmem>>
      %dma_wait3A_153 = tpu.memref_squeeze %dma_wait3A_152 : memref<1x128xi32, #tpu.memory_space<vmem>> -> memref<128xi32, #tpu.memory_space<vmem>>
      %dma_wait3A_154 = arith.constant 0 : i32
      %dma_wait3A_155 = tpu.memref_slice %arg11[%dma_wait3A_154] : memref<10000xf32, #tpu.memory_space<vmem_shared>> -> memref<10000xf32, #tpu.memory_space<vmem_shared>>
      tpu.wait_indirect_dma semaphore(%arg14 : memref<!tpu.dma_semaphore, #tpu.memory_space<semaphore_mem>>) src(%dma_wait3A_150 : memref<128xf32, #tpu.memory_space<vmem>>) dst(%dma_wait3A_155 : memref<10000xf32, #tpu.memory_space<vmem_shared>>)
    } else {
    }
    %barrier3A_105 = arith.constant 0 : index
    tpu.barrier barrier_id(%barrier3A_105)
    %lt3A_106 = arith.constant 15 : i32
    %lt3A_107 = arith.cmpi slt, %arg1, %lt3A_106 : i32
    %convert_element_type3A_108 = arith.extui %lt3A_107 : i1 to i32
    %cond3A_109 = arith.constant 0 : i32
    %cond3A_110 = arith.cmpi ne, %convert_element_type3A_108, %cond3A_109 : i32
    scf.if %cond3A_110 {
      "tpu.region"() ({
        %run_scoped3A = tpu.sem_alloc : memref<!tpu.dma_semaphore, #tpu.memory_space<semaphore_mem>>
        %dma_start3A_116 = tpu.memref_slice %arg6[%arg0, %mul3A_48] : memref<2x10000xf32, #tpu.memory_space<hbm>> -> memref<1x624xf32, #tpu.memory_space<hbm>>
        %dma_start3A_117 = tpu.memref_squeeze %dma_start3A_116 : memref<1x624xf32, #tpu.memory_space<hbm>> -> memref<624xf32, #tpu.memory_space<hbm>>
        %dma_start3A_118 = tpu.memref_slice %arg11[%mul3A_48] : memref<10000xf32, #tpu.memory_space<vmem_shared>> -> memref<624xf32, #tpu.memory_space<vmem_shared>>
        tpu.enqueue_dma source(%dma_start3A_118 : memref<624xf32, #tpu.memory_space<vmem_shared>>) target(%dma_start3A_117 : memref<624xf32, #tpu.memory_space<hbm>>) target_semaphore(%run_scoped3A : memref<!tpu.dma_semaphore, #tpu.memory_space<semaphore_mem>>)
        %dma_wait3A_119 = tpu.memref_slice %arg6[%arg0, %mul3A_48] : memref<2x10000xf32, #tpu.memory_space<hbm>> -> memref<1x624xf32, #tpu.memory_space<hbm>>
        %dma_wait3A_120 = tpu.memref_squeeze %dma_wait3A_119 : memref<1x624xf32, #tpu.memory_space<hbm>> -> memref<624xf32, #tpu.memory_space<hbm>>
        %dma_wait3A_121 = tpu.memref_slice %arg11[%mul3A_48] : memref<10000xf32, #tpu.memory_space<vmem_shared>> -> memref<624xf32, #tpu.memory_space<vmem_shared>>
        tpu.wait_dma2 semaphore(%run_scoped3A : memref<!tpu.dma_semaphore, #tpu.memory_space<semaphore_mem>>) src(%dma_wait3A_121 : memref<624xf32, #tpu.memory_space<vmem_shared>>) dst(%dma_wait3A_120 : memref<624xf32, #tpu.memory_space<hbm>>)
        tpu.yield
      }) : () -> ()
    } else {
    }
    %eq3A_111 = arith.constant 15 : i32
    %eq3A_112 = arith.cmpi eq, %arg1, %eq3A_111 : i32
    %convert_element_type3A_113 = arith.extui %eq3A_112 : i1 to i32
    %cond3A_114 = arith.constant 0 : i32
    %cond3A_115 = arith.cmpi ne, %convert_element_type3A_113, %cond3A_114 : i32
    scf.if %cond3A_115 {
      "tpu.region"() ({
        %run_scoped3A = tpu.sem_alloc : memref<!tpu.dma_semaphore, #tpu.memory_space<semaphore_mem>>
        %dma_start3A_116 = tpu.memref_slice %arg6[%arg0, %mul3A_48] : memref<2x10000xf32, #tpu.memory_space<hbm>> -> memref<1x640xf32, #tpu.memory_space<hbm>>
        %dma_start3A_117 = tpu.memref_squeeze %dma_start3A_116 : memref<1x640xf32, #tpu.memory_space<hbm>> -> memref<640xf32, #tpu.memory_space<hbm>>
        %dma_start3A_118 = tpu.memref_slice %arg11[%mul3A_48] : memref<10000xf32, #tpu.memory_space<vmem_shared>> -> memref<640xf32, #tpu.memory_space<vmem_shared>>
        tpu.enqueue_dma source(%dma_start3A_118 : memref<640xf32, #tpu.memory_space<vmem_shared>>) target(%dma_start3A_117 : memref<640xf32, #tpu.memory_space<hbm>>) target_semaphore(%run_scoped3A : memref<!tpu.dma_semaphore, #tpu.memory_space<semaphore_mem>>)
        %dma_wait3A_119 = tpu.memref_slice %arg6[%arg0, %mul3A_48] : memref<2x10000xf32, #tpu.memory_space<hbm>> -> memref<1x640xf32, #tpu.memory_space<hbm>>
        %dma_wait3A_120 = tpu.memref_squeeze %dma_wait3A_119 : memref<1x640xf32, #tpu.memory_space<hbm>> -> memref<640xf32, #tpu.memory_space<hbm>>
        %dma_wait3A_121 = tpu.memref_slice %arg11[%mul3A_48] : memref<10000xf32, #tpu.memory_space<vmem_shared>> -> memref<640xf32, #tpu.memory_space<vmem_shared>>
        tpu.wait_dma2 semaphore(%run_scoped3A : memref<!tpu.dma_semaphore, #tpu.memory_space<semaphore_mem>>) src(%dma_wait3A_121 : memref<640xf32, #tpu.memory_space<vmem_shared>>) dst(%dma_wait3A_120 : memref<640xf32, #tpu.memory_space<hbm>>)
        tpu.yield
      }) : () -> ()
    } else {
    }
    return
  }
}

module attributes {stable_mosaic.version = 14 : i64} {
  func.func @_proj1_body(%arg0: memref<10000x128xf32, #tpu.memory_space<vmem>>, %arg1: memref<32x128xf32, #tpu.memory_space<vmem>>, %arg2: memref<10000x16xf32, #tpu.memory_space<vmem>>, %arg3: memref<10000x16xf32, #tpu.memory_space<vmem>>) attributes {dimension_semantics = [], scalar_prefetch = 0 : i64, scratch_operands = 0 : i64, tpu.core_type = #tpu.core_type<tc>} {
    %get3A = arith.constant 0 : index
    %get3A_0 = arith.constant 0 : index
    %get3A_1 = vector.load %arg0[%get3A, %get3A_0] : memref<10000x128xf32, #tpu.memory_space<vmem>>, vector<10000x128xf32>
    %get3A_2 = arith.constant 0 : index
    %get3A_3 = arith.constant 0 : index
    %get3A_4 = vector.load %arg1[%get3A_2, %get3A_3] : memref<32x128xf32, #tpu.memory_space<vmem>>, vector<32x128xf32>
    %dot_general3A = arith.constant dense<0.000000e+00> : vector<10000x32xf32>
    %dot_general3A_5 = tpu.matmul %get3A_1, %get3A_4, %dot_general3A {dimension_numbers = #tpu.dot_dimension_numbers<[1], [1], [0], [0], [0, 0, 1, 0], [], []>, transpose_lhs_hint = false} : vector<10000x128xf32>, vector<32x128xf32>, vector<10000x32xf32> -> vector<10000x32xf32>
    %slice3A = vector.extract_strided_slice %dot_general3A_5 {offsets = [0, 0], sizes = [10000, 16], strides = [1, 1]} : vector<10000x32xf32> to vector<10000x16xf32>
    %swap3A = arith.constant 0 : index
    %swap3A_6 = arith.constant 0 : index
    %swap3A_7 = vector.load %arg2[%swap3A, %swap3A_6] : memref<10000x16xf32, #tpu.memory_space<vmem>>, vector<10000x16xf32>
    tpu.vector_store %arg2[%swap3A, %swap3A_6], %slice3A {strides = array<i32>} : memref<10000x16xf32, #tpu.memory_space<vmem>>, vector<10000x16xf32>,
    %slice3A_8 = vector.extract_strided_slice %dot_general3A_5 {offsets = [0, 16], sizes = [10000, 16], strides = [1, 1]} : vector<10000x32xf32> to vector<10000x16xf32>
    %swap3A_9 = arith.constant 0 : index
    %swap3A_10 = arith.constant 0 : index
    %swap3A_11 = vector.load %arg3[%swap3A_9, %swap3A_10] : memref<10000x16xf32, #tpu.memory_space<vmem>>, vector<10000x16xf32>
    tpu.vector_store %arg3[%swap3A_9, %swap3A_10], %slice3A_8 {strides = array<i32>} : memref<10000x16xf32, #tpu.memory_space<vmem>>, vector<10000x16xf32>,
    return
  }
}

module attributes {stable_mosaic.version = 14 : i64} {
  func.func @_mid_body(%arg0: memref<2x1250x128xf32, #tpu.memory_space<vmem>>, %arg1: memref<2x1250x8xf32, #tpu.memory_space<vmem>>, %arg2: memref<1250x128xf32, #tpu.memory_space<vmem>>, %arg3: memref<128xf32, #tpu.memory_space<vmem>>, %arg4: memref<8x128xf32, #tpu.memory_space<vmem>>, %arg5: memref<128x8xf32, #tpu.memory_space<vmem>>, %arg6: memref<128x8xf32, #tpu.memory_space<vmem>>, %arg7: memref<1xf32, #tpu.memory_space<vmem>>, %arg8: memref<1250x8xf32, #tpu.memory_space<vmem>>, %arg9: memref<1250x8xf32, #tpu.memory_space<vmem>>, %arg10: memref<1250x8xf32, #tpu.memory_space<vmem>>) attributes {dimension_semantics = [], scalar_prefetch = 0 : i64, scratch_operands = 0 : i64, tpu.core_type = #tpu.core_type<tc>} {
    %get3A = arith.constant 0 : index
    %get3A_0 = arith.constant 0 : index
    %get3A_1 = arith.constant 0 : index
    %get3A_2 = vector.load %arg1[%get3A, %get3A_0, %get3A_1] : memref<2x1250x8xf32, #tpu.memory_space<vmem>>, vector<1x1250x8xf32>
    %get3A_3 = vector.shape_cast %get3A_2 : vector<1x1250x8xf32> to vector<1250x8xf32>
    %get3A_4 = arith.constant 1 : index
    %get3A_5 = arith.constant 0 : index
    %get3A_6 = arith.constant 0 : index
    %get3A_7 = vector.load %arg1[%get3A_4, %get3A_5, %get3A_6] : memref<2x1250x8xf32, #tpu.memory_space<vmem>>, vector<1x1250x8xf32>
    %get3A_8 = vector.shape_cast %get3A_7 : vector<1x1250x8xf32> to vector<1250x8xf32>
    %add3A = arith.addf %get3A_3, %get3A_8 : vector<1250x8xf32>
    %max3A = arith.constant 1.000000e+00 : f32
    %max3A_9 = vector.broadcast %max3A : f32 to vector<1250x8xf32>
    %max3A_10 = arith.maximumf %add3A, %max3A_9 : vector<1250x8xf32>
    %div3A = arith.constant 1.000000e+00 : f32
    %div3A_11 = vector.broadcast %div3A : f32 to vector<1250x8xf32>
    %div3A_12 = arith.divf %div3A_11, %max3A_10 : vector<1250x8xf32>
    %get3A_13 = arith.constant 0 : index
    %get3A_14 = arith.constant 0 : index
    %get3A_15 = vector.load %arg4[%get3A_13, %get3A_14] : memref<8x128xf32, #tpu.memory_space<vmem>>, vector<8x128xf32>
    %dot_general3A = arith.constant dense<0.000000e+00> : vector<1250x128xf32>
    %dot_general3A_16 = tpu.matmul %div3A_12, %get3A_15, %dot_general3A {dimension_numbers = #tpu.dot_dimension_numbers<[1], [0], [0], [1], [0, 0, 1, 1], [], []>, transpose_lhs_hint = false} : vector<1250x8xf32>, vector<8x128xf32>, vector<1250x128xf32> -> vector<1250x128xf32>
    %get3A_17 = arith.constant 0 : index
    %get3A_18 = arith.constant 0 : index
    %get3A_19 = arith.constant 0 : index
    %get3A_20 = vector.load %arg0[%get3A_17, %get3A_18, %get3A_19] : memref<2x1250x128xf32, #tpu.memory_space<vmem>>, vector<1x1250x128xf32>
    %get3A_21 = vector.shape_cast %get3A_20 : vector<1x1250x128xf32> to vector<1250x128xf32>
    %get3A_22 = arith.constant 1 : index
    %get3A_23 = arith.constant 0 : index
    %get3A_24 = arith.constant 0 : index
    %get3A_25 = vector.load %arg0[%get3A_22, %get3A_23, %get3A_24] : memref<2x1250x128xf32, #tpu.memory_space<vmem>>, vector<1x1250x128xf32>
    %get3A_26 = vector.shape_cast %get3A_25 : vector<1x1250x128xf32> to vector<1250x128xf32>
    %add3A_27 = arith.addf %get3A_21, %get3A_26 : vector<1250x128xf32>
    %mul3A = arith.mulf %add3A_27, %dot_general3A_16 : vector<1250x128xf32>
    %get3A_28 = arith.constant 0 : index
    %get3A_29 = vector.load %arg3[%get3A_28] : memref<128xf32, #tpu.memory_space<vmem>>, vector<128xf32>
    %broadcast_in_dim3A = vector.shape_cast %get3A_29 : vector<128xf32> to vector<1x128xf32>
    %add3A_30 = vector.broadcast %broadcast_in_dim3A : vector<1x128xf32> to vector<1250x128xf32>
    %add3A_31 = arith.addf %mul3A, %add3A_30 : vector<1250x128xf32>
    %get3A_32 = arith.constant 0 : index
    %get3A_33 = arith.constant 0 : index
    %get3A_34 = vector.load %arg2[%get3A_32, %get3A_33] : memref<1250x128xf32, #tpu.memory_space<vmem>>, vector<1250x128xf32>
    %add3A_35 = arith.addf %add3A_31, %get3A_34 : vector<1250x128xf32>
    %max3A_36 = arith.constant 0.000000e+00 : f32
    %max3A_37 = vector.broadcast %max3A_36 : f32 to vector<1250x128xf32>
    %max3A_38 = arith.maximumf %add3A_35, %max3A_37 : vector<1250x128xf32>
    %get3A_39 = arith.constant 0 : index
    %get3A_40 = arith.constant 0 : index
    %get3A_41 = vector.load %arg5[%get3A_39, %get3A_40] : memref<128x8xf32, #tpu.memory_space<vmem>>, vector<128x8xf32>
    %dot_general3A_42 = arith.constant dense<0.000000e+00> : vector<1250x8xf32>
    %dot_general3A_43 = tpu.matmul %max3A_38, %get3A_41, %dot_general3A_42 {dimension_numbers = #tpu.dot_dimension_numbers<[1], [0], [0], [1], [0, 0, 1, 1], [], []>, transpose_lhs_hint = false} : vector<1250x128xf32>, vector<128x8xf32>, vector<1250x8xf32> -> vector<1250x8xf32>
    %swap3A = arith.constant 0 : index
    %swap3A_44 = arith.constant 0 : index
    %swap3A_45 = vector.load %arg8[%swap3A, %swap3A_44] : memref<1250x8xf32, #tpu.memory_space<vmem>>, vector<1250x8xf32>
    tpu.vector_store %arg8[%swap3A, %swap3A_44], %dot_general3A_43 {strides = array<i32>} : memref<1250x8xf32, #tpu.memory_space<vmem>>, vector<1250x8xf32>,
    %get3A_46 = arith.constant 0 : index
    %get3A_47 = arith.constant 0 : index
    %get3A_48 = vector.load %arg6[%get3A_46, %get3A_47] : memref<128x8xf32, #tpu.memory_space<vmem>>, vector<128x8xf32>
    %dot_general3A_49 = arith.constant dense<0.000000e+00> : vector<1250x8xf32>
    %dot_general3A_50 = tpu.matmul %max3A_38, %get3A_48, %dot_general3A_49 {dimension_numbers = #tpu.dot_dimension_numbers<[1], [0], [0], [1], [0, 0, 1, 1], [], []>, transpose_lhs_hint = false} : vector<1250x128xf32>, vector<128x8xf32>, vector<1250x8xf32> -> vector<1250x8xf32>
    %get3A_51 = arith.constant 0 : index
    %get3A_52 = vector.load %arg7[%get3A_51] : memref<1xf32, #tpu.memory_space<vmem>>, vector<1xf32>
    %get3A_53 = vector.extract %get3A_52[0] : f32 from vector<1xf32>
    %add3A_54 = vector.broadcast %get3A_53 : f32 to vector<1250x8xf32>
    %add3A_55 = arith.addf %dot_general3A_50, %add3A_54 : vector<1250x8xf32>
    %swap3A_56 = arith.constant 0 : index
    %swap3A_57 = arith.constant 0 : index
    %swap3A_58 = vector.load %arg9[%swap3A_56, %swap3A_57] : memref<1250x8xf32, #tpu.memory_space<vmem>>, vector<1250x8xf32>
    tpu.vector_store %arg9[%swap3A_56, %swap3A_57], %add3A_55 {strides = array<i32>} : memref<1250x8xf32, #tpu.memory_space<vmem>>, vector<1250x8xf32>,
    %swap3A_59 = arith.constant 0 : index
    %swap3A_60 = arith.constant 0 : index
    %swap3A_61 = vector.load %arg10[%swap3A_59, %swap3A_60] : memref<1250x8xf32, #tpu.memory_space<vmem>>, vector<1250x8xf32>
    tpu.vector_store %arg10[%swap3A_59, %swap3A_60], %div3A_12 {strides = array<i32>} : memref<1250x8xf32, #tpu.memory_space<vmem>>, vector<1250x8xf32>,
    return
  }
}

module attributes {stable_mosaic.version = 14 : i64} {
  func.func @_final_body(%arg0: memref<2x1250x8xf32, #tpu.memory_space<vmem>>, %arg1: memref<1250x8xf32, #tpu.memory_space<vmem>>, %arg2: memref<1250x8xf32, #tpu.memory_space<vmem>>, %arg3: memref<1250x8xf32, #tpu.memory_space<vmem>>) attributes {dimension_semantics = [], scalar_prefetch = 0 : i64, scratch_operands = 0 : i64, tpu.core_type = #tpu.core_type<tc>} {
    %get3A = arith.constant 0 : index
    %get3A_0 = arith.constant 0 : index
    %get3A_1 = arith.constant 0 : index
    %get3A_2 = vector.load %arg0[%get3A, %get3A_0, %get3A_1] : memref<2x1250x8xf32, #tpu.memory_space<vmem>>, vector<1x1250x8xf32>
    %get3A_3 = vector.shape_cast %get3A_2 : vector<1x1250x8xf32> to vector<1250x8xf32>
    %get3A_4 = arith.constant 1 : index
    %get3A_5 = arith.constant 0 : index
    %get3A_6 = arith.constant 0 : index
    %get3A_7 = vector.load %arg0[%get3A_4, %get3A_5, %get3A_6] : memref<2x1250x8xf32, #tpu.memory_space<vmem>>, vector<1x1250x8xf32>
    %get3A_8 = vector.shape_cast %get3A_7 : vector<1x1250x8xf32> to vector<1250x8xf32>
    %add3A = arith.addf %get3A_3, %get3A_8 : vector<1250x8xf32>
    %get3A_9 = arith.constant 0 : index
    %get3A_10 = arith.constant 0 : index
    %get3A_11 = vector.load %arg1[%get3A_9, %get3A_10] : memref<1250x8xf32, #tpu.memory_space<vmem>>, vector<1250x8xf32>
    %mul3A = arith.mulf %add3A, %get3A_11 : vector<1250x8xf32>
    %get3A_12 = arith.constant 0 : index
    %get3A_13 = arith.constant 0 : index
    %get3A_14 = vector.load %arg2[%get3A_12, %get3A_13] : memref<1250x8xf32, #tpu.memory_space<vmem>>, vector<1250x8xf32>
    %add3A_15 = arith.addf %mul3A, %get3A_14 : vector<1250x8xf32>
    %swap3A = arith.constant 0 : index
    %swap3A_16 = arith.constant 0 : index
    %swap3A_17 = vector.load %arg3[%swap3A, %swap3A_16] : memref<1250x8xf32, #tpu.memory_space<vmem>>, vector<1250x8xf32>
    tpu.vector_store %arg3[%swap3A, %swap3A_16], %add3A_15 {strides = array<i32>} : memref<1250x8xf32, #tpu.memory_space<vmem>>, vector<1250x8xf32>,
    return
  }
}

</mosaic_0001>

<sc_bundles>
// kernel: kernel.10.cloned.1.call-start
scs
__scs_entry_jumppad:
0x0: {  	(pc) =	sbr.rel $0x88, $3  }
0x1: {  	(tag) =	ssettag $0x0;
	lr =	simm.s32 $0x1  }
0x2: {  	[smem:$0x3F99] =	sst lr;
	_ =	strace $0xD0000000  }
0x3: {  	_ = 	snop  }
0x4: {  	_ = 	snop  }
0x5: {  	_ = 	snop  }
0x6: {  	_ = 	snop  }
0x7: {  	_ = 	snop  }
__scs_overlays_trampoline_lowered:
0x8: {  	[smem:$0x3FA8] =	sst s0  }
0x9: {  	[smem:$0x3FA9] =	sst s1  }
0xa: {  	[smem:$0x3FAA] =	sst s2  }
0xb: {  	[smem:$0x3FAB] =	sst s3  }
0xc: {  	[smem:$0x3FAC] =	sst s4  }
0xd: {  	[smem:$0x3FAD] =	sst s5  }
0xe: {  	[smem:$0x3FAE] =	sst s6  }
0xf: {  	[smem:$0x3FAF] =	sst s7  }
0x10: {  	[smem:$0x3FB0] =	sst s8  }
0x11: {  	[smem:$0x3FB1] =	sst s9;
	s0 =	simm.s32 @!p0 $0x0  }
0x12: {  	s1 =	sld [smem:$0x3F97];
	s0 =	simm.s32 @p0 $0x1  }
0x13: {  	[smem:$0x3FB2] =	sst s0;
	s0 =	simm.s32 @!p1 $0x0  }
0x14: {  	s2 =	sld [smem:$0x3F96];
	s0 =	simm.s32 @p1 $0x1  }
0x15: {  	[smem:$0x3FB3] =	sst s0;
	s0 =	simm.s32 @!p2 $0x0  }
0x16: {  	s3 =	sld [smem:$0x3FDB];
	s0 =	simm.s32 @p2 $0x1  }
0x17: {  	s4 =	simm.s32 $0x1BF5;
	[smem:$0x3FB5] =	sst s0  }
0x18: {  	s0 =	sld [smem:$0x3F98];
	_ =	swait.ge [sflag:s4], $0x0  }
0x19: {  	s7 =	sld [smem:$0x3F99]  }
0x1a: {  	s8 =	sadd.s32 $0xFFFFE003, lr  }
0x1b: {  	s9 =	sadd.s32 $0xFFFFFEF7, lr;
	s5 =	simm.s32 $0xFFFFFFFF;
	p2 =	slt.u32 s8, $0xFFFFF086  }
0x1c: {  	p1 =	slt.u32 s9, $0xF7A;
	s5 =	simm.s32 @!p2 $0x0  }
0x1d: {  	s5 =	simm.s32 @p1 $0x1;
	p0 =	seq.s32 s7, s2  }
0x1e: {  	s7 =	smul.u32 @!p0 $0xF7A, s2;
	p2 =	seq.s32 @!p0 s5, $0x0  }
0x1f: {  	s9 =	smul.u32 $0xF7A, s1;
	s8 =	simm.s32 @!p0 $0x1BF5;
	p2 =	por !p2, p0  }
0x20: {  	[sflag:s8] =	ssyncset.s32 @!p0 $0xFFFFF086;
	s6 =	sadd.s32 @!p0 s3, s7;
	s7 =	simm.s32 @!p0 $0x108  }
0x21: {  	s3 =	sadd.s32 s3, s9;
	s6 =	sadd.s32 @!p0 $0x88, s6;
	s7 =	simm.s32 @p2 $0x1082  }
0x22: {  	[simem:s7], [sflag:s8] =	dma.local @!p0 [hbm:s6], $0xF7A  }
0x23: {  	s9 =	sor.u32 $0xD0000000, s2;
	s6 =	simm.s32 $0x108;
	_ =	swait.ge @!p0 [sflag:s8], $0x0  }
0x24: {  	s3 =	sadd.s32 $0x88, s3;
	s6 =	simm.s32 @!p1 $0x1082;
	[sflag:s4] =	ssyncset.s32 $0xFFFFF086  }
0x25: {  	[simem:s6], [sflag:s4] =	dma.local [hbm:s3], $0xF7A  }
0x26: {  	[smem:$0x3F99] =	sst s1;
	(tag) =	ssettag s2;
	_ =	strace s9  }
0x27: {  	s1 =	sld [smem:$0x3FA9]  }
0x28: {  	s2 =	sld [smem:$0x3FAA]  }
0x29: {  	s4 =	sld [smem:$0x3FAC]  }
0x2a: {  	p0 =	seq.s32 s5, $0x0;
	s5 =	sld [smem:$0x3FAD]  }
0x2b: {  	s6 =	sld [smem:$0x3FAE]  }
0x2c: {  	s7 =	sld [smem:$0x3FAF]  }
0x2d: {  	s3 =	simm.s32 $0x108;
	s8 =	sld [smem:$0x3FB0]  }
0x2e: {  	s3 =	simm.s32 @!p0 $0x1082;
	s9 =	sld [smem:$0x3FB1]  }
0x2f: {  	lr =	sadd.s32 s0, s3;
	s0 =	sld [smem:$0x3FA8]  }
0x30: {  	s3 =	sld [smem:$0x3FAB]  }
0x31: {  	[smem:$0x3FB4] =	sst s10  }
0x32: {  	s10 =	sld [smem:$0x3FB2];
	_ =	sdelay $0x3  }
0x33: {  	p0 =	seq.s32 s10, $0x1;
	s10 =	sld [smem:$0x3FB4];
	_ =	sdelay $0x3  }
0x34: {  	[smem:$0x3FB4] =	sst s10  }
0x35: {  	s10 =	sld [smem:$0x3FB3];
	_ =	sdelay $0x3  }
0x36: {  	p1 =	seq.s32 s10, $0x1;
	s10 =	sld [smem:$0x3FB4];
	_ =	sdelay $0x3  }
0x37: {  	[smem:$0x3FB4] =	sst s10  }
0x38: {  	s10 =	sld [smem:$0x3FB5]  }
0x39: {  	_ = 	snop;
	(pc) =	sbr.ind lr, $3  }
0x3a: {  	_ = 	snop  }
0x3b: {  	_ = 	snop  }
0x3c: {  	p2 =	seq.s32 s10, $0x1;
	s10 =	sld [smem:$0x3FB4]  }
0x3d: {  	_ =	shalt  }
0x3e: {  	_ =	shalt  }
0x3f: {  	_ =	shalt  }
0x40: {  	_ =	shalt  }
0x41: {  	_ =	shalt  }
0x42: {  	_ =	shalt  }
0x43: {  	_ =	shalt  }
0x44: {  	_ =	shalt  }
0x45: {  	_ =	shalt  }
0x46: {  	_ =	shalt  }
0x47: {  	_ =	shalt  }
0x48: {  	_ =	shalt  }
0x49: {  	_ =	shalt  }
0x4a: {  	_ =	shalt  }
0x4b: {  	_ =	shalt  }
0x4c: {  	_ =	shalt  }
0x4d: {  	_ =	shalt  }
0x4e: {  	_ =	shalt  }
0x4f: {  	_ =	shalt  }
0x50: {  	_ =	shalt  }
0x51: {  	_ =	shalt  }
0x52: {  	_ =	shalt  }
0x53: {  	_ =	shalt  }
0x54: {  	_ =	shalt  }
0x55: {  	_ =	shalt  }
0x56: {  	_ =	shalt  }
0x57: {  	_ =	shalt  }
0x58: {  	_ =	shalt  }
0x59: {  	_ =	shalt  }
0x5a: {  	_ =	shalt  }
0x5b: {  	_ =	shalt  }
0x5c: {  	_ =	shalt  }
0x5d: {  	_ =	shalt  }
0x5e: {  	_ =	shalt  }
0x5f: {  	_ =	shalt  }
0x60: {  	_ =	shalt  }
0x61: {  	_ =	shalt  }
0x62: {  	_ =	shalt  }
0x63: {  	_ =	shalt  }
0x64: {  	_ =	shalt  }
0x65: {  	_ =	shalt  }
0x66: {  	_ =	shalt  }
0x67: {  	_ =	shalt  }
0x68: {  	_ =	shalt  }
0x69: {  	_ =	shalt  }
0x6a: {  	_ =	shalt  }
0x6b: {  	_ =	shalt  }
0x6c: {  	_ =	shalt  }
0x6d: {  	_ =	shalt  }
0x6e: {  	_ =	shalt  }
0x6f: {  	_ =	shalt  }
0x70: {  	_ =	shalt  }
0x71: {  	_ =	shalt  }
0x72: {  	_ =	shalt  }
0x73: {  	_ =	shalt  }
0x74: {  	_ =	shalt  }
0x75: {  	_ =	shalt  }
0x76: {  	_ =	shalt  }
0x77: {  	_ =	shalt  }
0x78: {  	_ =	shalt  }
0x79: {  	_ =	shalt  }
0x7a: {  	_ =	shalt  }
0x7b: {  	_ =	shalt  }
0x7c: {  	_ =	shalt  }
0x7d: {  	_ =	shalt  }
0x7e: {  	_ =	shalt  }
0x7f: {  	_ =	shalt  }
0x80: {  	_ =	shalt  }
0x81: {  	_ =	shalt  }
0x82: {  	_ =	shalt  }
0x83: {  	_ =	shalt  }
0x84: {  	_ =	shalt  }
0x85: {  	_ =	shalt  }
0x86: {  	_ =	shalt  }
0x87: {  	_ =	shalt  }
.Lfunc_end0:
.L_simem_size_0:
called_computation.1_lowered:
.L_overlay_start_0:
0x88: {  	s2 =	sld [smem:$0x3FD9]  }
0x89: {  	s3 =	sld [smem:$0x3FFE];
	_ =	sdelay $0x1  }
0x8a: {  	s1 =	srdreg.scid  }
0x8b: {  	s0 =	sand.u32 $0x1, s1  }
0x8c: {  	s16 =	sshll.u32 s0, $0xA;
	s2 =	sadd.s32 s3, s2  }
0x8d: {  	s2 =	sadd.s32 s2, s16  }
0x8e: {  	[smem:$0x3FC0] =	sst s2  }
0x8f: {  	_ = 	snop  }
0x90: {  	(tm) =	ssettm $0x1  }
0x91: {  	s17 =	sld [smem:$0x3FFB];
	_ =	sdelay $0x3  }
0x92: {  	_ =	strace s17  }
0x93: {  	s2 =	sld [smem:$0x3FFC];
	_ =	sdelay $0x3  }
0x94: {  	_ =	strace s2  }
0x95: {  	s2 =	sld [smem:$0x3FFD];
	_ =	sdelay $0x3  }
0x96: {  	_ =	strace s2  }
0x97: {  	_ =	strace $0x8FFFFFFF  }
0x98: {  	s18 =	sld [smem:$0x3FDB];
	_ =	sdelay $0x1  }
0x99: {  	s19 =	simm.s32 $_scs_section_size  }
0x9a: {  	s4 =	simm.s32 $_size__tile_overlayer_lowered;
	s5 =	simm.s32 $_tile_overlayer_lowered  }
0x9b: {  	s22 =	simm.s32 $0x1BFF;
	s21 =	sshll.u32 s5, $0x1;
	s2 =	sadd.s32 s19, s18  }
0x9c: {  	s6 =	simm.s32 $0x0;
	s20 =	sshll.u32 s4, $0x1;
	s4 =	sadd.s32 s21, s2  }
0x9d: {  	[timem:s6], [sflag:s22] =	dma.local [hbm:s4], s20  }
0x9e: {  	_ =	swait.ge [sflag:s22], s20  }
0x9f: {  	s3 =	ssub.s32 $0x0, s20;
	[sflag:s22] =	ssyncset.done $0x0  }
0xa0: {  	[sflag:s22] =	ssyncadd.s32 s3;
	_ =	sdelay $0x1  }
0xa1: {  	s23 =	simm.s32 $0x1B8B  }
0xa2: {  	_ =	swait.ge [sflag:s23], $0x1  }
0xa3: {  	[sflag:s23] =	ssyncset.done $0x0  }
0xa4: {  	s25 =	simm.s32 $0x1B8E;
	s24 =	sld [smem:$0x3FFE];
	[sflag:s23] =	ssyncadd.s32 $0xFFFFFFFF  }
0xa5: {  	s26 =	simm.s32 $execute0_lowered;
	[smem:$0x3FD2] =	sst s25  }
0xa6: {  	s4 =	sshll.u32 s26, $0x1;
	_ =	strace $0x80000049;
	[dreg:$0x1] =	wrdreg $0xFFFFFFFF  }
0xa7: {  	s28 =	simm.s32 $_size_execute0_lowered;
	s2 =	sadd.s32 s2, s4;
	[dreg:$0x0] =	wrdreg $0x0  }
0xa8: {  	s4 =	sshll.u32 s28, $0x1;
	[dreg:$0x2] =	wrdreg s2  }
0xa9: {  	[dreg:$0x3] =	wrdreg s4  }
0xaa: {  	[dreg:$0x4] =	wrdreg $0xC0  }
0xab: {  	_ =	task [dreg:s6], $0x5FFFF  }
0xac: {  	[dreg:$0x1] =	wrdreg $0xFFFFFFFF  }
0xad: {  	[dreg:$0x0] =	wrdreg $0x60  }
0xae: {  	[dreg:$0x2] =	wrdreg s24  }
0xaf: {  	[dreg:$0x3] =	wrdreg $0x52000  }
0xb0: {  	[dreg:$0x4] =	wrdreg $0x54780  }
0xb1: {  	[dreg:$0x5] =	wrdreg $0x9  }
0xb2: {  	_ =	task.clear_ibuf [dreg:s6], $0x6FFFF;
	_ =	strace $0x90000049  }
0xb3: {  	s29 =	simm.s32 $0x9;
	_ =	strace $0x8000004B  }
0xb4: {  	_ =	swait.ge [sflag:s29], $0x1  }
0xb5: {  	[sflag:s29] =	ssyncadd.s32 $0xFFFFFFFF  }
0xb6: {  	_ =	strace $0x9000004B  }
0xb7: {  	_ =	sfence  }
0xb8: {  	s30 =	sld [smem:$0x0];
	_ =	sdelay $0x2  }
0xb9: {  	s31 =	sshll.u32 s1, $0xD;
	s1 =	sshrl.u32 s1, $0x2  }
0xba: {  	s3 =	sand.u32 $0x4000, s31;
	s1 =	sadd.s32 s1, s30  }
0xbb: {  	s0 =	sor.u32 s3, s0;
	s1 =	sshll.u32 s1, $0x11  }
0xbc: {  	s0 =	sor.u32 s1, s0  }
0xbd: {  	s0 =	sadd.s32 $0x8F2B, s0  }
0xbe: {  	[sflag:s0] =	ssyncadd.remote.s32 $0x1  }
0xbf: {  	_ =	sfence.sel $0xFFFF  }
0xc0: {  	[dreg:$0x0] =	wrdreg $0xFFFFFFFF;
	(pc) =	sbr.abs _section_cstart, $3  }
0xc1: {  	[dreg:$0x1] =	wrdreg $0xFFFFFFFF  }
0xc2: {  	_ =	task.clear_ibuf [dreg:s6], $0x2FFFF;
	_ =	strace $0x9FFFFFFF  }
0xc3: {  	(tm) =	ssettm $0x7FFFFFFF  }
tec
execute0_lowered:
.L_overlay_start_1:
0x0: {  	(tag) =	ssettag $0x1  }
0x1: {  	s0 =	rddreg [dreg:$0x0]  }
0x2: {  	s1 =	rddreg [dreg:$0x1]  }
0x3: {  	s3 =	rddreg [dreg:$0x2];
	s4 =	simm.s32 $0x0;
	s20 =	stileid.u32  }
0x4: {  	s5 =	srdreg.scid;
	s28 =	simm.s32 $0x5000;
	s29 =	simm.s32 $0x5080  }
0x5: {  	s30 =	simm.s32 $0x5100;
	s31 =	simm.s32 $0x5180;
	[smem:$0x7FF] =	sst s4  }
0x6: {  	s2 =	smul.u32 $0x270, s20;
	s7 =	sadd.s32 $0x10400, s0;
	s5 =	sand.u32 $0x1, s5  }
0x7: {  	s8 =	sadd.s32 $0x6600, s0;
	s15 =	sadd.s32 $0x1C00, s0;
	s19 =	sadd.s32 $0x2490, s1  }
0x8: {  	s13 =	sadd.s32 $0x2490, s3;
	_ =	strace $0x8000004A;
	s9 =	sshll.u32 s5, $0x4  }
0x9: {  	s22 =	ssub.s32 $0x2, s5;
	s5 =	smul.u32 $0x2710, s5;
	s6 =	sshrl.u32 s2, $0x3  }
0xa: {  	s16 =	sor.u32 s20, s9;
	s12 =	sshrl.u32 s22, $0x1;
	s18 =	sadd.s32 s2, s1  }
0xb: {  	s11 =	sadd.s32 s6, s0;
	s9 =	smul.u32 $0x4E0, s16;
	s10 =	sshll.u32 s16, $0x4  }
0xc: {  	p0 =	slt.u32 s16, $0x4;
	s17 =	ssub.s32 s22, s12;
	s12 =	sadd.s32 $0x1A92, s0  }
0xd: {  	s14 =	sshrl.u32 s5, $0x3;
	p1 =	sgt.u32 s16, $0x3;
	s10 =	sor.u32 $0x9C00, s10  }
0xe: {  	s24 =	sadd.s32 s15, s14;
	s14 =	sadd.s32 $0x1F692, s0;
	s17 =	smax.u32 s17, $0x1  }
0xf: {  	s0 =	simm.s32 $0x2;
	s23 =	sadd.s32 s7, s9;
	s10 =	simm.s32 @!p0 $0x0  }
0x10: {  	s6 =	sadd.s32 s8, s9;
	s9 =	sadd.s32 $0x1600, s11;
	s11 =	sadd.s32 $0x1F200, s11  }
0x11: {  	s25 =	sadd.s32 $0x492, s24;
	p0 =	seq.s32 s20, $0xF;
	s24 =	simm.s32 $0x80  }
0x12: {  	[dreg:$0x4] =	wrdreg s23;
	s7 =	sadd.s32 s7, s10;
	s8 =	sadd.s32 s8, s10  }
.Ltmp0:
0x13: {  	s10 =	sadd.s32 s2, s3;
	s2 =	sadd.s32 s2, s5;
	(pc) =	sbr.rel .LBB2_1-.Ltmp0, $4  }
0x14: {  	[dreg:$0x5] =	wrdreg s25;
	s21 =	sshrl.u32 @p0 s19, $0x3;
	s22 =	sshrl.u32 @!p0 s18, $0x3  }
0x15: {  	s23 =	simm.s32 $0x1;
	s25 =	simm.s32 $0x4F00;
	s2 =	sshrl.u32 s2, $0x3  }
0x16: {  	s18 =	simm.s32 $0x4;
	s19 =	simm.s32 $0x0;
	s26 =	sadd.s32 s15, s2  }
0x17: {  	s15 =	simm.s32 $0x3;
	[dreg:$0x6] =	wrdreg s26;
	s26 =	simm.s32 $0x4F80  }
.LBB2_7:
0x18: {  	s2 =	sshrl.u32 s13, $0x3;
	s5 =	rddreg [dreg:$0x5];
	s16 =	simm.s32 $0x1FC4  }
0x19: {  	[hbm:s5], [sflag:s16] =	dma.local [spmem:s2], $0x50  }
0x1a: {  	_ =	swait.ge [sflag:s18], $0x50  }
0x1b: {  	[sflag:s18] =	ssyncset.done $0x0  }
0x1c: {  	[sflag:s18] =	ssyncadd.s32 $0xFFFFFFB0  }
.LBB2_8:
0x1d: {  	s19 =	sadd.s32 $0x1, s19  }
0x1e: {  	p2 =	sne.s32 s19, s17  }
.Ltmp1:
0x1f: {  	_ = 	snop;
	(pc) =	sbr.rel @!p2 .LBB2_9-.Ltmp1, $1  }
0x20: {  	_ =	sdelay $0x3  }
.LBB2_1:
0x21: {  	s2 =	rddreg [dreg:$0x4]  }
0x22: {  	[tilespmem:s4], [sflag:$0x1] =	stream.linear.gather [hbm4b:s2+s4], $0x2700, $0x38;
	[tilespmem:$0x56F0] =	vst v63  }
0x23: {  	s5 =	simm.s32 $0x2780  }
0x24: {  	[tilespmem:s5], [sflag:$0x1] =	stream.linear.gather [hbm4b:s6+s4], $0x2700, $0x38;
	[tilespmem:$0x56F0] =	vst v63  }
0x25: {  	s16 =	simm.s32 $0x2700  }
0x26: {  	[tilespmem:s16], [sflag:$0x1] =	stream.linear.gather [hbm4b:s7+s4], $0x80, $0x38;
	[tilespmem:$0x56F0] =	vst v63  }
0x27: {  	s20 =	simm.s32 $0x4E80;
	s2 =	simm.s32 @p0 $0x1FC4;
	s5 =	simm.s32 @p0 $0x4  }
0x28: {  	[tilespmem:s20], [sflag:$0x1] =	stream.linear.gather [hbm4b:s8+s4], $0x80, $0x38;
	[tilespmem:$0x56F0] =	vst v63  }
0x29: {  	[spmem:s21], [sflag:s2] =	dma.local @p0 [hbm:s12], $0x50  }
0x2a: {  	_ =	swait.ge @p0 [sflag:s5], $0x50  }
0x2b: {  	[sflag:s5] =	ssyncset.done @p0 $0x0  }
0x2c: {  	s16 =	sshrl.u32 @p0 s13, $0x3;
	[sflag:s5] =	ssyncadd.s32 @p0 $0xFFFFFFB0  }
0x2d: {  	[spmem:s16], [sflag:s2] =	dma.local @p0 [hbm:s14], $0x50  }
0x2e: {  	s2 =	stileid.u32;
	_ =	swait.ge @p0 [sflag:s5], $0x50  }
0x2f: {  	s2 =	sshll.u32 @!p0 s2, $0x6;
	[sflag:s5] =	ssyncset.done @p0 $0x0  }
0x30: {  	s2 =	sor.u32 @!p0 $0x1C04, s2;
	[sflag:s5] =	ssyncadd.s32 @p0 $0xFFFFFFB0;
	s5 =	simm.s32 @!p0 $0x4  }
0x31: {  	[spmem:s22], [sflag:s2] =	dma.local @!p0 [hbm:s9], $0x4E  }
0x32: {  	_ =	swait.ge @!p0 [sflag:s5], $0x4E  }
0x33: {  	[sflag:s5] =	ssyncset.done @!p0 $0x0  }
0x34: {  	s16 =	sshrl.u32 @!p0 s10, $0x3;
	[sflag:s5] =	ssyncadd.s32 @!p0 $0xFFFFFFB2  }
0x35: {  	[spmem:s16], [sflag:s2] =	dma.local @!p0 [hbm:s11], $0x4E  }
0x36: {  	_ =	swait.ge @!p0 [sflag:s5], $0x4E  }
0x37: {  	[sflag:s5] =	ssyncset.done @!p0 $0x0  }
0x38: {  	[sflag:s5] =	ssyncadd.s32 @!p0 $0xFFFFFFB2  }
0x39: {  	_ =	swait.ge [sflag:s23], $0x2700  }
0x3a: {  	[sflag:s23] =	ssyncset.done $0x0  }
0x3b: {  	[sflag:s23] =	ssyncadd.s32 $0xFFFFD900  }
0x3c: {  	_ =	swait.ge [sflag:s23], $0x2700  }
0x3d: {  	[sflag:s23] =	ssyncset.done $0x0  }
0x3e: {  	[sflag:s23] =	ssyncadd.s32 $0xFFFFD900  }
0x3f: {  	_ =	swait.ge [sflag:s23], $0x80  }
0x40: {  	[sflag:s23] =	ssyncset.done $0x0  }
0x41: {  	[sflag:s23] =	ssyncadd.s32 $0xFFFFFF80  }
0x42: {  	_ =	swait.ge [sflag:s23], $0x80  }
0x43: {  	[sflag:s23] =	ssyncset.done $0x0  }
0x44: {  	[sflag:s23] =	ssyncadd.s32 $0xFFFFFF80  }
0x45: {  	s5 =	simm.s32 $0x0;
	[bflag:$0x0] =	sbarrier.arrive $0xFFFF  }
0x46: {  	[tilespmem:s25], [sflag:$0x2] =	stream.indirect.gather [spmem:s1], $0x1, s5, s24, $0xb8;
	[tilespmem:$0x56F0] =	vst v63  }
0x47: {  	s16 =	simm.s32 $0x80  }
0x48: {  	[tilespmem:s26], [sflag:$0x2] =	stream.indirect.gather [spmem:s1], $0x1, s16, s24, $0xb8;
	[tilespmem:$0x56F0] =	vst v63  }
0x49: {  	s20 =	simm.s32 $0x100  }
0x4a: {  	[tilespmem:s28], [sflag:$0x2] =	stream.indirect.gather [spmem:s1], $0x1, s20, s24, $0xb8;
	[tilespmem:$0x56F0] =	vst v63  }
0x4b: {  	s5 =	simm.s32 $0x180  }
0x4c: {  	[tilespmem:s29], [sflag:$0x2] =	stream.indirect.gather [spmem:s1], $0x1, s5, s24, $0xb8;
	[tilespmem:$0x56F0] =	vst v63  }
0x4d: {  	s16 =	simm.s32 $0x200  }
0x4e: {  	[tilespmem:s30], [sflag:$0x2] =	stream.indirect.gather [spmem:s1], $0x1, s16, s24, $0xb8;
	[tilespmem:$0x56F0] =	vst v63  }
0x4f: {  	s20 =	simm.s32 $0x280  }
0x50: {  	[tilespmem:s31], [sflag:$0x2] =	stream.indirect.gather [spmem:s1], $0x1, s20, s24, $0xb8;
	[tilespmem:$0x56F0] =	vst v63  }
0x51: {  	_ =	swait.ge [sflag:s0], $0x80  }
0x52: {  	[sflag:s0] =	ssyncset.done $0x0  }
0x53: {  	s5 =	simm.s32 $0x2780;
	[sflag:s0] =	ssyncadd.s32 $0xFFFFFF80  }
0x54: {  	[spmem:s3] =	stream.indirect.scatter.add.f32 [tilespmem:s25], [sflag:$0x3], $0x1, s5, s24, $0xb8;
	[tilespmem:$0x56F0] =	vst v63  }
0x55: {  	_ =	swait.ge [sflag:s0], $0x80  }
0x56: {  	[sflag:s0] =	ssyncset.done $0x0  }
0x57: {  	s16 =	simm.s32 $0x2800;
	[sflag:s0] =	ssyncadd.s32 $0xFFFFFF80  }
0x58: {  	[spmem:s3] =	stream.indirect.scatter.add.f32 [tilespmem:s26], [sflag:$0x3], $0x1, s16, s24, $0xb8;
	[tilespmem:$0x56F0] =	vst v63  }
0x59: {  	_ =	swait.ge [sflag:s0], $0x80  }
0x5a: {  	[sflag:s0] =	ssyncset.done $0x0  }
0x5b: {  	s20 =	simm.s32 $0x2880;
	[sflag:s0] =	ssyncadd.s32 $0xFFFFFF80  }
0x5c: {  	[spmem:s3] =	stream.indirect.scatter.add.f32 [tilespmem:s28], [sflag:$0x3], $0x1, s20, s24, $0xb8;
	[tilespmem:$0x56F0] =	vst v63  }
0x5d: {  	_ =	swait.ge [sflag:s0], $0x80  }
0x5e: {  	[sflag:s0] =	ssyncset.done $0x0  }
0x5f: {  	s5 =	simm.s32 $0x2900;
	[sflag:s0] =	ssyncadd.s32 $0xFFFFFF80  }
0x60: {  	[spmem:s3] =	stream.indirect.scatter.add.f32 [tilespmem:s29], [sflag:$0x3], $0x1, s5, s24, $0xb8;
	[tilespmem:$0x56F0] =	vst v63  }
0x61: {  	_ =	swait.ge [sflag:s0], $0x80  }
0x62: {  	[sflag:s0] =	ssyncset.done $0x0  }
0x63: {  	s16 =	simm.s32 $0x2980;
	[sflag:s0] =	ssyncadd.s32 $0xFFFFFF80  }
0x64: {  	[spmem:s3] =	stream.indirect.scatter.add.f32 [tilespmem:s30], [sflag:$0x3], $0x1, s16, s24, $0xb8;
	[tilespmem:$0x56F0] =	vst v63  }
0x65: {  	_ =	swait.ge [sflag:s0], $0x80  }
0x66: {  	[sflag:s0] =	ssyncset.done $0x0  }
0x67: {  	s20 =	simm.s32 $0x2A00;
	[sflag:s0] =	ssyncadd.s32 $0xFFFFFF80  }
0x68: {  	[spmem:s3] =	stream.indirect.scatter.add.f32 [tilespmem:s31], [sflag:$0x3], $0x1, s20, s24, $0xb8;
	[tilespmem:$0x56F0] =	vst v63  }
0x69: {  	_ =	swait.ge [sflag:s15], $0x80  }
0x6a: {  	[sflag:s15] =	ssyncset.done $0x0  }
0x6b: {  	[sflag:s15] =	ssyncadd.s32 $0xFFFFFF80  }
0x6c: {  	_ =	swait.ge [sflag:s15], $0x80  }
0x6d: {  	[sflag:s15] =	ssyncset.done $0x0  }
0x6e: {  	[sflag:s15] =	ssyncadd.s32 $0xFFFFFF80  }
0x6f: {  	_ =	swait.ge [sflag:s15], $0x80  }
0x70: {  	[sflag:s15] =	ssyncset.done $0x0  }
0x71: {  	[sflag:s15] =	ssyncadd.s32 $0xFFFFFF80  }
0x72: {  	_ =	swait.ge [sflag:s15], $0x80  }
0x73: {  	[sflag:s15] =	ssyncset.done $0x0  }
0x74: {  	[sflag:s15] =	ssyncadd.s32 $0xFFFFFF80  }
0x75: {  	_ =	swait.ge [sflag:s15], $0x80  }
0x76: {  	[sflag:s15] =	ssyncset.done $0x0  }
0x77: {  	[sflag:s15] =	ssyncadd.s32 $0xFFFFFF80  }
0x78: {  	_ =	swait.ge [sflag:s15], $0x80  }
0x79: {  	s16 =	simm.s32 $0x1800;
	s20 =	simm.s32 $0xC00;
	[sflag:s15] =	ssyncset.done $0x0  }
.LBB2_2:
0x7a: {  	s2 =	sshra.s32 s20, $0x2  }
0x7b: {  	[sflag:s15] =	ssyncadd.s32 $0xFFFFFF80;
	s20 =	smov.u32 s16;
	s5 =	sadd.s32 $0xC00, s16  }
0x7c: {  	[tilespmem:s25], [sflag:$0x2] =	stream.indirect.gather [spmem:s1], $0x1, s2, s24, $0xb8;
	[tilespmem:$0x56F0] =	vst v63  }
0x7d: {  	p2 =	sne.s32 s16, $0x9000;
	s16 =	sadd.s32 $0x80, s2  }
0x7e: {  	[tilespmem:s26], [sflag:$0x2] =	stream.indirect.gather [spmem:s1], $0x1, s16, s24, $0xb8;
	[tilespmem:$0x56F0] =	vst v63  }
0x7f: {  	s16 =	sadd.s32 $0x100, s2  }
0x80: {  	[tilespmem:s28], [sflag:$0x2] =	stream.indirect.gather [spmem:s1], $0x1, s16, s24, $0xb8;
	[tilespmem:$0x56F0] =	vst v63  }
0x81: {  	s16 =	sadd.s32 $0x180, s2  }
0x82: {  	[tilespmem:s29], [sflag:$0x2] =	stream.indirect.gather [spmem:s1], $0x1, s16, s24, $0xb8;
	[tilespmem:$0x56F0] =	vst v63  }
0x83: {  	s16 =	sadd.s32 $0x200, s2  }
0x84: {  	[tilespmem:s30], [sflag:$0x2] =	stream.indirect.gather [spmem:s1], $0x1, s16, s24, $0xb8;
	[tilespmem:$0x56F0] =	vst v63  }
0x85: {  	s16 =	sadd.s32 $0x280, s2  }
0x86: {  	[tilespmem:s31], [sflag:$0x2] =	stream.indirect.gather [spmem:s1], $0x1, s16, s24, $0xb8;
	[tilespmem:$0x56F0] =	vst v63  }
0x87: {  	_ =	swait.ge [sflag:s0], $0x80  }
0x88: {  	[sflag:s0] =	ssyncset.done $0x0  }
0x89: {  	s16 =	sadd.s32 $0x2780, s2;
	[sflag:s0] =	ssyncadd.s32 $0xFFFFFF80  }
0x8a: {  	[spmem:s3] =	stream.indirect.scatter.add.f32 [tilespmem:s25], [sflag:$0x3], $0x1, s16, s24, $0xb8;
	[tilespmem:$0x56F0] =	vst v63  }
0x8b: {  	_ =	swait.ge [sflag:s0], $0x80  }
0x8c: {  	[sflag:s0] =	ssyncset.done $0x0  }
0x8d: {  	s16 =	sadd.s32 $0x2800, s2;
	[sflag:s0] =	ssyncadd.s32 $0xFFFFFF80  }
0x8e: {  	[spmem:s3] =	stream.indirect.scatter.add.f32 [tilespmem:s26], [sflag:$0x3], $0x1, s16, s24, $0xb8;
	[tilespmem:$0x56F0] =	vst v63  }
0x8f: {  	_ =	swait.ge [sflag:s0], $0x80  }
0x90: {  	[sflag:s0] =	ssyncset.done $0x0  }
0x91: {  	s16 =	sadd.s32 $0x2880, s2;
	[sflag:s0] =	ssyncadd.s32 $0xFFFFFF80  }
0x92: {  	[spmem:s3] =	stream.indirect.scatter.add.f32 [tilespmem:s28], [sflag:$0x3], $0x1, s16, s24, $0xb8;
	[tilespmem:$0x56F0] =	vst v63  }
0x93: {  	_ =	swait.ge [sflag:s0], $0x80  }
0x94: {  	[sflag:s0] =	ssyncset.done $0x0  }
0x95: {  	s16 =	sadd.s32 $0x2900, s2;
	[sflag:s0] =	ssyncadd.s32 $0xFFFFFF80  }
0x96: {  	[spmem:s3] =	stream.indirect.scatter.add.f32 [tilespmem:s29], [sflag:$0x3], $0x1, s16, s24, $0xb8;
	[tilespmem:$0x56F0] =	vst v63  }
0x97: {  	_ =	swait.ge [sflag:s0], $0x80  }
0x98: {  	[sflag:s0] =	ssyncset.done $0x0  }
0x99: {  	s16 =	sadd.s32 $0x2980, s2;
	[sflag:s0] =	ssyncadd.s32 $0xFFFFFF80  }
0x9a: {  	[spmem:s3] =	stream.indirect.scatter.add.f32 [tilespmem:s30], [sflag:$0x3], $0x1, s16, s24, $0xb8;
	[tilespmem:$0x56F0] =	vst v63  }
0x9b: {  	_ =	swait.ge [sflag:s0], $0x80  }
0x9c: {  	[sflag:s0] =	ssyncset.done $0x0  }
0x9d: {  	s2 =	sadd.s32 $0x2A00, s2;
	[sflag:s0] =	ssyncadd.s32 $0xFFFFFF80  }
0x9e: {  	[spmem:s3] =	stream.indirect.scatter.add.f32 [tilespmem:s31], [sflag:$0x3], $0x1, s2, s24, $0xb8;
	[tilespmem:$0x56F0] =	vst v63  }
0x9f: {  	_ =	swait.ge [sflag:s15], $0x80  }
0xa0: {  	[sflag:s15] =	ssyncset.done $0x0  }
0xa1: {  	[sflag:s15] =	ssyncadd.s32 $0xFFFFFF80  }
0xa2: {  	_ =	swait.ge [sflag:s15], $0x80  }
0xa3: {  	[sflag:s15] =	ssyncset.done $0x0  }
0xa4: {  	[sflag:s15] =	ssyncadd.s32 $0xFFFFFF80  }
0xa5: {  	_ =	swait.ge [sflag:s15], $0x80  }
0xa6: {  	[sflag:s15] =	ssyncset.done $0x0  }
0xa7: {  	[sflag:s15] =	ssyncadd.s32 $0xFFFFFF80  }
0xa8: {  	_ =	swait.ge [sflag:s15], $0x80  }
0xa9: {  	[sflag:s15] =	ssyncset.done $0x0  }
0xaa: {  	[sflag:s15] =	ssyncadd.s32 $0xFFFFFF80  }
.Ltmp2:
0xab: {  	_ =	swait.ge [sflag:s15], $0x80;
	(pc) =	sbr.rel @p2 .LBB2_2-.Ltmp2, $4  }
0xac: {  	[sflag:s15] =	ssyncset.done $0x0  }
0xad: {  	[sflag:s15] =	ssyncadd.s32 $0xFFFFFF80  }
0xae: {  	_ =	swait.ge [sflag:s15], $0x80  }
0xaf: {  	s16 =	smov.u32 s5;
	[sflag:s15] =	ssyncset.done $0x0  }
0xb0: {  	s2 =	sshra.s32 s20, $0x2;
	[sflag:s15] =	ssyncadd.s32 $0xFFFFFF80  }
0xb1: {  	[tilespmem:s25], [sflag:$0x2] =	stream.indirect.gather [spmem:s1], $0x1, s2, s24, $0xb8;
	[tilespmem:$0x56F0] =	vst v63  }
0xb2: {  	s5 =	sadd.s32 $0x80, s2  }
0xb3: {  	[tilespmem:s26], [sflag:$0x2] =	stream.indirect.gather [spmem:s1], $0x1, s5, s24, $0xb8;
	[tilespmem:$0x56F0] =	vst v63  }
0xb4: {  	s20 =	sadd.s32 $0x100, s2  }
0xb5: {  	[tilespmem:s28], [sflag:$0x2] =	stream.indirect.gather [spmem:s1], $0x1, s20, s24, $0xb8;
	[tilespmem:$0x56F0] =	vst v63  }
0xb6: {  	s16 =	sadd.s32 $0x180, s2  }
0xb7: {  	[tilespmem:s29], [sflag:$0x2] =	stream.indirect.gather [spmem:s1], $0x1, s16, s24, $0xb8;
	[tilespmem:$0x56F0] =	vst v63  }
0xb8: {  	s20 =	sadd.s32 $0x200, s2  }
0xb9: {  	[tilespmem:s30], [sflag:$0x2] =	stream.indirect.gather [spmem:s1], $0x1, s20, s24, $0xb8;
	[tilespmem:$0x56F0] =	vst v63  }
0xba: {  	s16 =	sadd.s32 $0x280, s2  }
0xbb: {  	[tilespmem:s31], [sflag:$0x2] =	stream.indirect.gather [spmem:s1], $0x1, s16, s24, $0xb8;
	[tilespmem:$0x56F0] =	vst v63  }
0xbc: {  	_ =	swait.ge [sflag:s0], $0x80  }
0xbd: {  	[sflag:s0] =	ssyncset.done $0x0  }
0xbe: {  	s20 =	sadd.s32 $0x2780, s2;
	[sflag:s0] =	ssyncadd.s32 $0xFFFFFF80  }
0xbf: {  	[spmem:s3] =	stream.indirect.scatter.add.f32 [tilespmem:s25], [sflag:$0x3], $0x1, s20, s24, $0xb8;
	[tilespmem:$0x56F0] =	vst v63  }
0xc0: {  	_ =	swait.ge [sflag:s0], $0x80  }
0xc1: {  	[sflag:s0] =	ssyncset.done $0x0  }
0xc2: {  	s16 =	sadd.s32 $0x2800, s2;
	[sflag:s0] =	ssyncadd.s32 $0xFFFFFF80  }
0xc3: {  	[spmem:s3] =	stream.indirect.scatter.add.f32 [tilespmem:s26], [sflag:$0x3], $0x1, s16, s24, $0xb8;
	[tilespmem:$0x56F0] =	vst v63  }
0xc4: {  	_ =	swait.ge [sflag:s0], $0x80  }
0xc5: {  	[sflag:s0] =	ssyncset.done $0x0  }
0xc6: {  	s20 =	sadd.s32 $0x2880, s2;
	[sflag:s0] =	ssyncadd.s32 $0xFFFFFF80  }
0xc7: {  	[spmem:s3] =	stream.indirect.scatter.add.f32 [tilespmem:s28], [sflag:$0x3], $0x1, s20, s24, $0xb8;
	[tilespmem:$0x56F0] =	vst v63  }
0xc8: {  	_ =	swait.ge [sflag:s0], $0x80  }
0xc9: {  	[sflag:s0] =	ssyncset.done $0x0  }
0xca: {  	s16 =	sadd.s32 $0x2900, s2;
	[sflag:s0] =	ssyncadd.s32 $0xFFFFFF80  }
0xcb: {  	[spmem:s3] =	stream.indirect.scatter.add.f32 [tilespmem:s29], [sflag:$0x3], $0x1, s16, s24, $0xb8;
	[tilespmem:$0x56F0] =	vst v63  }
0xcc: {  	_ =	swait.ge [sflag:s0], $0x80  }
0xcd: {  	[sflag:s0] =	ssyncset.done $0x0  }
0xce: {  	s20 =	sadd.s32 $0x2980, s2;
	[sflag:s0] =	ssyncadd.s32 $0xFFFFFF80  }
0xcf: {  	[spmem:s3] =	stream.indirect.scatter.add.f32 [tilespmem:s30], [sflag:$0x3], $0x1, s20, s24, $0xb8;
	[tilespmem:$0x56F0] =	vst v63  }
0xd0: {  	_ =	swait.ge [sflag:s0], $0x80  }
0xd1: {  	[sflag:s0] =	ssyncset.done $0x0  }
0xd2: {  	s2 =	sadd.s32 $0x2A00, s2;
	[sflag:s0] =	ssyncadd.s32 $0xFFFFFF80  }
0xd3: {  	[spmem:s3] =	stream.indirect.scatter.add.f32 [tilespmem:s31], [sflag:$0x3], $0x1, s2, s24, $0xb8;
	[tilespmem:$0x56F0] =	vst v63  }
0xd4: {  	_ =	swait.ge [sflag:s15], $0x80  }
0xd5: {  	[sflag:s15] =	ssyncset.done $0x0  }
0xd6: {  	[sflag:s15] =	ssyncadd.s32 $0xFFFFFF80  }
0xd7: {  	_ =	swait.ge [sflag:s15], $0x80  }
0xd8: {  	[sflag:s15] =	ssyncset.done $0x0  }
0xd9: {  	[sflag:s15] =	ssyncadd.s32 $0xFFFFFF80  }
0xda: {  	_ =	swait.ge [sflag:s15], $0x80  }
0xdb: {  	[sflag:s15] =	ssyncset.done $0x0  }
0xdc: {  	[sflag:s15] =	ssyncadd.s32 $0xFFFFFF80  }
0xdd: {  	_ =	swait.ge [sflag:s15], $0x80  }
0xde: {  	[sflag:s15] =	ssyncset.done $0x0  }
0xdf: {  	[sflag:s15] =	ssyncadd.s32 $0xFFFFFF80  }
0xe0: {  	_ =	swait.ge [sflag:s15], $0x80  }
.Ltmp3:
0xe1: {  	[sflag:s15] =	ssyncset.done $0x0;
	(pc) =	sbr.rel @p1 .LBB2_5-.Ltmp3, $4  }
0xe2: {  	[sflag:s15] =	ssyncadd.s32 $0xFFFFFF80  }
0xe3: {  	_ =	swait.ge [sflag:s15], $0x80  }
0xe4: {  	[sflag:s15] =	ssyncset.done $0x0  }
0xe5: {  	[sflag:s15] =	ssyncadd.s32 $0xFFFFFF80  }
0xe6: {  	s2 =	simm.s32 $0x2700  }
0xe7: {  	[tilespmem:s25], [sflag:$0x2] =	stream.indirect.gather [spmem:s1], $0x1, s2, s24, $0xb8;
	[tilespmem:$0x56F0] =	vst v63  }
0xe8: {  	_ =	swait.ge [sflag:s0], $0x80  }
0xe9: {  	[sflag:s0] =	ssyncset.done $0x0  }
0xea: {  	s20 =	simm.s32 $0x4E80;
	[sflag:s0] =	ssyncadd.s32 $0xFFFFFF80  }
0xeb: {  	[spmem:s3] =	stream.indirect.scatter.add.f32 [tilespmem:s25], [sflag:$0x3], $0x1, s20, s24, $0xb8;
	[tilespmem:$0x56F0] =	vst v63  }
.Ltmp4:
0xec: {  	_ =	swait.ge [sflag:s15], $0x80;
	(pc) =	sbr.rel .LBB2_6-.Ltmp4, $3  }
0xed: {  	[sflag:s15] =	ssyncset.done $0x0  }
0xee: {  	[sflag:s15] =	ssyncadd.s32 $0xFFFFFF80  }
0xef: {  	[bflag:$0x0] =	sbarrier.arrive $0xFFFF;
	_ =	sdelay $0x1  }
.LBB2_5:
.Ltmp5:
0xf0: {  	(pc) =	sbr.rel @p0 .LBB2_7-.Ltmp5, $2  }
0xf1: {  	_ =	sdelay $0x1  }
0xf2: {  	[bflag:$0x0] =	sbarrier.arrive $0xFFFF;
	_ =	sdelay $0x1  }
.LBB2_6:
0xf3: {  	s2 =	stileid.u32  }
0xf4: {  	s5 =	sshrl.u32 s10, $0x3;
	s2 =	sshll.u32 s2, $0x6  }
.Ltmp6:
0xf5: {  	s16 =	rddreg [dreg:$0x6];
	s2 =	sor.u32 $0x1C04, s2;
	(pc) =	sbr.rel .LBB2_8-.Ltmp6, $4  }
0xf6: {  	[hbm:s16], [sflag:s2] =	dma.local [spmem:s5], $0x4E  }
0xf7: {  	_ =	swait.ge [sflag:s18], $0x4E  }
0xf8: {  	[sflag:s18] =	ssyncset.done $0x0  }
0xf9: {  	[sflag:s18] =	ssyncadd.s32 $0xFFFFFFB2  }
.LBB2_9:
0xfa: {  	_ =	sfence.sel $0x180000  }
0xfb: {  	[bflag:$0x0] =	sbarrier.arrive $0xFFFF  }
0xfc: {  	_ =	strace $0x9000004A  }
0xfd: {  	s0 =	stileid.u32;
	[bflag:$0x2] =	sbarrier.arrive $0xFFFF  }
0xfe: {  	p0 =	sne.s32 s0, $0x0;
	s0 =	rddreg [dreg:$0x3]  }
0xff: {  	s0 =	sadd.s32 @!p0 $0x100000, s0  }
0x100: {  	[sflag:s0] =	ssyncadd.tile.s32 @!p0 $0x1;
	_ =	shalt  }
.Lfunc_end2:
_tile_overlayer_lowered:
.L_overlay_start_2:
0x101: {  	(tag) =	ssettag $0x2  }
0x102: {  	s0 =	rddreg [dreg:$0x0];
	s2 =	stileid.u32  }
0x103: {  	s1 =	rddreg [dreg:$0x1];
	p0 =	sne.s32 s2, $0x0  }
0x104: {  	s3 =	rddreg [dreg:$0x2];
	[bflag:$0x3] =	sbarrier.arrive $0xFFFF;
	s2 =	simm.s32 @!p0 $0x1C04  }
0x105: {  	[timem:s3], [sflag:s2] =	dma.local @!p0 [hbm:s0], s1  }
0x106: {  	s0 =	simm.s32 @!p0 $0x4  }
0x107: {  	_ =	swait.ge @!p0 [sflag:s0], s1  }
0x108: {  	s1 =	ssub.s32 @!p0 $0x0, s1;
	[sflag:s0] =	ssyncset.done @!p0 $0x0  }
0x109: {  	[sflag:s0] =	ssyncadd.s32 @!p0 s1  }
0x10a: {  	[bflag:$0x3] =	sbarrier.arrive $0xFFFF  }
0x10b: {  	_ =	shalt  }

// kernel: kernel.7.cloned.1.call-start
scs
__scs_entry_jumppad:
0x0: {  	(pc) =	sbr.rel $0x88, $3  }
0x1: {  	(tag) =	ssettag $0x0;
	lr =	simm.s32 $0x1  }
0x2: {  	[smem:$0x3F99] =	sst lr;
	_ =	strace $0xD0000000  }
0x3: {  	_ = 	snop  }
0x4: {  	_ = 	snop  }
0x5: {  	_ = 	snop  }
0x6: {  	_ = 	snop  }
0x7: {  	_ = 	snop  }
__scs_overlays_trampoline_lowered:
0x8: {  	[smem:$0x3FA8] =	sst s0  }
0x9: {  	[smem:$0x3FA9] =	sst s1  }
0xa: {  	[smem:$0x3FAA] =	sst s2  }
0xb: {  	[smem:$0x3FAB] =	sst s3  }
0xc: {  	[smem:$0x3FAC] =	sst s4  }
0xd: {  	[smem:$0x3FAD] =	sst s5  }
0xe: {  	[smem:$0x3FAE] =	sst s6  }
0xf: {  	[smem:$0x3FAF] =	sst s7  }
0x10: {  	[smem:$0x3FB0] =	sst s8  }
0x11: {  	[smem:$0x3FB1] =	sst s9;
	s0 =	simm.s32 @!p0 $0x0  }
0x12: {  	s1 =	sld [smem:$0x3F97];
	s0 =	simm.s32 @p0 $0x1  }
0x13: {  	[smem:$0x3FB2] =	sst s0;
	s0 =	simm.s32 @!p1 $0x0  }
0x14: {  	s2 =	sld [smem:$0x3F96];
	s0 =	simm.s32 @p1 $0x1  }
0x15: {  	[smem:$0x3FB3] =	sst s0;
	s0 =	simm.s32 @!p2 $0x0  }
0x16: {  	s3 =	sld [smem:$0x3FDB];
	s0 =	simm.s32 @p2 $0x1  }
0x17: {  	s4 =	simm.s32 $0x1BF5;
	[smem:$0x3FB5] =	sst s0  }
0x18: {  	s0 =	sld [smem:$0x3F98];
	_ =	swait.ge [sflag:s4], $0x0  }
0x19: {  	s7 =	sld [smem:$0x3F99]  }
0x1a: {  	s8 =	sadd.s32 $0xFFFFE003, lr  }
0x1b: {  	s9 =	sadd.s32 $0xFFFFFEF7, lr;
	s5 =	simm.s32 $0xFFFFFFFF;
	p2 =	slt.u32 s8, $0xFFFFF086  }
0x1c: {  	p1 =	slt.u32 s9, $0xF7A;
	s5 =	simm.s32 @!p2 $0x0  }
0x1d: {  	s5 =	simm.s32 @p1 $0x1;
	p0 =	seq.s32 s7, s2  }
0x1e: {  	s7 =	smul.u32 @!p0 $0xF7A, s2;
	p2 =	seq.s32 @!p0 s5, $0x0  }
0x1f: {  	s9 =	smul.u32 $0xF7A, s1;
	s8 =	simm.s32 @!p0 $0x1BF5;
	p2 =	por !p2, p0  }
0x20: {  	[sflag:s8] =	ssyncset.s32 @!p0 $0xFFFFF086;
	s6 =	sadd.s32 @!p0 s3, s7;
	s7 =	simm.s32 @!p0 $0x108  }
0x21: {  	s3 =	sadd.s32 s3, s9;
	s6 =	sadd.s32 @!p0 $0x88, s6;
	s7 =	simm.s32 @p2 $0x1082  }
0x22: {  	[simem:s7], [sflag:s8] =	dma.local @!p0 [hbm:s6], $0xF7A  }
0x23: {  	s9 =	sor.u32 $0xD0000000, s2;
	s6 =	simm.s32 $0x108;
	_ =	swait.ge @!p0 [sflag:s8], $0x0  }
0x24: {  	s3 =	sadd.s32 $0x88, s3;
	s6 =	simm.s32 @!p1 $0x1082;
	[sflag:s4] =	ssyncset.s32 $0xFFFFF086  }
0x25: {  	[simem:s6], [sflag:s4] =	dma.local [hbm:s3], $0xF7A  }
0x26: {  	[smem:$0x3F99] =	sst s1;
	(tag) =	ssettag s2;
	_ =	strace s9  }
0x27: {  	s1 =	sld [smem:$0x3FA9]  }
0x28: {  	s2 =	sld [smem:$0x3FAA]  }
0x29: {  	s4 =	sld [smem:$0x3FAC]  }
0x2a: {  	p0 =	seq.s32 s5, $0x0;
	s5 =	sld [smem:$0x3FAD]  }
0x2b: {  	s6 =	sld [smem:$0x3FAE]  }
0x2c: {  	s7 =	sld [smem:$0x3FAF]  }
0x2d: {  	s3 =	simm.s32 $0x108;
	s8 =	sld [smem:$0x3FB0]  }
0x2e: {  	s3 =	simm.s32 @!p0 $0x1082;
	s9 =	sld [smem:$0x3FB1]  }
0x2f: {  	lr =	sadd.s32 s0, s3;
	s0 =	sld [smem:$0x3FA8]  }
0x30: {  	s3 =	sld [smem:$0x3FAB]  }
0x31: {  	[smem:$0x3FB4] =	sst s10  }
0x32: {  	s10 =	sld [smem:$0x3FB2];
	_ =	sdelay $0x3  }
0x33: {  	p0 =	seq.s32 s10, $0x1;
	s10 =	sld [smem:$0x3FB4];
	_ =	sdelay $0x3  }
0x34: {  	[smem:$0x3FB4] =	sst s10  }
0x35: {  	s10 =	sld [smem:$0x3FB3];
	_ =	sdelay $0x3  }
0x36: {  	p1 =	seq.s32 s10, $0x1;
	s10 =	sld [smem:$0x3FB4];
	_ =	sdelay $0x3  }
0x37: {  	[smem:$0x3FB4] =	sst s10  }
0x38: {  	s10 =	sld [smem:$0x3FB5]  }
0x39: {  	_ = 	snop;
	(pc) =	sbr.ind lr, $3  }
0x3a: {  	_ = 	snop  }
0x3b: {  	_ = 	snop  }
0x3c: {  	p2 =	seq.s32 s10, $0x1;
	s10 =	sld [smem:$0x3FB4]  }
0x3d: {  	_ =	shalt  }
0x3e: {  	_ =	shalt  }
0x3f: {  	_ =	shalt  }
0x40: {  	_ =	shalt  }
0x41: {  	_ =	shalt  }
0x42: {  	_ =	shalt  }
0x43: {  	_ =	shalt  }
0x44: {  	_ =	shalt  }
0x45: {  	_ =	shalt  }
0x46: {  	_ =	shalt  }
0x47: {  	_ =	shalt  }
0x48: {  	_ =	shalt  }
0x49: {  	_ =	shalt  }
0x4a: {  	_ =	shalt  }
0x4b: {  	_ =	shalt  }
0x4c: {  	_ =	shalt  }
0x4d: {  	_ =	shalt  }
0x4e: {  	_ =	shalt  }
0x4f: {  	_ =	shalt  }
0x50: {  	_ =	shalt  }
0x51: {  	_ =	shalt  }
0x52: {  	_ =	shalt  }
0x53: {  	_ =	shalt  }
0x54: {  	_ =	shalt  }
0x55: {  	_ =	shalt  }
0x56: {  	_ =	shalt  }
0x57: {  	_ =	shalt  }
0x58: {  	_ =	shalt  }
0x59: {  	_ =	shalt  }
0x5a: {  	_ =	shalt  }
0x5b: {  	_ =	shalt  }
0x5c: {  	_ =	shalt  }
0x5d: {  	_ =	shalt  }
0x5e: {  	_ =	shalt  }
0x5f: {  	_ =	shalt  }
0x60: {  	_ =	shalt  }
0x61: {  	_ =	shalt  }
0x62: {  	_ =	shalt  }
0x63: {  	_ =	shalt  }
0x64: {  	_ =	shalt  }
0x65: {  	_ =	shalt  }
0x66: {  	_ =	shalt  }
0x67: {  	_ =	shalt  }
0x68: {  	_ =	shalt  }
0x69: {  	_ =	shalt  }
0x6a: {  	_ =	shalt  }
0x6b: {  	_ =	shalt  }
0x6c: {  	_ =	shalt  }
0x6d: {  	_ =	shalt  }
0x6e: {  	_ =	shalt  }
0x6f: {  	_ =	shalt  }
0x70: {  	_ =	shalt  }
0x71: {  	_ =	shalt  }
0x72: {  	_ =	shalt  }
0x73: {  	_ =	shalt  }
0x74: {  	_ =	shalt  }
0x75: {  	_ =	shalt  }
0x76: {  	_ =	shalt  }
0x77: {  	_ =	shalt  }
0x78: {  	_ =	shalt  }
0x79: {  	_ =	shalt  }
0x7a: {  	_ =	shalt  }
0x7b: {  	_ =	shalt  }
0x7c: {  	_ =	shalt  }
0x7d: {  	_ =	shalt  }
0x7e: {  	_ =	shalt  }
0x7f: {  	_ =	shalt  }
0x80: {  	_ =	shalt  }
0x81: {  	_ =	shalt  }
0x82: {  	_ =	shalt  }
0x83: {  	_ =	shalt  }
0x84: {  	_ =	shalt  }
0x85: {  	_ =	shalt  }
0x86: {  	_ =	shalt  }
0x87: {  	_ =	shalt  }
.Lfunc_end0:
.L_simem_size_0:
called_computation_lowered:
.L_overlay_start_0:
0x88: {  	s2 =	sld [smem:$0x3FD9]  }
0x89: {  	s3 =	sld [smem:$0x3FFE];
	_ =	sdelay $0x1  }
0x8a: {  	s1 =	srdreg.scid  }
0x8b: {  	s0 =	sand.u32 $0x1, s1  }
0x8c: {  	s16 =	sshll.u32 s0, $0xA;
	s2 =	sadd.s32 s3, s2  }
0x8d: {  	s2 =	sadd.s32 s2, s16  }
0x8e: {  	[smem:$0x3FC0] =	sst s2  }
0x8f: {  	_ = 	snop  }
0x90: {  	(tm) =	ssettm $0x1  }
0x91: {  	s17 =	sld [smem:$0x3FFB];
	_ =	sdelay $0x3  }
0x92: {  	_ =	strace s17  }
0x93: {  	s2 =	sld [smem:$0x3FFC];
	_ =	sdelay $0x3  }
0x94: {  	_ =	strace s2  }
0x95: {  	s2 =	sld [smem:$0x3FFD];
	_ =	sdelay $0x3  }
0x96: {  	_ =	strace s2  }
0x97: {  	_ =	strace $0x8FFFFFFF  }
0x98: {  	s18 =	sld [smem:$0x3FDB];
	_ =	sdelay $0x1  }
0x99: {  	s19 =	simm.s32 $_scs_section_size  }
0x9a: {  	s4 =	simm.s32 $_size__tile_overlayer_lowered;
	s5 =	simm.s32 $_tile_overlayer_lowered  }
0x9b: {  	s22 =	simm.s32 $0x1BFF;
	s21 =	sshll.u32 s5, $0x1;
	s2 =	sadd.s32 s19, s18  }
0x9c: {  	s6 =	simm.s32 $0x0;
	s20 =	sshll.u32 s4, $0x1;
	s4 =	sadd.s32 s21, s2  }
0x9d: {  	[timem:s6], [sflag:s22] =	dma.local [hbm:s4], s20  }
0x9e: {  	_ =	swait.ge [sflag:s22], s20  }
0x9f: {  	s3 =	ssub.s32 $0x0, s20;
	[sflag:s22] =	ssyncset.done $0x0  }
0xa0: {  	[sflag:s22] =	ssyncadd.s32 s3;
	_ =	sdelay $0x1  }
0xa1: {  	s23 =	simm.s32 $0x1B8B  }
0xa2: {  	_ =	swait.ge [sflag:s23], $0x1  }
0xa3: {  	[sflag:s23] =	ssyncset.done $0x0  }
0xa4: {  	s25 =	simm.s32 $0x1B8E;
	s24 =	sld [smem:$0x3FFE];
	[sflag:s23] =	ssyncadd.s32 $0xFFFFFFFF  }
0xa5: {  	s26 =	simm.s32 $execute0_lowered;
	[smem:$0x3FD2] =	sst s25  }
0xa6: {  	s4 =	sshll.u32 s26, $0x1;
	_ =	strace $0x80000046;
	[dreg:$0x1] =	wrdreg $0xFFFFFFFF  }
0xa7: {  	s28 =	simm.s32 $_size_execute0_lowered;
	s2 =	sadd.s32 s2, s4;
	[dreg:$0x0] =	wrdreg $0x0  }
0xa8: {  	s4 =	sshll.u32 s28, $0x1;
	[dreg:$0x2] =	wrdreg s2  }
0xa9: {  	[dreg:$0x3] =	wrdreg s4  }
0xaa: {  	[dreg:$0x4] =	wrdreg $0xC0  }
0xab: {  	_ =	task [dreg:s6], $0x5FFFF  }
0xac: {  	[dreg:$0x1] =	wrdreg $0xFFFFFFFF  }
0xad: {  	[dreg:$0x0] =	wrdreg $0x60  }
0xae: {  	[dreg:$0x2] =	wrdreg s24  }
0xaf: {  	[dreg:$0x3] =	wrdreg $0x7F800  }
0xb0: {  	[dreg:$0x4] =	wrdreg $0xA6900  }
0xb1: {  	[dreg:$0x5] =	wrdreg $0xCDA00  }
0xb2: {  	[dreg:$0x6] =	wrdreg $0x9  }
0xb3: {  	_ =	task.clear_ibuf [dreg:s6], $0x7FFFF;
	_ =	strace $0x90000046  }
0xb4: {  	s29 =	simm.s32 $0x9;
	_ =	strace $0x80000048  }
0xb5: {  	_ =	swait.ge [sflag:s29], $0x1  }
0xb6: {  	[sflag:s29] =	ssyncadd.s32 $0xFFFFFFFF  }
0xb7: {  	_ =	strace $0x90000048  }
0xb8: {  	_ =	sfence  }
0xb9: {  	s30 =	sld [smem:$0x0];
	_ =	sdelay $0x2  }
0xba: {  	s31 =	sshll.u32 s1, $0xD;
	s1 =	sshrl.u32 s1, $0x2  }
0xbb: {  	s3 =	sand.u32 $0x4000, s31;
	s1 =	sadd.s32 s1, s30  }
0xbc: {  	s0 =	sor.u32 s3, s0;
	s1 =	sshll.u32 s1, $0x11  }
0xbd: {  	s0 =	sor.u32 s1, s0  }
0xbe: {  	s0 =	sadd.s32 $0x8F2B, s0  }
0xbf: {  	[sflag:s0] =	ssyncadd.remote.s32 $0x1  }
0xc0: {  	_ =	sfence.sel $0xFFFF  }
0xc1: {  	[dreg:$0x0] =	wrdreg $0xFFFFFFFF;
	(pc) =	sbr.abs _section_cstart, $3  }
0xc2: {  	[dreg:$0x1] =	wrdreg $0xFFFFFFFF  }
0xc3: {  	_ =	task.clear_ibuf [dreg:s6], $0x2FFFF;
	_ =	strace $0x9FFFFFFF  }
0xc4: {  	(tm) =	ssettm $0x7FFFFFFF  }
0xc5: {  	_ =	shalt  }
tec
execute0_lowered:
.L_overlay_start_1:
0x0: {  	(tag) =	ssettag $0x1  }
0x1: {  	s0 =	rddreg [dreg:$0x0]  }
0x2: {  	s1 =	rddreg [dreg:$0x1]  }
0x3: {  	s3 =	rddreg [dreg:$0x2]  }
0x4: {  	s4 =	rddreg [dreg:$0x3];
	s5 =	simm.s32 $0x0  }
0x5: {  	s19 =	stileid.u32;
	s10 =	srdreg.scid;
	s31 =	simm.s32 $0x1  }
0x6: {  	s28 =	simm.s32 $0x5F00;
	s29 =	simm.s32 $0x7700;
	s2 =	smul.u32 $0x2700, s19  }
0x7: {  	[smem:$0x7FF] =	sst s5;
	s6 =	sadd.s32 $0x10400, s0;
	s7 =	smul.u32 $0x270, s19  }
0x8: {  	s8 =	sadd.s32 $0x6600, s0;
	s10 =	sand.u32 $0x1, s10;
	s14 =	sadd.s32 $0x1F800, s0  }
0x9: {  	s15 =	sadd.s32 $0x29600, s0;
	s23 =	sadd.s32 $0x5F20, s0;
	p1 =	seq.s32 s19, $0xF  }
0xa: {  	_ =	strace $0x80000047;
	s24 =	sshll.u32 s10, $0x4;
	s13 =	ssub.s32 $0x2, s10  }
0xb: {  	[dreg:$0xd] =	wrdreg s23;
	s9 =	sshrl.u32 s2, $0x3;
	s11 =	sshrl.u32 s7, $0x3  }
0xc: {  	s16 =	sor.u32 s19, s24;
	s25 =	sshrl.u32 s13, $0x1;
	s24 =	sadd.s32 $0x1EB20, s0  }
0xd: {  	s9 =	sadd.s32 s9, s0;
	s12 =	sadd.s32 s11, s0;
	s17 =	smul.u32 $0x4E0, s16  }
0xe: {  	s18 =	sshll.u32 s16, $0x4;
	s21 =	ssub.s32 s13, s25;
	p0 =	slt.u32 s16, $0x4  }
0xf: {  	[dreg:$0xf] =	wrdreg s24;
	s0 =	sadd.s32 $0x1F692, s0;
	s11 =	sor.u32 $0x9C00, s18  }
0x10: {  	s13 =	sadd.s32 $0x1600, s9;
	s9 =	sadd.s32 $0x1A200, s9;
	[dreg:$0x10] =	wrdreg s0  }
0x11: {  	s18 =	sadd.s32 $0x1F200, s12;
	s26 =	sadd.s32 s6, s17;
	[dreg:$0x9] =	wrdreg s13  }
0x12: {  	s30 =	sadd.s32 s8, s17;
	s11 =	simm.s32 @!p0 $0x0;
	[dreg:$0xa] =	wrdreg s9  }
0x13: {  	s17 =	smul.u32 $0x27100, s10;
	s13 =	sadd.s32 s7, s4;
	[dreg:$0xb] =	wrdreg s18  }
0x14: {  	s10 =	smul.u32 $0x2710, s10;
	s18 =	sadd.s32 $0x24900, s3;
	[dreg:$0x5] =	wrdreg s26  }
0x15: {  	p0 =	sgt.u32 s16, $0x3;
	[dreg:$0x6] =	wrdreg s30;
	s6 =	sadd.s32 s6, s11  }
0x16: {  	s11 =	sadd.s32 s8, s11;
	s8 =	sadd.s32 $0x24900, s1;
	[dreg:$0x7] =	wrdreg s6  }
0x17: {  	s30 =	smax.u32 s21, $0x1;
	s21 =	simm.s32 $0x4F00;
	[dreg:$0x8] =	wrdreg s11  }
0x18: {  	s6 =	sadd.s32 s2, s1;
	s11 =	sadd.s32 s2, s3;
	s20 =	sshrl.u32 s17, $0x3  }
0x19: {  	s2 =	sadd.s32 s2, s17;
	s22 =	sshrl.u32 s10, $0x3;
	s7 =	sadd.s32 s7, s10  }
0x1a: {  	[dreg:$0x13] =	wrdreg s30;
	s0 =	sshrl.u32 @p1 s8, $0x3;
	s17 =	simm.s32 $0x6F00  }
0x1b: {  	s8 =	simm.s32 $0x4;
	s10 =	simm.s32 $0x0;
	s9 =	sadd.s32 s14, s20  }
0x1c: {  	s2 =	sshrl.u32 s2, $0x3;
	s7 =	sshrl.u32 s7, $0x3;
	[dreg:$0x14] =	wrdreg s0  }
0x1d: {  	s0 =	sshrl.u32 @!p1 s6, $0x3;
	s6 =	simm.s32 $0x2;
	s2 =	sadd.s32 s14, s2  }
0x1e: {  	s7 =	sadd.s32 s15, s7;
	s25 =	sadd.s32 $0x4920, s9;
	[dreg:$0x15] =	wrdreg s0  }
.Ltmp0:
0x1f: {  	s0 =	simm.s32 $0x80;
	[dreg:$0xc] =	wrdreg s2;
	(pc) =	sbr.rel .LBB2_1-.Ltmp0, $4  }
0x20: {  	s9 =	simm.s32 $0x5;
	s2 =	sadd.s32 s15, s22;
	[dreg:$0xe] =	wrdreg s7  }
0x21: {  	[dreg:$0x11] =	wrdreg s25;
	s25 =	simm.s32 $0x4E80;
	s22 =	simm.s32 $0x5700  }
0x22: {  	s15 =	simm.s32 $0x6700;
	s7 =	simm.s32 $0x3;
	s26 =	sadd.s32 $0x492, s2  }
0x23: {  	v0 =	vimm.f32 $1.000000000e+00;
	s2 =	simm.s32 $0x7F00;
	[dreg:$0x12] =	wrdreg s26;
	s26 =	sadd.s32 $0x2490, s4  }
.LBB2_7:
0x24: {  	s12 =	sshrl.u32 s18, $0x3;
	s14 =	rddreg [dreg:$0x11];
	s16 =	simm.s32 $0x1FC5  }
0x25: {  	[hbm:s14], [sflag:s16] =	dma.local [spmem:s12], $0x500  }
0x26: {  	_ =	swait.ge [sflag:s9], $0x500  }
0x27: {  	[sflag:s9] =	ssyncset.done $0x0  }
0x28: {  	s24 =	sshrl.u32 s26, $0x3;
	s30 =	rddreg [dreg:$0x12];
	[sflag:s9] =	ssyncadd.s32 $0xFFFFFB00  }
0x29: {  	[hbm:s30], [sflag:s16] =	dma.local [spmem:s24], $0x50  }
0x2a: {  	_ =	swait.ge [sflag:s9], $0x50  }
0x2b: {  	[sflag:s9] =	ssyncset.done $0x0  }
0x2c: {  	[sflag:s9] =	ssyncadd.s32 $0xFFFFFFB0  }
.LBB2_8:
0x2d: {  	s10 =	sadd.s32 $0x1, s10;
	s12 =	rddreg [dreg:$0x13]  }
0x2e: {  	p2 =	sne.s32 s10, s12  }
.Ltmp1:
0x2f: {  	_ = 	snop;
	(pc) =	sbr.rel @!p2 .LBB2_9-.Ltmp1, $1  }
0x30: {  	_ =	sdelay $0x3  }
.LBB2_1:
0x31: {  	s12 =	rddreg [dreg:$0x5]  }
0x32: {  	s23 =	rddreg [dreg:$0x6]  }
0x33: {  	[tilespmem:s5], [sflag:$0x1] =	stream.linear.gather [hbm4b:s12+s5], $0x2700, $0x38;
	[tilespmem:$0xD018] =	vst v63  }
0x34: {  	s14 =	simm.s32 $0x2780;
	s24 =	rddreg [dreg:$0x7]  }
0x35: {  	[tilespmem:s14], [sflag:$0x1] =	stream.linear.gather [hbm4b:s23+s5], $0x2700, $0x38;
	[tilespmem:$0xD018] =	vst v63  }
0x36: {  	s30 =	simm.s32 $0x2700;
	s16 =	rddreg [dreg:$0x8]  }
0x37: {  	[tilespmem:s30], [sflag:$0x1] =	stream.linear.gather [hbm4b:s24+s5], $0x80, $0x38;
	[tilespmem:$0xD018] =	vst v63  }
0x38: {  	s14 =	rddreg [dreg:$0xd]  }
0x39: {  	[tilespmem:s25], [sflag:$0x1] =	stream.linear.gather [hbm4b:s16+s5], $0x80, $0x38;
	[tilespmem:$0xD018] =	vst v63  }
0x3a: {  	s12 =	simm.s32 @p1 $0x1FC5;
	s16 =	rddreg [dreg:$0x14]  }
0x3b: {  	[spmem:s16], [sflag:s12] =	dma.local @p1 [hbm:s14], $0x500  }
0x3c: {  	s14 =	simm.s32 @p1 $0x5  }
0x3d: {  	_ =	swait.ge @p1 [sflag:s14], $0x500  }
0x3e: {  	[sflag:s14] =	ssyncset.done @p1 $0x0  }
0x3f: {  	s16 =	sshrl.u32 @p1 s18, $0x3;
	s19 =	rddreg [dreg:$0xf];
	[sflag:s14] =	ssyncadd.s32 @p1 $0xFFFFFB00  }
0x40: {  	[spmem:s16], [sflag:s12] =	dma.local @p1 [hbm:s19], $0x500  }
0x41: {  	_ =	swait.ge @p1 [sflag:s14], $0x500  }
0x42: {  	[sflag:s14] =	ssyncset.done @p1 $0x0  }
0x43: {  	s16 =	sshrl.u32 @p1 s26, $0x3;
	s19 =	rddreg [dreg:$0x10];
	[sflag:s14] =	ssyncadd.s32 @p1 $0xFFFFFB00  }
0x44: {  	[spmem:s16], [sflag:s12] =	dma.local @p1 [hbm:s19], $0x50  }
0x45: {  	s12 =	stileid.u32;
	_ =	swait.ge @p1 [sflag:s14], $0x50  }
0x46: {  	s12 =	sshll.u32 @!p1 s12, $0x6;
	[sflag:s14] =	ssyncset.done @p1 $0x0;
	s16 =	rddreg [dreg:$0x15]  }
0x47: {  	s12 =	sor.u32 @!p1 $0x1C05, s12;
	[sflag:s14] =	ssyncadd.s32 @p1 $0xFFFFFFB0;
	s14 =	rddreg [dreg:$0x9]  }
0x48: {  	[spmem:s16], [sflag:s12] =	dma.local @!p1 [hbm:s14], $0x4E0  }
0x49: {  	s14 =	simm.s32 @!p1 $0x5  }
0x4a: {  	_ =	swait.ge @!p1 [sflag:s14], $0x4E0  }
0x4b: {  	[sflag:s14] =	ssyncset.done @!p1 $0x0  }
0x4c: {  	s16 =	sshrl.u32 @!p1 s11, $0x3;
	s19 =	rddreg [dreg:$0xa];
	[sflag:s14] =	ssyncadd.s32 @!p1 $0xFFFFFB20  }
0x4d: {  	[spmem:s16], [sflag:s12] =	dma.local @!p1 [hbm:s19], $0x4E0  }
0x4e: {  	_ =	swait.ge @!p1 [sflag:s14], $0x4E0  }
0x4f: {  	[sflag:s14] =	ssyncset.done @!p1 $0x0  }
0x50: {  	s16 =	sshrl.u32 @!p1 s13, $0x3;
	s19 =	rddreg [dreg:$0xb];
	[sflag:s14] =	ssyncadd.s32 @!p1 $0xFFFFFB20  }
0x51: {  	[spmem:s16], [sflag:s12] =	dma.local @!p1 [hbm:s19], $0x4E  }
0x52: {  	_ =	swait.ge @!p1 [sflag:s14], $0x4E  }
0x53: {  	[sflag:s14] =	ssyncset.done @!p1 $0x0  }
0x54: {  	[sflag:s14] =	ssyncadd.s32 @!p1 $0xFFFFFFB2  }
0x55: {  	[tilespmem:$0x7F00] =	vst v0  }
0x56: {  	[tilespmem:$0x7F10] =	vst v0  }
0x57: {  	[tilespmem:$0x7F20] =	vst v0  }
0x58: {  	[tilespmem:$0x7F30] =	vst v0  }
0x59: {  	[tilespmem:$0x7F40] =	vst v0  }
0x5a: {  	[tilespmem:$0x7F50] =	vst v0  }
0x5b: {  	[tilespmem:$0x7F60] =	vst v0  }
0x5c: {  	[tilespmem:$0x7F70] =	vst v0  }
0x5d: {  	_ =	swait.ge [sflag:s31], $0x2700  }
0x5e: {  	[sflag:s31] =	ssyncset.done $0x0  }
0x5f: {  	[sflag:s31] =	ssyncadd.s32 $0xFFFFD900  }
0x60: {  	_ =	swait.ge [sflag:s31], $0x2700  }
0x61: {  	[sflag:s31] =	ssyncset.done $0x0  }
0x62: {  	[sflag:s31] =	ssyncadd.s32 $0xFFFFD900  }
0x63: {  	_ =	swait.ge [sflag:s31], $0x80  }
0x64: {  	[sflag:s31] =	ssyncset.done $0x0  }
0x65: {  	[sflag:s31] =	ssyncadd.s32 $0xFFFFFF80  }
0x66: {  	_ =	swait.ge [sflag:s31], $0x80  }
0x67: {  	[sflag:s31] =	ssyncset.done $0x0  }
0x68: {  	[sflag:s31] =	ssyncadd.s32 $0xFFFFFF80  }
0x69: {  	s19 =	simm.s32 $0x0;
	[bflag:$0x0] =	sbarrier.arrive $0xFFFF  }
0x6a: {  	[tilespmem:s21], [sflag:$0x2] =	stream.indirect.gather [spmem:s1], $0x10, s19, s0, $0xb8;
	[tilespmem:$0xD018] =	vst v63  }
0x6b: {  	s20 =	simm.s32 $0x80  }
0x6c: {  	[tilespmem:s22], [sflag:$0x2] =	stream.indirect.gather [spmem:s1], $0x10, s20, s0, $0xb8;
	[tilespmem:$0xD018] =	vst v63  }
0x6d: {  	s23 =	simm.s32 $0x100  }
0x6e: {  	[tilespmem:s28], [sflag:$0x2] =	stream.indirect.gather [spmem:s1], $0x10, s23, s0, $0xb8;
	[tilespmem:$0xD018] =	vst v63  }
0x6f: {  	s24 =	simm.s32 $0x180  }
0x70: {  	[tilespmem:s15], [sflag:$0x2] =	stream.indirect.gather [spmem:s1], $0x10, s24, s0, $0xb8;
	[tilespmem:$0xD018] =	vst v63  }
0x71: {  	s30 =	simm.s32 $0x200  }
0x72: {  	[tilespmem:s17], [sflag:$0x2] =	stream.indirect.gather [spmem:s1], $0x10, s30, s0, $0xb8;
	[tilespmem:$0xD018] =	vst v63  }
0x73: {  	s14 =	simm.s32 $0x280  }
0x74: {  	[tilespmem:s29], [sflag:$0x2] =	stream.indirect.gather [spmem:s1], $0x10, s14, s0, $0xb8;
	[tilespmem:$0xD018] =	vst v63  }
0x75: {  	s16 =	simm.s32 $0x2780  }
0x76: {  	[spmem:s4] =	stream.indirect.scatter.add.f32 [tilespmem:s2], [sflag:$0x3], $0x1, s16, s0, $0xb8;
	[tilespmem:$0xD018] =	vst v63  }
0x77: {  	s19 =	simm.s32 $0x2800  }
0x78: {  	[spmem:s4] =	stream.indirect.scatter.add.f32 [tilespmem:s2], [sflag:$0x3], $0x1, s19, s0, $0xb8;
	[tilespmem:$0xD018] =	vst v63  }
0x79: {  	s23 =	simm.s32 $0x2880  }
0x7a: {  	[spmem:s4] =	stream.indirect.scatter.add.f32 [tilespmem:s2], [sflag:$0x3], $0x1, s23, s0, $0xb8;
	[tilespmem:$0xD018] =	vst v63  }
0x7b: {  	s24 =	simm.s32 $0x2900  }
0x7c: {  	[spmem:s4] =	stream.indirect.scatter.add.f32 [tilespmem:s2], [sflag:$0x3], $0x1, s24, s0, $0xb8;
	[tilespmem:$0xD018] =	vst v63  }
0x7d: {  	s20 =	simm.s32 $0x2980  }
0x7e: {  	[spmem:s4] =	stream.indirect.scatter.add.f32 [tilespmem:s2], [sflag:$0x3], $0x1, s20, s0, $0xb8;
	[tilespmem:$0xD018] =	vst v63  }
0x7f: {  	s30 =	simm.s32 $0x2A00  }
0x80: {  	[spmem:s4] =	stream.indirect.scatter.add.f32 [tilespmem:s2], [sflag:$0x3], $0x1, s30, s0, $0xb8;
	[tilespmem:$0xD018] =	vst v63  }
0x81: {  	_ =	swait.ge [sflag:s6], $0x800  }
0x82: {  	[sflag:s6] =	ssyncset.done $0x0  }
0x83: {  	[sflag:s6] =	ssyncadd.s32 $0xFFFFF800  }
0x84: {  	[spmem:s3] =	stream.indirect.scatter.add.f32 [tilespmem:s21], [sflag:$0x4], $0x10, s16, s0, $0xb8;
	[tilespmem:$0xD018] =	vst v63  }
0x85: {  	_ =	swait.ge [sflag:s6], $0x800  }
0x86: {  	[sflag:s6] =	ssyncset.done $0x0  }
0x87: {  	[sflag:s6] =	ssyncadd.s32 $0xFFFFF800  }
0x88: {  	[spmem:s3] =	stream.indirect.scatter.add.f32 [tilespmem:s22], [sflag:$0x4], $0x10, s19, s0, $0xb8;
	[tilespmem:$0xD018] =	vst v63  }
0x89: {  	_ =	swait.ge [sflag:s6], $0x800  }
0x8a: {  	[sflag:s6] =	ssyncset.done $0x0  }
0x8b: {  	[sflag:s6] =	ssyncadd.s32 $0xFFFFF800  }
0x8c: {  	[spmem:s3] =	stream.indirect.scatter.add.f32 [tilespmem:s28], [sflag:$0x4], $0x10, s23, s0, $0xb8;
	[tilespmem:$0xD018] =	vst v63  }
0x8d: {  	_ =	swait.ge [sflag:s6], $0x800  }
0x8e: {  	[sflag:s6] =	ssyncset.done $0x0  }
0x8f: {  	[sflag:s6] =	ssyncadd.s32 $0xFFFFF800  }
0x90: {  	[spmem:s3] =	stream.indirect.scatter.add.f32 [tilespmem:s15], [sflag:$0x4], $0x10, s24, s0, $0xb8;
	[tilespmem:$0xD018] =	vst v63  }
0x91: {  	_ =	swait.ge [sflag:s6], $0x800  }
0x92: {  	[sflag:s6] =	ssyncset.done $0x0  }
0x93: {  	[sflag:s6] =	ssyncadd.s32 $0xFFFFF800  }
0x94: {  	[spmem:s3] =	stream.indirect.scatter.add.f32 [tilespmem:s17], [sflag:$0x4], $0x10, s20, s0, $0xb8;
	[tilespmem:$0xD018] =	vst v63  }
0x95: {  	_ =	swait.ge [sflag:s6], $0x800  }
0x96: {  	[sflag:s6] =	ssyncset.done $0x0  }
0x97: {  	[sflag:s6] =	ssyncadd.s32 $0xFFFFF800  }
0x98: {  	[spmem:s3] =	stream.indirect.scatter.add.f32 [tilespmem:s29], [sflag:$0x4], $0x10, s30, s0, $0xb8;
	[tilespmem:$0xD018] =	vst v63  }
0x99: {  	_ =	swait.ge [sflag:s7], $0x80  }
0x9a: {  	[sflag:s7] =	ssyncset.done $0x0  }
0x9b: {  	[sflag:s7] =	ssyncadd.s32 $0xFFFFFF80  }
0x9c: {  	_ =	swait.ge [sflag:s7], $0x80  }
0x9d: {  	[sflag:s7] =	ssyncset.done $0x0  }
0x9e: {  	[sflag:s7] =	ssyncadd.s32 $0xFFFFFF80  }
0x9f: {  	_ =	swait.ge [sflag:s7], $0x80  }
0xa0: {  	[sflag:s7] =	ssyncset.done $0x0  }
0xa1: {  	[sflag:s7] =	ssyncadd.s32 $0xFFFFFF80  }
0xa2: {  	_ =	swait.ge [sflag:s7], $0x80  }
0xa3: {  	[sflag:s7] =	ssyncset.done $0x0  }
0xa4: {  	[sflag:s7] =	ssyncadd.s32 $0xFFFFFF80  }
0xa5: {  	_ =	swait.ge [sflag:s7], $0x80  }
0xa6: {  	[sflag:s7] =	ssyncset.done $0x0  }
0xa7: {  	[sflag:s7] =	ssyncadd.s32 $0xFFFFFF80  }
0xa8: {  	_ =	swait.ge [sflag:s7], $0x80  }
0xa9: {  	[sflag:s7] =	ssyncset.done $0x0  }
0xaa: {  	[sflag:s7] =	ssyncadd.s32 $0xFFFFFF80  }
0xab: {  	_ =	swait.ge [sflag:s8], $0x800  }
0xac: {  	[sflag:s8] =	ssyncset.done $0x0  }
0xad: {  	[sflag:s8] =	ssyncadd.s32 $0xFFFFF800  }
0xae: {  	_ =	swait.ge [sflag:s8], $0x800  }
0xaf: {  	[sflag:s8] =	ssyncset.done $0x0  }
0xb0: {  	[sflag:s8] =	ssyncadd.s32 $0xFFFFF800  }
0xb1: {  	_ =	swait.ge [sflag:s8], $0x800  }
0xb2: {  	[sflag:s8] =	ssyncset.done $0x0  }
0xb3: {  	[sflag:s8] =	ssyncadd.s32 $0xFFFFF800  }
0xb4: {  	_ =	swait.ge [sflag:s8], $0x800  }
0xb5: {  	[sflag:s8] =	ssyncset.done $0x0  }
0xb6: {  	[sflag:s8] =	ssyncadd.s32 $0xFFFFF800  }
0xb7: {  	_ =	swait.ge [sflag:s8], $0x800  }
0xb8: {  	[sflag:s8] =	ssyncset.done $0x0  }
0xb9: {  	[sflag:s8] =	ssyncadd.s32 $0xFFFFF800  }
0xba: {  	_ =	swait.ge [sflag:s8], $0x800  }
0xbb: {  	s12 =	simm.s32 $0xC00;
	s14 =	simm.s32 $0x1800;
	[sflag:s8] =	ssyncset.done $0x0  }
.LBB2_2:
0xbc: {  	s19 =	sshra.s32 s12, $0x2  }
0xbd: {  	[sflag:s8] =	ssyncadd.s32 $0xFFFFF800;
	s12 =	smov.u32 s14;
	s16 =	sadd.s32 $0xC00, s14  }
0xbe: {  	[tilespmem:s21], [sflag:$0x2] =	stream.indirect.gather [spmem:s1], $0x10, s19, s0, $0xb8;
	[tilespmem:$0xD018] =	vst v63  }
0xbf: {  	p2 =	sne.s32 s14, $0x9000;
	s14 =	sadd.s32 $0x80, s19  }
0xc0: {  	[tilespmem:s22], [sflag:$0x2] =	stream.indirect.gather [spmem:s1], $0x10, s14, s0, $0xb8;
	[tilespmem:$0xD018] =	vst v63  }
0xc1: {  	s14 =	sadd.s32 $0x100, s19  }
0xc2: {  	[tilespmem:s28], [sflag:$0x2] =	stream.indirect.gather [spmem:s1], $0x10, s14, s0, $0xb8;
	[tilespmem:$0xD018] =	vst v63  }
0xc3: {  	s14 =	sadd.s32 $0x180, s19  }
0xc4: {  	[tilespmem:s15], [sflag:$0x2] =	stream.indirect.gather [spmem:s1], $0x10, s14, s0, $0xb8;
	[tilespmem:$0xD018] =	vst v63  }
0xc5: {  	s14 =	sadd.s32 $0x200, s19  }
0xc6: {  	[tilespmem:s17], [sflag:$0x2] =	stream.indirect.gather [spmem:s1], $0x10, s14, s0, $0xb8;
	[tilespmem:$0xD018] =	vst v63  }
0xc7: {  	s14 =	sadd.s32 $0x280, s19  }
0xc8: {  	[tilespmem:s29], [sflag:$0x2] =	stream.indirect.gather [spmem:s1], $0x10, s14, s0, $0xb8;
	[tilespmem:$0xD018] =	vst v63  }
0xc9: {  	s14 =	sadd.s32 $0x2780, s19  }
0xca: {  	[spmem:s4] =	stream.indirect.scatter.add.f32 [tilespmem:s2], [sflag:$0x3], $0x1, s14, s0, $0xb8;
	[tilespmem:$0xD018] =	vst v63  }
0xcb: {  	s20 =	sadd.s32 $0x2800, s19  }
0xcc: {  	[spmem:s4] =	stream.indirect.scatter.add.f32 [tilespmem:s2], [sflag:$0x3], $0x1, s20, s0, $0xb8;
	[tilespmem:$0xD018] =	vst v63  }
0xcd: {  	s30 =	sadd.s32 $0x2880, s19  }
0xce: {  	[spmem:s4] =	stream.indirect.scatter.add.f32 [tilespmem:s2], [sflag:$0x3], $0x1, s30, s0, $0xb8;
	[tilespmem:$0xD018] =	vst v63  }
0xcf: {  	s23 =	sadd.s32 $0x2900, s19  }
0xd0: {  	[spmem:s4] =	stream.indirect.scatter.add.f32 [tilespmem:s2], [sflag:$0x3], $0x1, s23, s0, $0xb8;
	[tilespmem:$0xD018] =	vst v63  }
0xd1: {  	s24 =	sadd.s32 $0x2980, s19  }
0xd2: {  	[spmem:s4] =	stream.indirect.scatter.add.f32 [tilespmem:s2], [sflag:$0x3], $0x1, s24, s0, $0xb8;
	[tilespmem:$0xD018] =	vst v63  }
0xd3: {  	s19 =	sadd.s32 $0x2A00, s19  }
0xd4: {  	[spmem:s4] =	stream.indirect.scatter.add.f32 [tilespmem:s2], [sflag:$0x3], $0x1, s19, s0, $0xb8;
	[tilespmem:$0xD018] =	vst v63  }
0xd5: {  	_ =	swait.ge [sflag:s6], $0x800  }
0xd6: {  	[sflag:s6] =	ssyncset.done $0x0  }
0xd7: {  	[sflag:s6] =	ssyncadd.s32 $0xFFFFF800  }
0xd8: {  	[spmem:s3] =	stream.indirect.scatter.add.f32 [tilespmem:s21], [sflag:$0x4], $0x10, s14, s0, $0xb8;
	[tilespmem:$0xD018] =	vst v63  }
0xd9: {  	_ =	swait.ge [sflag:s6], $0x800  }
0xda: {  	[sflag:s6] =	ssyncset.done $0x0  }
0xdb: {  	[sflag:s6] =	ssyncadd.s32 $0xFFFFF800  }
0xdc: {  	[spmem:s3] =	stream.indirect.scatter.add.f32 [tilespmem:s22], [sflag:$0x4], $0x10, s20, s0, $0xb8;
	[tilespmem:$0xD018] =	vst v63  }
0xdd: {  	_ =	swait.ge [sflag:s6], $0x800  }
0xde: {  	[sflag:s6] =	ssyncset.done $0x0  }
0xdf: {  	[sflag:s6] =	ssyncadd.s32 $0xFFFFF800  }
0xe0: {  	[spmem:s3] =	stream.indirect.scatter.add.f32 [tilespmem:s28], [sflag:$0x4], $0x10, s30, s0, $0xb8;
	[tilespmem:$0xD018] =	vst v63  }
0xe1: {  	_ =	swait.ge [sflag:s6], $0x800  }
0xe2: {  	[sflag:s6] =	ssyncset.done $0x0  }
0xe3: {  	[sflag:s6] =	ssyncadd.s32 $0xFFFFF800  }
0xe4: {  	[spmem:s3] =	stream.indirect.scatter.add.f32 [tilespmem:s15], [sflag:$0x4], $0x10, s23, s0, $0xb8;
	[tilespmem:$0xD018] =	vst v63  }
0xe5: {  	_ =	swait.ge [sflag:s6], $0x800  }
0xe6: {  	[sflag:s6] =	ssyncset.done $0x0  }
0xe7: {  	[sflag:s6] =	ssyncadd.s32 $0xFFFFF800  }
0xe8: {  	[spmem:s3] =	stream.indirect.scatter.add.f32 [tilespmem:s17], [sflag:$0x4], $0x10, s24, s0, $0xb8;
	[tilespmem:$0xD018] =	vst v63  }
0xe9: {  	_ =	swait.ge [sflag:s6], $0x800  }
0xea: {  	[sflag:s6] =	ssyncset.done $0x0  }
0xeb: {  	[sflag:s6] =	ssyncadd.s32 $0xFFFFF800  }
0xec: {  	[spmem:s3] =	stream.indirect.scatter.add.f32 [tilespmem:s29], [sflag:$0x4], $0x10, s19, s0, $0xb8;
	[tilespmem:$0xD018] =	vst v63  }
0xed: {  	_ =	swait.ge [sflag:s7], $0x80  }
0xee: {  	[sflag:s7] =	ssyncset.done $0x0  }
0xef: {  	[sflag:s7] =	ssyncadd.s32 $0xFFFFFF80  }
0xf0: {  	_ =	swait.ge [sflag:s7], $0x80  }
0xf1: {  	[sflag:s7] =	ssyncset.done $0x0  }
0xf2: {  	[sflag:s7] =	ssyncadd.s32 $0xFFFFFF80  }
0xf3: {  	_ =	swait.ge [sflag:s7], $0x80  }
0xf4: {  	[sflag:s7] =	ssyncset.done $0x0  }
0xf5: {  	[sflag:s7] =	ssyncadd.s32 $0xFFFFFF80  }
0xf6: {  	_ =	swait.ge [sflag:s7], $0x80  }
0xf7: {  	[sflag:s7] =	ssyncset.done $0x0  }
0xf8: {  	[sflag:s7] =	ssyncadd.s32 $0xFFFFFF80  }
0xf9: {  	_ =	swait.ge [sflag:s7], $0x80  }
0xfa: {  	[sflag:s7] =	ssyncset.done $0x0  }
0xfb: {  	[sflag:s7] =	ssyncadd.s32 $0xFFFFFF80  }
0xfc: {  	_ =	swait.ge [sflag:s7], $0x80  }
0xfd: {  	[sflag:s7] =	ssyncset.done $0x0  }
0xfe: {  	[sflag:s7] =	ssyncadd.s32 $0xFFFFFF80  }
0xff: {  	_ =	swait.ge [sflag:s8], $0x800  }
0x100: {  	[sflag:s8] =	ssyncset.done $0x0  }
0x101: {  	[sflag:s8] =	ssyncadd.s32 $0xFFFFF800  }
0x102: {  	_ =	swait.ge [sflag:s8], $0x800  }
0x103: {  	[sflag:s8] =	ssyncset.done $0x0  }
0x104: {  	[sflag:s8] =	ssyncadd.s32 $0xFFFFF800  }
0x105: {  	_ =	swait.ge [sflag:s8], $0x800  }
0x106: {  	[sflag:s8] =	ssyncset.done $0x0  }
0x107: {  	[sflag:s8] =	ssyncadd.s32 $0xFFFFF800  }
0x108: {  	_ =	swait.ge [sflag:s8], $0x800  }
0x109: {  	[sflag:s8] =	ssyncset.done $0x0  }
0x10a: {  	[sflag:s8] =	ssyncadd.s32 $0xFFFFF800  }
.Ltmp2:
0x10b: {  	_ =	swait.ge [sflag:s8], $0x800;
	(pc) =	sbr.rel @p2 .LBB2_2-.Ltmp2, $4  }
0x10c: {  	[sflag:s8] =	ssyncset.done $0x0  }
0x10d: {  	[sflag:s8] =	ssyncadd.s32 $0xFFFFF800  }
0x10e: {  	_ =	swait.ge [sflag:s8], $0x800  }
0x10f: {  	s14 =	smov.u32 s16;
	[sflag:s8] =	ssyncset.done $0x0  }
0x110: {  	s12 =	sshra.s32 s12, $0x2;
	[sflag:s8] =	ssyncadd.s32 $0xFFFFF800  }
0x111: {  	[tilespmem:s21], [sflag:$0x2] =	stream.indirect.gather [spmem:s1], $0x10, s12, s0, $0xb8;
	[tilespmem:$0xD018] =	vst v63  }
0x112: {  	s14 =	sadd.s32 $0x80, s12  }
0x113: {  	[tilespmem:s22], [sflag:$0x2] =	stream.indirect.gather [spmem:s1], $0x10, s14, s0, $0xb8;
	[tilespmem:$0xD018] =	vst v63  }
0x114: {  	s19 =	sadd.s32 $0x100, s12  }
0x115: {  	[tilespmem:s28], [sflag:$0x2] =	stream.indirect.gather [spmem:s1], $0x10, s19, s0, $0xb8;
	[tilespmem:$0xD018] =	vst v63  }
0x116: {  	s20 =	sadd.s32 $0x180, s12  }
0x117: {  	[tilespmem:s15], [sflag:$0x2] =	stream.indirect.gather [spmem:s1], $0x10, s20, s0, $0xb8;
	[tilespmem:$0xD018] =	vst v63  }
0x118: {  	s23 =	sadd.s32 $0x200, s12  }
0x119: {  	[tilespmem:s17], [sflag:$0x2] =	stream.indirect.gather [spmem:s1], $0x10, s23, s0, $0xb8;
	[tilespmem:$0xD018] =	vst v63  }
0x11a: {  	s24 =	sadd.s32 $0x280, s12  }
0x11b: {  	[tilespmem:s29], [sflag:$0x2] =	stream.indirect.gather [spmem:s1], $0x10, s24, s0, $0xb8;
	[tilespmem:$0xD018] =	vst v63  }
0x11c: {  	s30 =	sadd.s32 $0x2780, s12  }
0x11d: {  	[spmem:s4] =	stream.indirect.scatter.add.f32 [tilespmem:s2], [sflag:$0x3], $0x1, s30, s0, $0xb8;
	[tilespmem:$0xD018] =	vst v63  }
0x11e: {  	s16 =	sadd.s32 $0x2800, s12  }
0x11f: {  	[spmem:s4] =	stream.indirect.scatter.add.f32 [tilespmem:s2], [sflag:$0x3], $0x1, s16, s0, $0xb8;
	[tilespmem:$0xD018] =	vst v63  }
0x120: {  	s19 =	sadd.s32 $0x2880, s12  }
0x121: {  	[spmem:s4] =	stream.indirect.scatter.add.f32 [tilespmem:s2], [sflag:$0x3], $0x1, s19, s0, $0xb8;
	[tilespmem:$0xD018] =	vst v63  }
0x122: {  	s20 =	sadd.s32 $0x2900, s12  }
0x123: {  	[spmem:s4] =	stream.indirect.scatter.add.f32 [tilespmem:s2], [sflag:$0x3], $0x1, s20, s0, $0xb8;
	[tilespmem:$0xD018] =	vst v63  }
0x124: {  	s23 =	sadd.s32 $0x2980, s12  }
0x125: {  	[spmem:s4] =	stream.indirect.scatter.add.f32 [tilespmem:s2], [sflag:$0x3], $0x1, s23, s0, $0xb8;
	[tilespmem:$0xD018] =	vst v63  }
0x126: {  	s12 =	sadd.s32 $0x2A00, s12  }
0x127: {  	[spmem:s4] =	stream.indirect.scatter.add.f32 [tilespmem:s2], [sflag:$0x3], $0x1, s12, s0, $0xb8;
	[tilespmem:$0xD018] =	vst v63  }
0x128: {  	_ =	swait.ge [sflag:s6], $0x800  }
0x129: {  	[sflag:s6] =	ssyncset.done $0x0  }
0x12a: {  	[sflag:s6] =	ssyncadd.s32 $0xFFFFF800  }
0x12b: {  	[spmem:s3] =	stream.indirect.scatter.add.f32 [tilespmem:s21], [sflag:$0x4], $0x10, s30, s0, $0xb8;
	[tilespmem:$0xD018] =	vst v63  }
0x12c: {  	_ =	swait.ge [sflag:s6], $0x800  }
0x12d: {  	[sflag:s6] =	ssyncset.done $0x0  }
0x12e: {  	[sflag:s6] =	ssyncadd.s32 $0xFFFFF800  }
0x12f: {  	[spmem:s3] =	stream.indirect.scatter.add.f32 [tilespmem:s22], [sflag:$0x4], $0x10, s16, s0, $0xb8;
	[tilespmem:$0xD018] =	vst v63  }
0x130: {  	_ =	swait.ge [sflag:s6], $0x800  }
0x131: {  	[sflag:s6] =	ssyncset.done $0x0  }
0x132: {  	[sflag:s6] =	ssyncadd.s32 $0xFFFFF800  }
0x133: {  	[spmem:s3] =	stream.indirect.scatter.add.f32 [tilespmem:s28], [sflag:$0x4], $0x10, s19, s0, $0xb8;
	[tilespmem:$0xD018] =	vst v63  }
0x134: {  	_ =	swait.ge [sflag:s6], $0x800  }
0x135: {  	[sflag:s6] =	ssyncset.done $0x0  }
0x136: {  	[sflag:s6] =	ssyncadd.s32 $0xFFFFF800  }
0x137: {  	[spmem:s3] =	stream.indirect.scatter.add.f32 [tilespmem:s15], [sflag:$0x4], $0x10, s20, s0, $0xb8;
	[tilespmem:$0xD018] =	vst v63  }
0x138: {  	_ =	swait.ge [sflag:s6], $0x800  }
0x139: {  	[sflag:s6] =	ssyncset.done $0x0  }
0x13a: {  	[sflag:s6] =	ssyncadd.s32 $0xFFFFF800  }
0x13b: {  	[spmem:s3] =	stream.indirect.scatter.add.f32 [tilespmem:s17], [sflag:$0x4], $0x10, s23, s0, $0xb8;
	[tilespmem:$0xD018] =	vst v63  }
0x13c: {  	_ =	swait.ge [sflag:s6], $0x800  }
0x13d: {  	[sflag:s6] =	ssyncset.done $0x0  }
0x13e: {  	[sflag:s6] =	ssyncadd.s32 $0xFFFFF800  }
0x13f: {  	[spmem:s3] =	stream.indirect.scatter.add.f32 [tilespmem:s29], [sflag:$0x4], $0x10, s12, s0, $0xb8;
	[tilespmem:$0xD018] =	vst v63  }
0x140: {  	_ =	swait.ge [sflag:s7], $0x80  }
0x141: {  	[sflag:s7] =	ssyncset.done $0x0  }
0x142: {  	[sflag:s7] =	ssyncadd.s32 $0xFFFFFF80  }
0x143: {  	_ =	swait.ge [sflag:s7], $0x80  }
0x144: {  	[sflag:s7] =	ssyncset.done $0x0  }
0x145: {  	[sflag:s7] =	ssyncadd.s32 $0xFFFFFF80  }
0x146: {  	_ =	swait.ge [sflag:s7], $0x80  }
0x147: {  	[sflag:s7] =	ssyncset.done $0x0  }
0x148: {  	[sflag:s7] =	ssyncadd.s32 $0xFFFFFF80  }
0x149: {  	_ =	swait.ge [sflag:s7], $0x80  }
0x14a: {  	[sflag:s7] =	ssyncset.done $0x0  }
0x14b: {  	[sflag:s7] =	ssyncadd.s32 $0xFFFFFF80  }
0x14c: {  	_ =	swait.ge [sflag:s7], $0x80  }
0x14d: {  	[sflag:s7] =	ssyncset.done $0x0  }
0x14e: {  	[sflag:s7] =	ssyncadd.s32 $0xFFFFFF80  }
0x14f: {  	_ =	swait.ge [sflag:s7], $0x80  }
0x150: {  	[sflag:s7] =	ssyncset.done $0x0  }
0x151: {  	[sflag:s7] =	ssyncadd.s32 $0xFFFFFF80  }
0x152: {  	_ =	swait.ge [sflag:s8], $0x800  }
0x153: {  	[sflag:s8] =	ssyncset.done $0x0  }
0x154: {  	[sflag:s8] =	ssyncadd.s32 $0xFFFFF800  }
0x155: {  	_ =	swait.ge [sflag:s8], $0x800  }
0x156: {  	[sflag:s8] =	ssyncset.done $0x0  }
0x157: {  	[sflag:s8] =	ssyncadd.s32 $0xFFFFF800  }
0x158: {  	_ =	swait.ge [sflag:s8], $0x800  }
0x159: {  	[sflag:s8] =	ssyncset.done $0x0  }
0x15a: {  	[sflag:s8] =	ssyncadd.s32 $0xFFFFF800  }
0x15b: {  	_ =	swait.ge [sflag:s8], $0x800  }
0x15c: {  	[sflag:s8] =	ssyncset.done $0x0  }
0x15d: {  	[sflag:s8] =	ssyncadd.s32 $0xFFFFF800  }
0x15e: {  	_ =	swait.ge [sflag:s8], $0x800  }
.Ltmp3:
0x15f: {  	[sflag:s8] =	ssyncset.done $0x0;
	(pc) =	sbr.rel @p0 .LBB2_5-.Ltmp3, $4  }
0x160: {  	[sflag:s8] =	ssyncadd.s32 $0xFFFFF800  }
0x161: {  	_ =	swait.ge [sflag:s8], $0x800  }
0x162: {  	[sflag:s8] =	ssyncset.done $0x0  }
0x163: {  	[sflag:s8] =	ssyncadd.s32 $0xFFFFF800  }
0x164: {  	s12 =	simm.s32 $0x2700  }
0x165: {  	[tilespmem:s21], [sflag:$0x2] =	stream.indirect.gather [spmem:s1], $0x10, s12, s0, $0xb8;
	[tilespmem:$0xD018] =	vst v63  }
0x166: {  	s30 =	simm.s32 $0x4E80  }
0x167: {  	[spmem:s4] =	stream.indirect.scatter.add.f32 [tilespmem:s2], [sflag:$0x3], $0x1, s30, s0, $0xb8;
	[tilespmem:$0xD018] =	vst v63  }
0x168: {  	_ =	swait.ge [sflag:s6], $0x800  }
0x169: {  	[sflag:s6] =	ssyncset.done $0x0  }
0x16a: {  	[sflag:s6] =	ssyncadd.s32 $0xFFFFF800  }
0x16b: {  	[spmem:s3] =	stream.indirect.scatter.add.f32 [tilespmem:s21], [sflag:$0x4], $0x10, s30, s0, $0xb8;
	[tilespmem:$0xD018] =	vst v63  }
0x16c: {  	_ =	swait.ge [sflag:s7], $0x80  }
0x16d: {  	[sflag:s7] =	ssyncset.done $0x0  }
0x16e: {  	[sflag:s7] =	ssyncadd.s32 $0xFFFFFF80  }
.Ltmp4:
0x16f: {  	_ =	swait.ge [sflag:s8], $0x800;
	(pc) =	sbr.rel .LBB2_6-.Ltmp4, $4  }
0x170: {  	[sflag:s8] =	ssyncset.done $0x0  }
0x171: {  	[sflag:s8] =	ssyncadd.s32 $0xFFFFF800  }
0x172: {  	[bflag:$0x0] =	sbarrier.arrive $0xFFFF  }
0x173: {  	s25 =	simm.s32 $0x4E80  }
.LBB2_5:
.Ltmp5:
0x174: {  	(pc) =	sbr.rel @p1 .LBB2_7-.Ltmp5, $2  }
0x175: {  	_ =	sdelay $0x1  }
0x176: {  	[bflag:$0x0] =	sbarrier.arrive $0xFFFF;
	_ =	sdelay $0x1  }
.LBB2_6:
0x177: {  	s12 =	stileid.u32  }
0x178: {  	s12 =	sshll.u32 s12, $0x6  }
0x179: {  	s14 =	sshrl.u32 s11, $0x3;
	s16 =	rddreg [dreg:$0xc];
	s12 =	sor.u32 $0x1C05, s12  }
0x17a: {  	[hbm:s16], [sflag:s12] =	dma.local [spmem:s14], $0x4E0  }
0x17b: {  	_ =	swait.ge [sflag:s9], $0x4E0  }
0x17c: {  	s24 =	sshrl.u32 s13, $0x3;
	[sflag:s9] =	ssyncset.done $0x0  }
.Ltmp6:
0x17d: {  	s30 =	rddreg [dreg:$0xe];
	[sflag:s9] =	ssyncadd.s32 $0xFFFFFB20;
	(pc) =	sbr.rel .LBB2_8-.Ltmp6, $4  }
0x17e: {  	[hbm:s30], [sflag:s12] =	dma.local [spmem:s24], $0x4E  }
0x17f: {  	_ =	swait.ge [sflag:s9], $0x4E  }
0x180: {  	[sflag:s9] =	ssyncset.done $0x0  }
0x181: {  	[sflag:s9] =	ssyncadd.s32 $0xFFFFFFB2  }
.LBB2_9:
0x182: {  	_ =	sfence.sel $0x180000  }
0x183: {  	[bflag:$0x0] =	sbarrier.arrive $0xFFFF  }
0x184: {  	_ =	strace $0x90000047  }
0x185: {  	s0 =	stileid.u32;
	[bflag:$0x2] =	sbarrier.arrive $0xFFFF  }
0x186: {  	p0 =	sne.s32 s0, $0x0;
	s0 =	rddreg [dreg:$0x4]  }
0x187: {  	s0 =	sadd.s32 @!p0 $0x100000, s0  }
0x188: {  	[sflag:s0] =	ssyncadd.tile.s32 @!p0 $0x1;
	_ =	shalt  }
.Lfunc_end2:
_tile_overlayer_lowered:
.L_overlay_start_2:
0x189: {  	(tag) =	ssettag $0x2  }
0x18a: {  	s0 =	rddreg [dreg:$0x0];
	s2 =	stileid.u32  }
0x18b: {  	s1 =	rddreg [dreg:$0x1];
	p0 =	sne.s32 s2, $0x0  }
0x18c: {  	s3 =	rddreg [dreg:$0x2];
	[bflag:$0x3] =	sbarrier.arrive $0xFFFF;
	s2 =	simm.s32 @!p0 $0x1C05  }
0x18d: {  	[timem:s3], [sflag:s2] =	dma.local @!p0 [hbm:s0], s1  }
0x18e: {  	s0 =	simm.s32 @!p0 $0x5  }
0x18f: {  	_ =	swait.ge @!p0 [sflag:s0], s1  }
0x190: {  	s1 =	ssub.s32 @!p0 $0x0, s1;
	[sflag:s0] =	ssyncset.done @!p0 $0x0  }
0x191: {  	[sflag:s0] =	ssyncadd.s32 @!p0 s1  }
0x192: {  	[bflag:$0x3] =	sbarrier.arrive $0xFFFF  }
0x193: {  	_ =	shalt  }

</sc_bundles>
